<compile_context>
chip_gen: v7x
topology: tpu7x:2x2x1
jax: 0.10.2.dev20260603
libtpu: 0.0.44.dev20260713+nightly
codegen_flags: <defaults>
</compile_context>

<pallas_src>
import functools

import jax
import jax.numpy as jnp
from jax import lax
from jax.experimental import pallas as pl
from jax.experimental.pallas import tpu as pltpu
from jax.experimental.pallas import tpu_sc as plsc

N = 10000
E = 320000
H = 128
NI = 16
D = 2 * H + NI

NC = 2
NS = 16
NW = NC * NS
L = 16

EPW = E // NW
CH = 25
NCHUNK = EPW // CH
NPH = 8
CPP = NCHUNK // NPH
DBLK = 16

FPW = E // NS
HCH = 125
NHCHUNK = FPW // HCH

_mesh = plsc.VectorSubcoreMesh(core_axis_name="c", subcore_axis_name="s")
_sc_params = pltpu.CompilerParams(needs_layout_passes=False)


@functools.partial(
    pl.kernel,
    out_type=jax.ShapeDtypeStruct((NC, N), jnp.float32),
    mesh=_mesh,
    scratch_types=[
        pltpu.VMEM((NHCHUNK, HCH), jnp.int32),
        pltpu.VMEM((HCH,), jnp.float32),
        pltpu.VMEM_SHARED((N,), jnp.float32),
        pltpu.SemaphoreType.DMA,
    ],
    compiler_params=_sc_params,
)
def _hist_kernel(idx_hbm, zeros_hbm, out_hbm, idx_v, ones_v, acc_sh, sem):
    cid = lax.axis_index("c")
    sid = lax.axis_index("s")

    @pl.when(sid == 0)
    def _():
        pltpu.sync_copy(zeros_hbm, acc_sh)

    for k in range(HCH // L):
        ones_v[pl.ds(k * L, L)] = jnp.full((L,), 1.0, jnp.float32)
    ones_v[pl.ds(HCH - L, L)] = jnp.full((L,), 1.0, jnp.float32)
    pltpu.sync_copy(idx_hbm.at[cid, sid], idx_v)
    plsc.subcore_barrier()

    def issue(i, carry):
        pltpu.async_copy(ones_v, acc_sh.at[idx_v.at[i]], sem, add=True)
        return carry

    lax.fori_loop(0, NHCHUNK, issue, 0)

    def drain(i, carry):
        pltpu.make_async_copy(ones_v, acc_sh.at[idx_v.at[0]], sem).wait()
        return carry

    lax.fori_loop(0, NHCHUNK, drain, 0)
    plsc.subcore_barrier()

    @pl.when(sid == 0)
    def _():
        pltpu.sync_copy(acc_sh, out_hbm.at[cid])


_EB = 8000
_NEB = E // _EB

def _edge_body(ea_ref, ge_ref, be_ref, w1e_ref, pe_ref, she_ref,
               acc_ref, w1s_ref):
    k = pl.program_id(0)

    @pl.when(k == 0)
    def _():
        acc_ref[...] = jnp.zeros_like(acc_ref)

    ea = ea_ref[...]

    @pl.when(k < _NEB)
    def _():
        acc_ref[0:1, :] += jnp.sum(ea, axis=0, keepdims=True)
        acc_ref[1:2, :] += jnp.sum(ea * ea, axis=0, keepdims=True)

    @pl.when(k == _NEB)
    def _():
        inv_e = 1.0 / E
        mean_e = acc_ref[0:1, :] * inv_e
        var_e = acc_ref[1:2, :] * inv_e - mean_e * mean_e
        scale_e = ge_ref[...] * jax.lax.rsqrt(var_e + 1e-5)
        she_ref[...] = be_ref[...] - mean_e * scale_e
        ii = jax.lax.broadcasted_iota(jnp.int32, (NI, NI), 0)
        jj = jax.lax.broadcasted_iota(jnp.int32, (NI, NI), 1)
        diag = jnp.where(ii == jj, 1.0, 0.0) * scale_e
        w1s_ref[...] = jnp.dot(diag, w1e_ref[...],
                               preferred_element_type=jnp.float32)

    @pl.when(k >= _NEB)
    def _():
        pe_ref[...] = jnp.dot(ea, w1s_ref[...],
                              preferred_element_type=jnp.float32)


def _edge_call(edge_attr, gamma_e, beta_e, w1e):
    return pl.pallas_call(
        _edge_body,
        grid=(2 * _NEB,),
        in_specs=[
            pl.BlockSpec((_EB, NI),
                         lambda k: (jnp.where(k < _NEB, k, k - _NEB), 0)),
            pl.BlockSpec((1, NI), lambda k: (0, 0)),
            pl.BlockSpec((1, NI), lambda k: (0, 0)),
            pl.BlockSpec((NI, H), lambda k: (0, 0)),
        ],
        out_specs=[
            pl.BlockSpec((_EB, H),
                         lambda k: (jnp.where(k < _NEB, 0, k - _NEB), 0)),
            pl.BlockSpec((1, NI), lambda k: (0, 0)),
        ],
        out_shape=[
            jax.ShapeDtypeStruct((E, H), jnp.float32),
            jax.ShapeDtypeStruct((1, NI), jnp.float32),
        ],
        scratch_shapes=[
            pltpu.VMEM((8, NI), jnp.float32),
            pltpu.VMEM((NI, H), jnp.float32),
        ],
    )(edge_attr, gamma_e, beta_e, w1e)


def _stats_body(cnt_ref, xs_ref, xr_ref, g_ref, b_ref, w1_ref, b1_ref,
                she_ref, ps_ref, pr_ref):
    cs = cnt_ref[0:1, :]
    cr = cnt_ref[1:2, :]
    xs = xs_ref[...]
    xr = xr_ref[...]
    inv_e = 1.0 / E

    sum_s = jnp.dot(cs, xs, preferred_element_type=jnp.float32)
    sumsq_s = jnp.dot(cs, xs * xs, preferred_element_type=jnp.float32)
    sum_r = jnp.dot(cr, xr, preferred_element_type=jnp.float32)
    sumsq_r = jnp.dot(cr, xr * xr, preferred_element_type=jnp.float32)
    mean_s = sum_s * inv_e
    var_s = sumsq_s * inv_e - mean_s * mean_s
    mean_r = sum_r * inv_e
    var_r = sumsq_r * inv_e - mean_r * mean_r

    scale_s = g_ref[:, :H] * jax.lax.rsqrt(var_s + 1e-5)
    scale_r = g_ref[:, H:2 * H] * jax.lax.rsqrt(var_r + 1e-5)
    shift_s = b_ref[:, :H] - mean_s * scale_s
    shift_r = b_ref[:, H:2 * H] - mean_r * scale_r
    shift = jnp.concatenate([shift_s, shift_r, she_ref[...]], axis=1)

    b1e = b1_ref[...] + jnp.dot(shift, w1_ref[...],
                                preferred_element_type=jnp.float32)
    ps_ref[...] = jnp.dot(xs * scale_s, w1_ref[:H, :],
                          preferred_element_type=jnp.float32) + b1e
    pr_ref[...] = jnp.dot(xr * scale_r, w1_ref[H:2 * H, :],
                          preferred_element_type=jnp.float32)


def _stats_call(counts, x_send, x_rec, gamma2, beta2, W1, b12, she):
    return pl.pallas_call(
        _stats_body,
        out_shape=[
            jax.ShapeDtypeStruct((N, H), jnp.float32),
            jax.ShapeDtypeStruct((N, H), jnp.float32),
        ],
    )(counts, x_send, x_rec, gamma2, beta2, W1, b12, she)


@functools.partial(
    pl.kernel,
    out_type=jax.ShapeDtypeStruct((NC, N, H), jnp.float32),
    mesh=_mesh,
    scratch_types=[
        pltpu.VMEM((CPP, CH), jnp.int32),
        pltpu.VMEM((CPP, CH), jnp.int32),
        pltpu.VMEM((CH, H), jnp.float32),
        pltpu.VMEM((CH, H), jnp.float32),
        pltpu.VMEM((CH, H), jnp.float32),
        pltpu.VMEM((CH, H), jnp.float32),
        pltpu.VMEM((CH, H), jnp.float32),
        pltpu.VMEM((CH, H), jnp.float32),
        pltpu.VMEM((CH, H), jnp.float32),
        pltpu.VMEM((CH, H), jnp.float32),
        pltpu.VMEM((3 * L,), jnp.int32),
        pltpu.VMEM((3 * L,), jnp.int32),
        pltpu.VMEM((DBLK, H), jnp.float32),
        pltpu.VMEM((H,), jnp.float32),
        pltpu.VMEM((L,), jnp.float32),
        pltpu.VMEM_SHARED((N, H), jnp.float32),
        pltpu.SemaphoreType.DMA,
        pltpu.SemaphoreType.DMA,
        pltpu.SemaphoreType.DMA,
        pltpu.SemaphoreType.DMA,
        pltpu.SemaphoreType.DMA,
        pltpu.SemaphoreType.DMA,
        pltpu.SemaphoreType.DMA,
        pltpu.SemaphoreType.DMA,
    ],
    compiler_params=_sc_params,
)
def _main_kernel(ps_hbm, pr_hbm, pe_hbm, is_hbm, ir_hbm, w2_hbm, b2_hbm,
                 zrow_hbm, out_hbm, is_v, ir_v, rs0, rs1, rr0, rr1, rpe0,
                 rpe1, ro0, ro1, pi0, pi1, dr_v, w2_v, b2_v, acc_sh,
                 sg00, sg01, sg02, sg10, sg11, sg12, ssc0, ssc1):
    cid = lax.axis_index("c")
    sid = lax.axis_index("s")
    wid = cid * NS + sid

    rs = (rs0, rs1)
    rr = (rr0, rr1)
    rpe = (rpe0, rpe1)
    ro = (ro0, ro1)
    pi = (pi0, pi1)
    sg = ((sg00, sg01, sg02), (sg10, sg11, sg12))
    ssc = (ssc0, ssc1)

    pltpu.sync_copy(zrow_hbm, ro0)
    zbase = sid * (N // NS)

    def zero_body(r, carry):
        pltpu.sync_copy(ro0, acc_sh.at[pl.ds(zbase + r * CH, CH)])
        return carry

    lax.fori_loop(0, (N // NS) // CH, zero_body, 0)
    if (N // NS) % CH:
        pltpu.sync_copy(ro0.at[pl.ds(0, (N // NS) % CH)],
                        acc_sh.at[pl.ds(zbase + ((N // NS) // CH) * CH,
                                        (N // NS) % CH)])

    pltpu.sync_copy(w2_hbm, w2_v)
    pltpu.sync_copy(b2_hbm, b2_v)
    plsc.subcore_barrier()

    b2v = b2_v[pl.ds(0, L)]

    def g_descs(p, ph, c):
        return (
            pltpu.make_async_copy(ps_hbm.at[is_v.at[c]], rs[p], sg[p][0]),
            pltpu.make_async_copy(pr_hbm.at[ir_v.at[c]], rr[p], sg[p][1]),
            pltpu.make_async_copy(pe_hbm.at[pi[p].at[pl.ds(0, CH)]], rpe[p],
                                  sg[p][2]),
        )

    def issue_gather(p, ph, c):
        eb = (wid * NPH + ph) * CPP * CH + c * CH
        iota = jax.lax.iota(jnp.int32, L)
        pi[p][pl.ds(0, L)] = iota + eb
        pi[p][pl.ds(L, L)] = iota + (eb + L)
        pi[p][pl.ds(2 * L, L)] = iota + (eb + 2 * L)
        for d in g_descs(p, ph, c):
            d.start()

    def wait_gather(p):
        for d in g_descs(p, 0, 0):
            d.wait()

    def issue_scatter(p, c):
        pltpu.async_copy(ro[p], acc_sh.at[ir_v.at[c]], ssc[p], add=True)

    def wait_scatter(p):
        pltpu.make_async_copy(ro[p], acc_sh.at[ir_v.at[0]], ssc[p]).wait()

    w2r = tuple(w2_v[pl.ds(j * L, L)] for j in range(H // L))

    def compute(p):
        rs_p, rr_p, rpe_p, ro_p = rs[p], rr[p], rpe[p], ro[p]

        @plsc.parallel_loop(0, CH)
        def _(e):
            acc = jnp.zeros((L,), jnp.float32)
            ms = []
            for j in range(H // L):
                sl = pl.ds(j * L, L)
                z = rs_p[e, sl] + rr_p[e, sl] + rpe_p[e, sl]
                m = z / (1.0 + jnp.exp(-z))
                ms.append(m)
                acc = acc + m * w2r[j]
            tv = jax.lax.broadcast(jnp.sum(acc), (L,)) + b2v
            w = 1.0 / (1.0 + jnp.exp(-tv))
            for j in range(H // L):
                ro_p[e, pl.ds(j * L, L)] = ms[j] * w

    def phase_body(ph, carry):
        @pl.when(ph > 0)
        def _():
            wait_scatter(0)
            wait_scatter(1)

        pltpu.sync_copy(is_hbm.at[wid, ph], is_v)
        pltpu.sync_copy(ir_hbm.at[wid, ph], ir_v)
        issue_gather(0, ph, 0)
        issue_gather(1, ph, 1)

        def pair_body(k, carry2):
            for p in (0, 1):
                c = 2 * k + p
                wait_gather(p)

                @pl.when(k > 0)
                def _():
                    wait_scatter(p)

                compute(p)
                issue_scatter(p, c)

                @pl.when(c + 2 < CPP)
                def _():
                    issue_gather(p, ph, c + 2)
            return carry2

        lax.fori_loop(0, CPP // 2, pair_body, 0)
        return carry

    lax.fori_loop(0, NPH, phase_body, 0)
    wait_scatter(0)
    wait_scatter(1)
    plsc.subcore_barrier()

    dbase = sid * 640

    def drain_body(r, carry):
        off = dbase + r * DBLK
        pltpu.sync_copy(acc_sh.at[pl.ds(off, DBLK)], dr_v)
        pltpu.sync_copy(dr_v, out_hbm.at[cid, pl.ds(off, DBLK)])
        return carry

    nblk = jnp.where(sid == NS - 1, (N - (NS - 1) * 640) // DBLK, 640 // DBLK)
    lax.fori_loop(0, nblk, drain_body, 0)


_NB = 2000

def _combine_body(p_ref, o_ref):
    o_ref[...] = p_ref[0] + p_ref[1]


def _combine_call(parts):
    return pl.pallas_call(
        _combine_body,
        grid=(N // _NB,),
        in_specs=[pl.BlockSpec((NC, _NB, H), lambda i: (0, i, 0))],
        out_specs=pl.BlockSpec((_NB, H), lambda i: (i, 0)),
        out_shape=jax.ShapeDtypeStruct((N, H), jnp.float32),
    )(parts)


@jax.jit
def kernel(x_send, x_rec, index, edge_attr, gamma, beta, W1, b1, W2, b2):
    gamma2 = gamma.reshape(1, D)
    beta2 = beta.reshape(1, D)
    pe, she = _edge_call(edge_attr, gamma2[:, 2 * H:], beta2[:, 2 * H:],
                         W1[2 * H:, :])

    idx3 = index.reshape(NC, NS, NHCHUNK, HCH)
    counts = _hist_kernel(idx3, jnp.zeros((N,), jnp.float32))

    p_send, p_rec = _stats_call(counts, x_send, x_rec, gamma2, beta2, W1,
                                b1.reshape(1, H), she)

    b2v = jnp.broadcast_to(b2.reshape(1), (L,)).astype(jnp.float32)
    parts = _main_kernel(
        p_send, p_rec, pe,
        index[0].reshape(NW, NPH, CPP, CH), index[1].reshape(NW, NPH, CPP, CH),
        W2[:, 0], b2v, jnp.zeros((CH, H), jnp.float32))
    return _combine_call(parts)

# --- scband reference (transcript-rebuilt; emitter-appended) ---
"""Pipeline reference for scband-etnnmessager-layer-60696477827106 (READ-ONLY COPY).

The authoritative reference and input builder live on the scoring server;
editing this copy changes nothing except your own understanding.
"""

import jax, jax.numpy as jnp
import numpy as np

N = 10000
E = 320000
H = 128
NI = 16
D = 2 * H + NI


def setup_inputs(seed: int = 0) -> dict:
    key = jax.random.key(seed)
    ks = jax.random.split(key, 8)
    x_send = jax.random.normal(ks[0], (N, H), dtype=jnp.float32)
    x_rec = jax.random.normal(ks[1], (N, H), dtype=jnp.float32)
    index = jax.random.randint(ks[2], (2, E), 0, N, dtype=jnp.int32)
    edge_attr = jax.random.normal(ks[3], (E, NI), dtype=jnp.float32)
    gamma = jnp.ones((D,), dtype=jnp.float32)
    beta = jnp.zeros((D,), dtype=jnp.float32)
    W1 = jax.random.normal(ks[4], (D, H), dtype=jnp.float32) / np.sqrt(D)
    b1 = jnp.zeros((H,), dtype=jnp.float32)
    W2 = jax.random.normal(ks[5], (H, 1), dtype=jnp.float32) / np.sqrt(H)
    b2 = jnp.zeros((1,), dtype=jnp.float32)
    return {"x_send": x_send, "x_rec": x_rec, "index": index, "edge_attr": edge_attr,
            "gamma": gamma, "beta": beta, "W1": W1, "b1": b1, "W2": W2, "b2": b2}


def reference(x_send, x_rec, index, edge_attr, gamma, beta, W1, b1, W2, b2):
    index_send = index[0]
    index_rec = index[1]
    sim_send = jnp.take(x_send, index_send, axis=0)
    sim_rec = jnp.take(x_rec, index_rec, axis=0)
    state = jnp.concatenate([sim_send, sim_rec, edge_attr], axis=1)
    # BatchNorm1d in training mode: batch statistics, biased variance, eps=1e-5
    mean = jnp.mean(state, axis=0)
    var = jnp.var(state, axis=0)
    state_bn = (state - mean) / jnp.sqrt(var + 1e-5) * gamma + beta
    # Linear + SiLU (last_act defaults to act = SiLU)
    messages = jax.nn.silu(state_bn @ W1 + b1)
    # edge_inf_mlp: Linear(H, 1) + Sigmoid
    edge_weights = jax.nn.sigmoid(messages @ W2 + b2)
    weighted = messages * edge_weights
    messages_aggr = jnp.zeros((x_rec.shape[0], messages.shape[1]), dtype=messages.dtype).at[index_rec].add(weighted)
    return messages_aggr

if __name__ == "__main__":
    import jax
    _d = setup_inputs()
    print(jax.jit(kernel)(*tuple(_d.values())))

</pallas_src>

<mosaic_0001>
#map = affine_map<(d0, d1) -> (0, 0)>
#map1 = affine_map<(d0, d1) -> (0, 0, 0, 0)>
#map2 = affine_map<(d0, d1) -> (0)>
#map3 = affine_map<(d0, d1) -> (0, 0, 0)>
module attributes {stable_mosaic.version = 14 : i64} {
  func.func @_main_kernel(%arg0: i32, %arg1: i32, %arg2: memref<10000x128xf32, #tpu.memory_space<hbm>>, %arg3: memref<10000x128xf32, #tpu.memory_space<hbm>>, %arg4: memref<320000x128xf32, #tpu.memory_space<hbm>>, %arg5: memref<32x8x50x25xi32, #tpu.memory_space<hbm>>, %arg6: memref<32x8x50x25xi32, #tpu.memory_space<hbm>>, %arg7: memref<128xf32, #tpu.memory_space<hbm>>, %arg8: memref<16xf32, #tpu.memory_space<hbm>>, %arg9: memref<25x128xf32, #tpu.memory_space<hbm>>, %arg10: memref<2x10000x128xf32, #tpu.memory_space<hbm>>, %arg11: memref<50x25xi32, #tpu.memory_space<vmem>>, %arg12: memref<50x25xi32, #tpu.memory_space<vmem>>, %arg13: memref<25x128xf32, #tpu.memory_space<vmem>>, %arg14: memref<25x128xf32, #tpu.memory_space<vmem>>, %arg15: memref<25x128xf32, #tpu.memory_space<vmem>>, %arg16: memref<25x128xf32, #tpu.memory_space<vmem>>, %arg17: memref<25x128xf32, #tpu.memory_space<vmem>>, %arg18: memref<25x128xf32, #tpu.memory_space<vmem>>, %arg19: memref<25x128xf32, #tpu.memory_space<vmem>>, %arg20: memref<25x128xf32, #tpu.memory_space<vmem>>, %arg21: memref<48xi32, #tpu.memory_space<vmem>>, %arg22: memref<48xi32, #tpu.memory_space<vmem>>, %arg23: memref<16x128xf32, #tpu.memory_space<vmem>>, %arg24: memref<128xf32, #tpu.memory_space<vmem>>, %arg25: memref<16xf32, #tpu.memory_space<vmem>>, %arg26: memref<10000x128xf32, #tpu.memory_space<vmem_shared>>, %arg27: memref<!tpu.dma_semaphore, #tpu.memory_space<semaphore_mem>>, %arg28: memref<!tpu.dma_semaphore, #tpu.memory_space<semaphore_mem>>, %arg29: memref<!tpu.dma_semaphore, #tpu.memory_space<semaphore_mem>>, %arg30: memref<!tpu.dma_semaphore, #tpu.memory_space<semaphore_mem>>, %arg31: memref<!tpu.dma_semaphore, #tpu.memory_space<semaphore_mem>>, %arg32: memref<!tpu.dma_semaphore, #tpu.memory_space<semaphore_mem>>, %arg33: memref<!tpu.dma_semaphore, #tpu.memory_space<semaphore_mem>>, %arg34: memref<!tpu.dma_semaphore, #tpu.memory_space<semaphore_mem>>) attributes {dimension_semantics = [#tpu.dimension_semantics<core_parallel>, #tpu.dimension_semantics<subcore_parallel>], iteration_bounds = array<i64: 2, 16>, scalar_prefetch = 0 : i64, scratch_operands = 24 : i64, tpu.core_type = #tpu.core_type<sc_vector_subcore>, window_params = [{transform_indices = #map}, {transform_indices = #map}, {transform_indices = #map}, {transform_indices = #map1}, {transform_indices = #map1}, {transform_indices = #map2}, {transform_indices = #map2}, {transform_indices = #map}, {transform_indices = #map3}]} {
    %mul3A = arith.constant 16 : i32
    %mul3A_0 = arith.muli %arg0, %mul3A : i32
    %add3A = arith.addi %mul3A_0, %arg1 : i32
    "tpu.region"() ({
      %run_scoped3A = tpu.sem_alloc : memref<!tpu.dma_semaphore, #tpu.memory_space<semaphore_mem>>
      tpu.enqueue_dma source(%arg9 : memref<25x128xf32, #tpu.memory_space<hbm>>) target(%arg19 : memref<25x128xf32, #tpu.memory_space<vmem>>) target_semaphore(%run_scoped3A : memref<!tpu.dma_semaphore, #tpu.memory_space<semaphore_mem>>)
      tpu.wait_dma2 semaphore(%run_scoped3A : memref<!tpu.dma_semaphore, #tpu.memory_space<semaphore_mem>>) src(%arg9 : memref<25x128xf32, #tpu.memory_space<hbm>>) dst(%arg19 : memref<25x128xf32, #tpu.memory_space<vmem>>)
      tpu.yield
    }) : () -> ()
    %mul3A_1 = arith.constant 625 : i32
    %mul3A_2 = arith.muli %arg1, %mul3A_1 : i32
    %scan3A = arith.constant 0 : i32
    %scan3A_3 = arith.constant 0 : i32
    %scan3A_4 = arith.constant 25 : i32
    %scan3A_5 = arith.addi %scan3A_3, %scan3A_4 : i32
    %scan3A_6 = arith.constant 1 : i32
    scf.for %scan3A_58 = %scan3A_3 to %scan3A_5 step %scan3A_6  : i32 {
      %mul3A_59 = arith.constant 25 : i32
      %mul3A_60 = arith.muli %scan3A_58, %mul3A_59 : i32
      %add3A_61 = arith.addi %mul3A_2, %mul3A_60 : i32
      "tpu.region"() ({
        %run_scoped3A = tpu.sem_alloc : memref<!tpu.dma_semaphore, #tpu.memory_space<semaphore_mem>>
        %dma_start3A = arith.constant 0 : i32
        %dma_start3A_62 = tpu.memref_slice %arg26[%add3A_61, %dma_start3A] : memref<10000x128xf32, #tpu.memory_space<vmem_shared>> -> memref<25x128xf32, #tpu.memory_space<vmem_shared>>
        %dma_start3A_63 = arith.constant 0 : i32
        %dma_start3A_64 = tpu.memref_slice %arg26[%add3A_61, %dma_start3A_63] : memref<10000x128xf32, #tpu.memory_space<vmem_shared>> -> memref<25x128xf32, #tpu.memory_space<vmem_shared>>
        tpu.enqueue_dma source(%arg19 : memref<25x128xf32, #tpu.memory_space<vmem>>) target(%dma_start3A_64 : memref<25x128xf32, #tpu.memory_space<vmem_shared>>) target_semaphore(%run_scoped3A : memref<!tpu.dma_semaphore, #tpu.memory_space<semaphore_mem>>)
        %dma_wait3A_65 = arith.constant 0 : i32
        %dma_wait3A_66 = tpu.memref_slice %arg26[%add3A_61, %dma_wait3A_65] : memref<10000x128xf32, #tpu.memory_space<vmem_shared>> -> memref<25x128xf32, #tpu.memory_space<vmem_shared>>
        %dma_wait3A_67 = arith.constant 0 : i32
        %dma_wait3A_68 = tpu.memref_slice %arg26[%add3A_61, %dma_wait3A_67] : memref<10000x128xf32, #tpu.memory_space<vmem_shared>> -> memref<25x128xf32, #tpu.memory_space<vmem_shared>>
        tpu.wait_dma2 semaphore(%run_scoped3A : memref<!tpu.dma_semaphore, #tpu.memory_space<semaphore_mem>>) src(%arg19 : memref<25x128xf32, #tpu.memory_space<vmem>>) dst(%dma_wait3A_68 : memref<25x128xf32, #tpu.memory_space<vmem_shared>>)
        tpu.yield
      }) : () -> ()
    }
    %scan3A_7 = arith.constant 25 : i32
    "tpu.region"() ({
      %run_scoped3A = tpu.sem_alloc : memref<!tpu.dma_semaphore, #tpu.memory_space<semaphore_mem>>
      tpu.enqueue_dma source(%arg7 : memref<128xf32, #tpu.memory_space<hbm>>) target(%arg24 : memref<128xf32, #tpu.memory_space<vmem>>) target_semaphore(%run_scoped3A : memref<!tpu.dma_semaphore, #tpu.memory_space<semaphore_mem>>)
      tpu.wait_dma2 semaphore(%run_scoped3A : memref<!tpu.dma_semaphore, #tpu.memory_space<semaphore_mem>>) src(%arg7 : memref<128xf32, #tpu.memory_space<hbm>>) dst(%arg24 : memref<128xf32, #tpu.memory_space<vmem>>)
      tpu.yield
    }) : () -> ()
    "tpu.region"() ({
      %run_scoped3A = tpu.sem_alloc : memref<!tpu.dma_semaphore, #tpu.memory_space<semaphore_mem>>
      tpu.enqueue_dma source(%arg8 : memref<16xf32, #tpu.memory_space<hbm>>) target(%arg25 : memref<16xf32, #tpu.memory_space<vmem>>) target_semaphore(%run_scoped3A : memref<!tpu.dma_semaphore, #tpu.memory_space<semaphore_mem>>)
      tpu.wait_dma2 semaphore(%run_scoped3A : memref<!tpu.dma_semaphore, #tpu.memory_space<semaphore_mem>>) src(%arg8 : memref<16xf32, #tpu.memory_space<hbm>>) dst(%arg25 : memref<16xf32, #tpu.memory_space<vmem>>)
      tpu.yield
    }) : () -> ()
    %barrier3A = arith.constant 0 : index
    tpu.barrier barrier_id(%barrier3A)
    %get3A = arith.constant 0 : index
    %get3A_8 = tpu.vector_load %arg25[%get3A] {strides = array<i32>} : memref<16xf32, #tpu.memory_space<vmem>>, vector<16xf32>,
    %get3A_9 = arith.constant 0 : index
    %get3A_10 = tpu.vector_load %arg24[%get3A_9] {strides = array<i32>} : memref<128xf32, #tpu.memory_space<vmem>>, vector<16xf32>,
    %get3A_11 = arith.constant 16 : index
    %get3A_12 = tpu.vector_load %arg24[%get3A_11] {strides = array<i32>} : memref<128xf32, #tpu.memory_space<vmem>>, vector<16xf32>,
    %get3A_13 = arith.constant 32 : index
    %get3A_14 = tpu.vector_load %arg24[%get3A_13] {strides = array<i32>} : memref<128xf32, #tpu.memory_space<vmem>>, vector<16xf32>,
    %get3A_15 = arith.constant 48 : index
    %get3A_16 = tpu.vector_load %arg24[%get3A_15] {strides = array<i32>} : memref<128xf32, #tpu.memory_space<vmem>>, vector<16xf32>,
    %get3A_17 = arith.constant 64 : index
    %get3A_18 = tpu.vector_load %arg24[%get3A_17] {strides = array<i32>} : memref<128xf32, #tpu.memory_space<vmem>>, vector<16xf32>,
    %get3A_19 = arith.constant 80 : index
    %get3A_20 = tpu.vector_load %arg24[%get3A_19] {strides = array<i32>} : memref<128xf32, #tpu.memory_space<vmem>>, vector<16xf32>,
    %get3A_21 = arith.constant 96 : index
    %get3A_22 = tpu.vector_load %arg24[%get3A_21] {strides = array<i32>} : memref<128xf32, #tpu.memory_space<vmem>>, vector<16xf32>,
    %get3A_23 = arith.constant 112 : index
    %get3A_24 = tpu.vector_load %arg24[%get3A_23] {strides = array<i32>} : memref<128xf32, #tpu.memory_space<vmem>>, vector<16xf32>,
    %scan3A_25 = arith.constant 0 : i32
    %scan3A_26 = arith.constant 0 : i32
    %scan3A_27 = arith.constant 8 : i32
    %scan3A_28 = arith.addi %scan3A_26, %scan3A_27 : i32
    %scan3A_29 = arith.constant 1 : i32
    scf.for %scan3A_58 = %scan3A_26 to %scan3A_28 step %scan3A_29  : i32 {
      %gt3A = arith.constant 0 : i32
      %gt3A_59 = arith.cmpi sgt, %scan3A_58, %gt3A : i32
      %convert_element_type3A = arith.extui %gt3A_59 : i1 to i32
      %cond3A = arith.constant 0 : i32
      %cond3A_60 = arith.cmpi ne, %convert_element_type3A, %cond3A : i32
      scf.if %cond3A_60 {
        %dma_wait3A_154 = arith.constant 0 : i32
        %dma_wait3A_155 = arith.constant 0 : i32
        %dma_wait3A_156 = tpu.memref_slice %arg12[%dma_wait3A_154, %dma_wait3A_155] : memref<50x25xi32, #tpu.memory_space<vmem>> -> memref<1x25xi32, #tpu.memory_space<vmem>>
        %dma_wait3A_157 = tpu.memref_squeeze %dma_wait3A_156 : memref<1x25xi32, #tpu.memory_space<vmem>> -> memref<25xi32, #tpu.memory_space<vmem>>
        %dma_wait3A_158 = arith.constant 0 : i32
        %dma_wait3A_159 = arith.constant 0 : i32
        %dma_wait3A_160 = tpu.memref_slice %arg26[%dma_wait3A_158, %dma_wait3A_159] : memref<10000x128xf32, #tpu.memory_space<vmem_shared>> -> memref<10000x128xf32, #tpu.memory_space<vmem_shared>>
        tpu.wait_indirect_dma semaphore(%arg33 : memref<!tpu.dma_semaphore, #tpu.memory_space<semaphore_mem>>) src(%arg19 : memref<25x128xf32, #tpu.memory_space<vmem>>) dst(%dma_wait3A_160 : memref<10000x128xf32, #tpu.memory_space<vmem_shared>>)
        %dma_wait3A_161 = arith.constant 0 : i32
        %dma_wait3A_162 = arith.constant 0 : i32
        %dma_wait3A_163 = tpu.memref_slice %arg12[%dma_wait3A_161, %dma_wait3A_162] : memref<50x25xi32, #tpu.memory_space<vmem>> -> memref<1x25xi32, #tpu.memory_space<vmem>>
        %dma_wait3A_164 = tpu.memref_squeeze %dma_wait3A_163 : memref<1x25xi32, #tpu.memory_space<vmem>> -> memref<25xi32, #tpu.memory_space<vmem>>
        %dma_wait3A_165 = arith.constant 0 : i32
        %dma_wait3A_166 = arith.constant 0 : i32
        %dma_wait3A_167 = tpu.memref_slice %arg26[%dma_wait3A_165, %dma_wait3A_166] : memref<10000x128xf32, #tpu.memory_space<vmem_shared>> -> memref<10000x128xf32, #tpu.memory_space<vmem_shared>>
        tpu.wait_indirect_dma semaphore(%arg34 : memref<!tpu.dma_semaphore, #tpu.memory_space<semaphore_mem>>) src(%arg20 : memref<25x128xf32, #tpu.memory_space<vmem>>) dst(%dma_wait3A_167 : memref<10000x128xf32, #tpu.memory_space<vmem_shared>>)
      } else {
      }
      "tpu.region"() ({
        %run_scoped3A = tpu.sem_alloc : memref<!tpu.dma_semaphore, #tpu.memory_space<semaphore_mem>>
        %dma_start3A_154 = arith.constant 0 : i32
        %dma_start3A_155 = arith.constant 0 : i32
        %dma_start3A_156 = tpu.memref_slice %arg5[%add3A, %scan3A_58, %dma_start3A_154, %dma_start3A_155] : memref<32x8x50x25xi32, #tpu.memory_space<hbm>> -> memref<1x1x50x25xi32, #tpu.memory_space<hbm>>
        %dma_start3A_157 = tpu.memref_squeeze %dma_start3A_156 : memref<1x1x50x25xi32, #tpu.memory_space<hbm>> -> memref<50x25xi32, #tpu.memory_space<hbm>>
        %dma_start3A_158 = arith.constant 0 : i32
        %dma_start3A_159 = arith.constant 0 : i32
        %dma_start3A_160 = tpu.memref_slice %arg5[%add3A, %scan3A_58, %dma_start3A_158, %dma_start3A_159] : memref<32x8x50x25xi32, #tpu.memory_space<hbm>> -> memref<1x1x50x25xi32, #tpu.memory_space<hbm>>
        %dma_start3A_161 = tpu.memref_squeeze %dma_start3A_160 : memref<1x1x50x25xi32, #tpu.memory_space<hbm>> -> memref<50x25xi32, #tpu.memory_space<hbm>>
        tpu.enqueue_dma source(%dma_start3A_161 : memref<50x25xi32, #tpu.memory_space<hbm>>) target(%arg11 : memref<50x25xi32, #tpu.memory_space<vmem>>) target_semaphore(%run_scoped3A : memref<!tpu.dma_semaphore, #tpu.memory_space<semaphore_mem>>)
        %dma_wait3A_162 = arith.constant 0 : i32
        %dma_wait3A_163 = arith.constant 0 : i32
        %dma_wait3A_164 = tpu.memref_slice %arg5[%add3A, %scan3A_58, %dma_wait3A_162, %dma_wait3A_163] : memref<32x8x50x25xi32, #tpu.memory_space<hbm>> -> memref<1x1x50x25xi32, #tpu.memory_space<hbm>>
        %dma_wait3A_165 = tpu.memref_squeeze %dma_wait3A_164 : memref<1x1x50x25xi32, #tpu.memory_space<hbm>> -> memref<50x25xi32, #tpu.memory_space<hbm>>
        %dma_wait3A_166 = arith.constant 0 : i32
        %dma_wait3A_167 = arith.constant 0 : i32
        %dma_wait3A_168 = tpu.memref_slice %arg5[%add3A, %scan3A_58, %dma_wait3A_166, %dma_wait3A_167] : memref<32x8x50x25xi32, #tpu.memory_space<hbm>> -> memref<1x1x50x25xi32, #tpu.memory_space<hbm>>
        %dma_wait3A_169 = tpu.memref_squeeze %dma_wait3A_168 : memref<1x1x50x25xi32, #tpu.memory_space<hbm>> -> memref<50x25xi32, #tpu.memory_space<hbm>>
        tpu.wait_dma2 semaphore(%run_scoped3A : memref<!tpu.dma_semaphore, #tpu.memory_space<semaphore_mem>>) src(%dma_wait3A_169 : memref<50x25xi32, #tpu.memory_space<hbm>>) dst(%arg11 : memref<50x25xi32, #tpu.memory_space<vmem>>)
        tpu.yield
      }) : () -> ()
      "tpu.region"() ({
        %run_scoped3A = tpu.sem_alloc : memref<!tpu.dma_semaphore, #tpu.memory_space<semaphore_mem>>
        %dma_start3A_154 = arith.constant 0 : i32
        %dma_start3A_155 = arith.constant 0 : i32
        %dma_start3A_156 = tpu.memref_slice %arg6[%add3A, %scan3A_58, %dma_start3A_154, %dma_start3A_155] : memref<32x8x50x25xi32, #tpu.memory_space<hbm>> -> memref<1x1x50x25xi32, #tpu.memory_space<hbm>>
        %dma_start3A_157 = tpu.memref_squeeze %dma_start3A_156 : memref<1x1x50x25xi32, #tpu.memory_space<hbm>> -> memref<50x25xi32, #tpu.memory_space<hbm>>
        %dma_start3A_158 = arith.constant 0 : i32
        %dma_start3A_159 = arith.constant 0 : i32
        %dma_start3A_160 = tpu.memref_slice %arg6[%add3A, %scan3A_58, %dma_start3A_158, %dma_start3A_159] : memref<32x8x50x25xi32, #tpu.memory_space<hbm>> -> memref<1x1x50x25xi32, #tpu.memory_space<hbm>>
        %dma_start3A_161 = tpu.memref_squeeze %dma_start3A_160 : memref<1x1x50x25xi32, #tpu.memory_space<hbm>> -> memref<50x25xi32, #tpu.memory_space<hbm>>
        tpu.enqueue_dma source(%dma_start3A_161 : memref<50x25xi32, #tpu.memory_space<hbm>>) target(%arg12 : memref<50x25xi32, #tpu.memory_space<vmem>>) target_semaphore(%run_scoped3A : memref<!tpu.dma_semaphore, #tpu.memory_space<semaphore_mem>>)
        %dma_wait3A_162 = arith.constant 0 : i32
        %dma_wait3A_163 = arith.constant 0 : i32
        %dma_wait3A_164 = tpu.memref_slice %arg6[%add3A, %scan3A_58, %dma_wait3A_162, %dma_wait3A_163] : memref<32x8x50x25xi32, #tpu.memory_space<hbm>> -> memref<1x1x50x25xi32, #tpu.memory_space<hbm>>
        %dma_wait3A_165 = tpu.memref_squeeze %dma_wait3A_164 : memref<1x1x50x25xi32, #tpu.memory_space<hbm>> -> memref<50x25xi32, #tpu.memory_space<hbm>>
        %dma_wait3A_166 = arith.constant 0 : i32
        %dma_wait3A_167 = arith.constant 0 : i32
        %dma_wait3A_168 = tpu.memref_slice %arg6[%add3A, %scan3A_58, %dma_wait3A_166, %dma_wait3A_167] : memref<32x8x50x25xi32, #tpu.memory_space<hbm>> -> memref<1x1x50x25xi32, #tpu.memory_space<hbm>>
        %dma_wait3A_169 = tpu.memref_squeeze %dma_wait3A_168 : memref<1x1x50x25xi32, #tpu.memory_space<hbm>> -> memref<50x25xi32, #tpu.memory_space<hbm>>
        tpu.wait_dma2 semaphore(%run_scoped3A : memref<!tpu.dma_semaphore, #tpu.memory_space<semaphore_mem>>) src(%dma_wait3A_169 : memref<50x25xi32, #tpu.memory_space<hbm>>) dst(%arg12 : memref<50x25xi32, #tpu.memory_space<vmem>>)
        tpu.yield
      }) : () -> ()
      %mul3A_61 = arith.constant 8 : i32
      %mul3A_62 = arith.muli %add3A, %mul3A_61 : i32
      %add3A_63 = arith.addi %mul3A_62, %scan3A_58 : i32
      %mul3A_64 = arith.constant 50 : i32
      %mul3A_65 = arith.muli %add3A_63, %mul3A_64 : i32
      %mul3A_66 = arith.constant 25 : i32
      %mul3A_67 = arith.muli %mul3A_65, %mul3A_66 : i32
      %add3A_68 = arith.constant 0 : i32
      %add3A_69 = arith.addi %mul3A_67, %add3A_68 : i32
      %iota3A = tpu.iota {dimensions = array<i32: 0>} : vector<16xi32>
      %add3A_70 = vector.broadcast %add3A_69 : i32 to vector<16xi32>
      %add3A_71 = arith.addi %iota3A, %add3A_70 : vector<16xi32>
      %swap3A = arith.constant 0 : index
      %swap3A_72 = tpu.vector_load %arg21[%swap3A] {strides = array<i32>} : memref<48xi32, #tpu.memory_space<vmem>>, vector<16xi32>,
      tpu.vector_store %arg21[%swap3A], %add3A_71 {strides = array<i32>} : memref<48xi32, #tpu.memory_space<vmem>>, vector<16xi32>,
      %add3A_73 = arith.constant 16 : i32
      %add3A_74 = arith.addi %add3A_69, %add3A_73 : i32
      %add3A_75 = vector.broadcast %add3A_74 : i32 to vector<16xi32>
      %add3A_76 = arith.addi %iota3A, %add3A_75 : vector<16xi32>
      %swap3A_77 = arith.constant 16 : index
      %swap3A_78 = tpu.vector_load %arg21[%swap3A_77] {strides = array<i32>} : memref<48xi32, #tpu.memory_space<vmem>>, vector<16xi32>,
      tpu.vector_store %arg21[%swap3A_77], %add3A_76 {strides = array<i32>} : memref<48xi32, #tpu.memory_space<vmem>>, vector<16xi32>,
      %add3A_79 = arith.constant 32 : i32
      %add3A_80 = arith.addi %add3A_69, %add3A_79 : i32
      %add3A_81 = vector.broadcast %add3A_80 : i32 to vector<16xi32>
      %add3A_82 = arith.addi %iota3A, %add3A_81 : vector<16xi32>
      %swap3A_83 = arith.constant 32 : index
      %swap3A_84 = tpu.vector_load %arg21[%swap3A_83] {strides = array<i32>} : memref<48xi32, #tpu.memory_space<vmem>>, vector<16xi32>,
      tpu.vector_store %arg21[%swap3A_83], %add3A_82 {strides = array<i32>} : memref<48xi32, #tpu.memory_space<vmem>>, vector<16xi32>,
      %dma_start3A = arith.constant 0 : i32
      %dma_start3A_85 = arith.constant 0 : i32
      %dma_start3A_86 = tpu.memref_slice %arg11[%dma_start3A, %dma_start3A_85] : memref<50x25xi32, #tpu.memory_space<vmem>> -> memref<1x25xi32, #tpu.memory_space<vmem>>
      %dma_start3A_87 = tpu.memref_squeeze %dma_start3A_86 : memref<1x25xi32, #tpu.memory_space<vmem>> -> memref<25xi32, #tpu.memory_space<vmem>>
      %dma_start3A_88 = arith.constant 0 : i32
      %dma_start3A_89 = arith.constant 0 : i32
      %dma_start3A_90 = tpu.memref_slice %arg2[%dma_start3A_88, %dma_start3A_89] : memref<10000x128xf32, #tpu.memory_space<hbm>> -> memref<10000x128xf32, #tpu.memory_space<hbm>>
      tpu.enqueue_indirect_dma source(%dma_start3A_90 : memref<10000x128xf32, #tpu.memory_space<hbm>>) target(%arg13 : memref<25x128xf32, #tpu.memory_space<vmem>>) offsets(%dma_start3A_87 : memref<25xi32, #tpu.memory_space<vmem>>) semaphore(%arg27 : memref<!tpu.dma_semaphore, #tpu.memory_space<semaphore_mem>>)
      %dma_start3A_91 = arith.constant 0 : i32
      %dma_start3A_92 = arith.constant 0 : i32
      %dma_start3A_93 = tpu.memref_slice %arg12[%dma_start3A_91, %dma_start3A_92] : memref<50x25xi32, #tpu.memory_space<vmem>> -> memref<1x25xi32, #tpu.memory_space<vmem>>
      %dma_start3A_94 = tpu.memref_squeeze %dma_start3A_93 : memref<1x25xi32, #tpu.memory_space<vmem>> -> memref<25xi32, #tpu.memory_space<vmem>>
      %dma_start3A_95 = arith.constant 0 : i32
      %dma_start3A_96 = arith.constant 0 : i32
      %dma_start3A_97 = tpu.memref_slice %arg3[%dma_start3A_95, %dma_start3A_96] : memref<10000x128xf32, #tpu.memory_space<hbm>> -> memref<10000x128xf32, #tpu.memory_space<hbm>>
      tpu.enqueue_indirect_dma source(%dma_start3A_97 : memref<10000x128xf32, #tpu.memory_space<hbm>>) target(%arg15 : memref<25x128xf32, #tpu.memory_space<vmem>>) offsets(%dma_start3A_94 : memref<25xi32, #tpu.memory_space<vmem>>) semaphore(%arg28 : memref<!tpu.dma_semaphore, #tpu.memory_space<semaphore_mem>>)
      %dma_start3A_98 = arith.constant 0 : i32
      %dma_start3A_99 = tpu.memref_slice %arg21[%dma_start3A_98] : memref<48xi32, #tpu.memory_space<vmem>> -> memref<25xi32, #tpu.memory_space<vmem>>
      %dma_start3A_100 = arith.constant 0 : i32
      %dma_start3A_101 = arith.constant 0 : i32
      %dma_start3A_102 = tpu.memref_slice %arg4[%dma_start3A_100, %dma_start3A_101] : memref<320000x128xf32, #tpu.memory_space<hbm>> -> memref<320000x128xf32, #tpu.memory_space<hbm>>
      tpu.enqueue_indirect_dma source(%dma_start3A_102 : memref<320000x128xf32, #tpu.memory_space<hbm>>) target(%arg17 : memref<25x128xf32, #tpu.memory_space<vmem>>) offsets(%dma_start3A_99 : memref<25xi32, #tpu.memory_space<vmem>>) semaphore(%arg29 : memref<!tpu.dma_semaphore, #tpu.memory_space<semaphore_mem>>)
      %mul3A_103 = arith.constant 8 : i32
      %mul3A_104 = arith.muli %add3A, %mul3A_103 : i32
      %add3A_105 = arith.addi %mul3A_104, %scan3A_58 : i32
      %mul3A_106 = arith.constant 50 : i32
      %mul3A_107 = arith.muli %add3A_105, %mul3A_106 : i32
      %mul3A_108 = arith.constant 25 : i32
      %mul3A_109 = arith.muli %mul3A_107, %mul3A_108 : i32
      %add3A_110 = arith.constant 25 : i32
      %add3A_111 = arith.addi %mul3A_109, %add3A_110 : i32
      %iota3A_112 = tpu.iota {dimensions = array<i32: 0>} : vector<16xi32>
      %add3A_113 = vector.broadcast %add3A_111 : i32 to vector<16xi32>
      %add3A_114 = arith.addi %iota3A_112, %add3A_113 : vector<16xi32>
      %swap3A_115 = arith.constant 0 : index
      %swap3A_116 = tpu.vector_load %arg22[%swap3A_115] {strides = array<i32>} : memref<48xi32, #tpu.memory_space<vmem>>, vector<16xi32>,
      tpu.vector_store %arg22[%swap3A_115], %add3A_114 {strides = array<i32>} : memref<48xi32, #tpu.memory_space<vmem>>, vector<16xi32>,
      %add3A_117 = arith.constant 16 : i32
      %add3A_118 = arith.addi %add3A_111, %add3A_117 : i32
      %add3A_119 = vector.broadcast %add3A_118 : i32 to vector<16xi32>
      %add3A_120 = arith.addi %iota3A_112, %add3A_119 : vector<16xi32>
      %swap3A_121 = arith.constant 16 : index
      %swap3A_122 = tpu.vector_load %arg22[%swap3A_121] {strides = array<i32>} : memref<48xi32, #tpu.memory_space<vmem>>, vector<16xi32>,
      tpu.vector_store %arg22[%swap3A_121], %add3A_120 {strides = array<i32>} : memref<48xi32, #tpu.memory_space<vmem>>, vector<16xi32>,
      %add3A_123 = arith.constant 32 : i32
      %add3A_124 = arith.addi %add3A_111, %add3A_123 : i32
      %add3A_125 = vector.broadcast %add3A_124 : i32 to vector<16xi32>
      %add3A_126 = arith.addi %iota3A_112, %add3A_125 : vector<16xi32>
      %swap3A_127 = arith.constant 32 : index
      %swap3A_128 = tpu.vector_load %arg22[%swap3A_127] {strides = array<i32>} : memref<48xi32, #tpu.memory_space<vmem>>, vector<16xi32>,
      tpu.vector_store %arg22[%swap3A_127], %add3A_126 {strides = array<i32>} : memref<48xi32, #tpu.memory_space<vmem>>, vector<16xi32>,
      %dma_start3A_129 = arith.constant 1 : i32
      %dma_start3A_130 = arith.constant 0 : i32
      %dma_start3A_131 = tpu.memref_slice %arg11[%dma_start3A_129, %dma_start3A_130] : memref<50x25xi32, #tpu.memory_space<vmem>> -> memref<1x25xi32, #tpu.memory_space<vmem>>
      %dma_start3A_132 = tpu.memref_squeeze %dma_start3A_131 : memref<1x25xi32, #tpu.memory_space<vmem>> -> memref<25xi32, #tpu.memory_space<vmem>>
      %dma_start3A_133 = arith.constant 0 : i32
      %dma_start3A_134 = arith.constant 0 : i32
      %dma_start3A_135 = tpu.memref_slice %arg2[%dma_start3A_133, %dma_start3A_134] : memref<10000x128xf32, #tpu.memory_space<hbm>> -> memref<10000x128xf32, #tpu.memory_space<hbm>>
      tpu.enqueue_indirect_dma source(%dma_start3A_135 : memref<10000x128xf32, #tpu.memory_space<hbm>>) target(%arg14 : memref<25x128xf32, #tpu.memory_space<vmem>>) offsets(%dma_start3A_132 : memref<25xi32, #tpu.memory_space<vmem>>) semaphore(%arg30 : memref<!tpu.dma_semaphore, #tpu.memory_space<semaphore_mem>>)
      %dma_start3A_136 = arith.constant 1 : i32
      %dma_start3A_137 = arith.constant 0 : i32
      %dma_start3A_138 = tpu.memref_slice %arg12[%dma_start3A_136, %dma_start3A_137] : memref<50x25xi32, #tpu.memory_space<vmem>> -> memref<1x25xi32, #tpu.memory_space<vmem>>
      %dma_start3A_139 = tpu.memref_squeeze %dma_start3A_138 : memref<1x25xi32, #tpu.memory_space<vmem>> -> memref<25xi32, #tpu.memory_space<vmem>>
      %dma_start3A_140 = arith.constant 0 : i32
      %dma_start3A_141 = arith.constant 0 : i32
      %dma_start3A_142 = tpu.memref_slice %arg3[%dma_start3A_140, %dma_start3A_141] : memref<10000x128xf32, #tpu.memory_space<hbm>> -> memref<10000x128xf32, #tpu.memory_space<hbm>>
      tpu.enqueue_indirect_dma source(%dma_start3A_142 : memref<10000x128xf32, #tpu.memory_space<hbm>>) target(%arg16 : memref<25x128xf32, #tpu.memory_space<vmem>>) offsets(%dma_start3A_139 : memref<25xi32, #tpu.memory_space<vmem>>) semaphore(%arg31 : memref<!tpu.dma_semaphore, #tpu.memory_space<semaphore_mem>>)
      %dma_start3A_143 = arith.constant 0 : i32
      %dma_start3A_144 = tpu.memref_slice %arg22[%dma_start3A_143] : memref<48xi32, #tpu.memory_space<vmem>> -> memref<25xi32, #tpu.memory_space<vmem>>
      %dma_start3A_145 = arith.constant 0 : i32
      %dma_start3A_146 = arith.constant 0 : i32
      %dma_start3A_147 = tpu.memref_slice %arg4[%dma_start3A_145, %dma_start3A_146] : memref<320000x128xf32, #tpu.memory_space<hbm>> -> memref<320000x128xf32, #tpu.memory_space<hbm>>
      tpu.enqueue_indirect_dma source(%dma_start3A_147 : memref<320000x128xf32, #tpu.memory_space<hbm>>) target(%arg18 : memref<25x128xf32, #tpu.memory_space<vmem>>) offsets(%dma_start3A_144 : memref<25xi32, #tpu.memory_space<vmem>>) semaphore(%arg32 : memref<!tpu.dma_semaphore, #tpu.memory_space<semaphore_mem>>)
      %scan3A_148 = arith.constant 0 : i32
      %scan3A_149 = arith.constant 0 : i32
      %scan3A_150 = arith.constant 25 : i32
      %scan3A_151 = arith.addi %scan3A_149, %scan3A_150 : i32
      %scan3A_152 = arith.constant 1 : i32
      scf.for %scan3A_154 = %scan3A_149 to %scan3A_151 step %scan3A_152  : i32 {
        %mul3A_155 = arith.constant 2 : i32
        %mul3A_156 = arith.muli %mul3A_155, %scan3A_154 : i32
        %add3A_157 = arith.constant 0 : i32
        %add3A_158 = arith.addi %mul3A_156, %add3A_157 : i32
        %dma_wait3A_159 = arith.constant 0 : i32
        %dma_wait3A_160 = arith.constant 0 : i32
        %dma_wait3A_161 = tpu.memref_slice %arg11[%dma_wait3A_159, %dma_wait3A_160] : memref<50x25xi32, #tpu.memory_space<vmem>> -> memref<1x25xi32, #tpu.memory_space<vmem>>
        %dma_wait3A_162 = tpu.memref_squeeze %dma_wait3A_161 : memref<1x25xi32, #tpu.memory_space<vmem>> -> memref<25xi32, #tpu.memory_space<vmem>>
        %dma_wait3A_163 = arith.constant 0 : i32
        %dma_wait3A_164 = arith.constant 0 : i32
        %dma_wait3A_165 = tpu.memref_slice %arg2[%dma_wait3A_163, %dma_wait3A_164] : memref<10000x128xf32, #tpu.memory_space<hbm>> -> memref<10000x128xf32, #tpu.memory_space<hbm>>
        tpu.wait_indirect_dma semaphore(%arg27 : memref<!tpu.dma_semaphore, #tpu.memory_space<semaphore_mem>>) src(%dma_wait3A_165 : memref<10000x128xf32, #tpu.memory_space<hbm>>) dst(%arg13 : memref<25x128xf32, #tpu.memory_space<vmem>>)
        %dma_wait3A_166 = arith.constant 0 : i32
        %dma_wait3A_167 = arith.constant 0 : i32
        %dma_wait3A_168 = tpu.memref_slice %arg12[%dma_wait3A_166, %dma_wait3A_167] : memref<50x25xi32, #tpu.memory_space<vmem>> -> memref<1x25xi32, #tpu.memory_space<vmem>>
        %dma_wait3A_169 = tpu.memref_squeeze %dma_wait3A_168 : memref<1x25xi32, #tpu.memory_space<vmem>> -> memref<25xi32, #tpu.memory_space<vmem>>
        %dma_wait3A_170 = arith.constant 0 : i32
        %dma_wait3A_171 = arith.constant 0 : i32
        %dma_wait3A_172 = tpu.memref_slice %arg3[%dma_wait3A_170, %dma_wait3A_171] : memref<10000x128xf32, #tpu.memory_space<hbm>> -> memref<10000x128xf32, #tpu.memory_space<hbm>>
        tpu.wait_indirect_dma semaphore(%arg28 : memref<!tpu.dma_semaphore, #tpu.memory_space<semaphore_mem>>) src(%dma_wait3A_172 : memref<10000x128xf32, #tpu.memory_space<hbm>>) dst(%arg15 : memref<25x128xf32, #tpu.memory_space<vmem>>)
        %dma_wait3A_173 = arith.constant 0 : i32
        %dma_wait3A_174 = tpu.memref_slice %arg21[%dma_wait3A_173] : memref<48xi32, #tpu.memory_space<vmem>> -> memref<25xi32, #tpu.memory_space<vmem>>
        %dma_wait3A_175 = arith.constant 0 : i32
        %dma_wait3A_176 = arith.constant 0 : i32
        %dma_wait3A_177 = tpu.memref_slice %arg4[%dma_wait3A_175, %dma_wait3A_176] : memref<320000x128xf32, #tpu.memory_space<hbm>> -> memref<320000x128xf32, #tpu.memory_space<hbm>>
        tpu.wait_indirect_dma semaphore(%arg29 : memref<!tpu.dma_semaphore, #tpu.memory_space<semaphore_mem>>) src(%dma_wait3A_177 : memref<320000x128xf32, #tpu.memory_space<hbm>>) dst(%arg17 : memref<25x128xf32, #tpu.memory_space<vmem>>)
        %gt3A_178 = arith.constant 0 : i32
        %gt3A_179 = arith.cmpi sgt, %scan3A_154, %gt3A_178 : i32
        %convert_element_type3A_180 = arith.extui %gt3A_179 : i1 to i32
        %cond3A_181 = arith.constant 0 : i32
        %cond3A_182 = arith.cmpi ne, %convert_element_type3A_180, %cond3A_181 : i32
        scf.if %cond3A_182 {
          %dma_wait3A_241 = arith.constant 0 : i32
          %dma_wait3A_242 = arith.constant 0 : i32
          %dma_wait3A_243 = tpu.memref_slice %arg12[%dma_wait3A_241, %dma_wait3A_242] : memref<50x25xi32, #tpu.memory_space<vmem>> -> memref<1x25xi32, #tpu.memory_space<vmem>>
          %dma_wait3A_244 = tpu.memref_squeeze %dma_wait3A_243 : memref<1x25xi32, #tpu.memory_space<vmem>> -> memref<25xi32, #tpu.memory_space<vmem>>
          %dma_wait3A_245 = arith.constant 0 : i32
          %dma_wait3A_246 = arith.constant 0 : i32
          %dma_wait3A_247 = tpu.memref_slice %arg26[%dma_wait3A_245, %dma_wait3A_246] : memref<10000x128xf32, #tpu.memory_space<vmem_shared>> -> memref<10000x128xf32, #tpu.memory_space<vmem_shared>>
          tpu.wait_indirect_dma semaphore(%arg33 : memref<!tpu.dma_semaphore, #tpu.memory_space<semaphore_mem>>) src(%arg19 : memref<25x128xf32, #tpu.memory_space<vmem>>) dst(%dma_wait3A_247 : memref<10000x128xf32, #tpu.memory_space<vmem_shared>>)
        } else {
        }
        %parallel_loop3A = arith.constant 0 : i32
        %parallel_loop3A_183 = arith.constant 25 : i32
        %parallel_loop3A_184 = arith.constant 1 : i32
        scf.for %parallel_loop3A_241 = %parallel_loop3A to %parallel_loop3A_183 step %parallel_loop3A_184  : i32 {
          %parallel_loop3A_242 = arith.constant 0.000000e+00 : f32
          %parallel_loop3A_243 = vector.broadcast %parallel_loop3A_242 : f32 to vector<16xf32>
          %parallel_loop3A_244 = arith.index_cast %parallel_loop3A_241 : i32 to index
          %parallel_loop3A_245 = arith.constant 0 : index
          %parallel_loop3A_246 = tpu.vector_load %arg13[%parallel_loop3A_244, %parallel_loop3A_245] {strides = array<i32>} : memref<25x128xf32, #tpu.memory_space<vmem>>, vector<16xf32>,
          %parallel_loop3A_247 = arith.index_cast %parallel_loop3A_241 : i32 to index
          %parallel_loop3A_248 = arith.constant 0 : index
          %parallel_loop3A_249 = tpu.vector_load %arg15[%parallel_loop3A_247, %parallel_loop3A_248] {strides = array<i32>} : memref<25x128xf32, #tpu.memory_space<vmem>>, vector<16xf32>,
          %parallel_loop3A_250 = arith.addf %parallel_loop3A_246, %parallel_loop3A_249 : vector<16xf32>
          %parallel_loop3A_251 = arith.index_cast %parallel_loop3A_241 : i32 to index
          %parallel_loop3A_252 = arith.constant 0 : index
          %parallel_loop3A_253 = tpu.vector_load %arg17[%parallel_loop3A_251, %parallel_loop3A_252] {strides = array<i32>} : memref<25x128xf32, #tpu.memory_space<vmem>>, vector<16xf32>,
          %parallel_loop3A_254 = arith.addf %parallel_loop3A_250, %parallel_loop3A_253 : vector<16xf32>
          %parallel_loop3A_255 = arith.constant 0.000000e+00 : f32
          %parallel_loop3A_256 = vector.broadcast %parallel_loop3A_255 : f32 to vector<16xf32>
          %parallel_loop3A_257 = arith.subf %parallel_loop3A_256, %parallel_loop3A_254 : vector<16xf32>
          %parallel_loop3A_258 = math.exp %parallel_loop3A_257 : vector<16xf32>
          %parallel_loop3A_259 = arith.constant 1.000000e+00 : f32
          %parallel_loop3A_260 = vector.broadcast %parallel_loop3A_259 : f32 to vector<16xf32>
          %parallel_loop3A_261 = arith.addf %parallel_loop3A_260, %parallel_loop3A_258 : vector<16xf32>
          %parallel_loop3A_262 = arith.divf %parallel_loop3A_254, %parallel_loop3A_261 : vector<16xf32>
          %parallel_loop3A_263 = arith.mulf %parallel_loop3A_262, %get3A_10 : vector<16xf32>
          %parallel_loop3A_264 = arith.addf %parallel_loop3A_243, %parallel_loop3A_263 : vector<16xf32>
          %parallel_loop3A_265 = arith.index_cast %parallel_loop3A_241 : i32 to index
          %parallel_loop3A_266 = arith.constant 16 : index
          %parallel_loop3A_267 = tpu.vector_load %arg13[%parallel_loop3A_265, %parallel_loop3A_266] {strides = array<i32>} : memref<25x128xf32, #tpu.memory_space<vmem>>, vector<16xf32>,
          %parallel_loop3A_268 = arith.index_cast %parallel_loop3A_241 : i32 to index
          %parallel_loop3A_269 = arith.constant 16 : index
          %parallel_loop3A_270 = tpu.vector_load %arg15[%parallel_loop3A_268, %parallel_loop3A_269] {strides = array<i32>} : memref<25x128xf32, #tpu.memory_space<vmem>>, vector<16xf32>,
          %parallel_loop3A_271 = arith.addf %parallel_loop3A_267, %parallel_loop3A_270 : vector<16xf32>
          %parallel_loop3A_272 = arith.index_cast %parallel_loop3A_241 : i32 to index
          %parallel_loop3A_273 = arith.constant 16 : index
          %parallel_loop3A_274 = tpu.vector_load %arg17[%parallel_loop3A_272, %parallel_loop3A_273] {strides = array<i32>} : memref<25x128xf32, #tpu.memory_space<vmem>>, vector<16xf32>,
          %parallel_loop3A_275 = arith.addf %parallel_loop3A_271, %parallel_loop3A_274 : vector<16xf32>
          %parallel_loop3A_276 = arith.constant 0.000000e+00 : f32
          %parallel_loop3A_277 = vector.broadcast %parallel_loop3A_276 : f32 to vector<16xf32>
          %parallel_loop3A_278 = arith.subf %parallel_loop3A_277, %parallel_loop3A_275 : vector<16xf32>
          %parallel_loop3A_279 = math.exp %parallel_loop3A_278 : vector<16xf32>
          %parallel_loop3A_280 = arith.constant 1.000000e+00 : f32
          %parallel_loop3A_281 = vector.broadcast %parallel_loop3A_280 : f32 to vector<16xf32>
          %parallel_loop3A_282 = arith.addf %parallel_loop3A_281, %parallel_loop3A_279 : vector<16xf32>
          %parallel_loop3A_283 = arith.divf %parallel_loop3A_275, %parallel_loop3A_282 : vector<16xf32>
          %parallel_loop3A_284 = arith.mulf %parallel_loop3A_283, %get3A_12 : vector<16xf32>
          %parallel_loop3A_285 = arith.addf %parallel_loop3A_264, %parallel_loop3A_284 : vector<16xf32>
          %parallel_loop3A_286 = arith.index_cast %parallel_loop3A_241 : i32 to index
          %parallel_loop3A_287 = arith.constant 32 : index
          %parallel_loop3A_288 = tpu.vector_load %arg13[%parallel_loop3A_286, %parallel_loop3A_287] {strides = array<i32>} : memref<25x128xf32, #tpu.memory_space<vmem>>, vector<16xf32>,
          %parallel_loop3A_289 = arith.index_cast %parallel_loop3A_241 : i32 to index
          %parallel_loop3A_290 = arith.constant 32 : index
          %parallel_loop3A_291 = tpu.vector_load %arg15[%parallel_loop3A_289, %parallel_loop3A_290] {strides = array<i32>} : memref<25x128xf32, #tpu.memory_space<vmem>>, vector<16xf32>,
          %parallel_loop3A_292 = arith.addf %parallel_loop3A_288, %parallel_loop3A_291 : vector<16xf32>
          %parallel_loop3A_293 = arith.index_cast %parallel_loop3A_241 : i32 to index
          %parallel_loop3A_294 = arith.constant 32 : index
          %parallel_loop3A_295 = tpu.vector_load %arg17[%parallel_loop3A_293, %parallel_loop3A_294] {strides = array<i32>} : memref<25x128xf32, #tpu.memory_space<vmem>>, vector<16xf32>,
          %parallel_loop3A_296 = arith.addf %parallel_loop3A_292, %parallel_loop3A_295 : vector<16xf32>
          %parallel_loop3A_297 = arith.constant 0.000000e+00 : f32
          %parallel_loop3A_298 = vector.broadcast %parallel_loop3A_297 : f32 to vector<16xf32>
          %parallel_loop3A_299 = arith.subf %parallel_loop3A_298, %parallel_loop3A_296 : vector<16xf32>
          %parallel_loop3A_300 = math.exp %parallel_loop3A_299 : vector<16xf32>
          %parallel_loop3A_301 = arith.constant 1.000000e+00 : f32
          %parallel_loop3A_302 = vector.broadcast %parallel_loop3A_301 : f32 to vector<16xf32>
          %parallel_loop3A_303 = arith.addf %parallel_loop3A_302, %parallel_loop3A_300 : vector<16xf32>
          %parallel_loop3A_304 = arith.divf %parallel_loop3A_296, %parallel_loop3A_303 : vector<16xf32>
          %parallel_loop3A_305 = arith.mulf %parallel_loop3A_304, %get3A_14 : vector<16xf32>
          %parallel_loop3A_306 = arith.addf %parallel_loop3A_285, %parallel_loop3A_305 : vector<16xf32>
          %parallel_loop3A_307 = arith.index_cast %parallel_loop3A_241 : i32 to index
          %parallel_loop3A_308 = arith.constant 48 : index
          %parallel_loop3A_309 = tpu.vector_load %arg13[%parallel_loop3A_307, %parallel_loop3A_308] {strides = array<i32>} : memref<25x128xf32, #tpu.memory_space<vmem>>, vector<16xf32>,
          %parallel_loop3A_310 = arith.index_cast %parallel_loop3A_241 : i32 to index
          %parallel_loop3A_311 = arith.constant 48 : index
          %parallel_loop3A_312 = tpu.vector_load %arg15[%parallel_loop3A_310, %parallel_loop3A_311] {strides = array<i32>} : memref<25x128xf32, #tpu.memory_space<vmem>>, vector<16xf32>,
          %parallel_loop3A_313 = arith.addf %parallel_loop3A_309, %parallel_loop3A_312 : vector<16xf32>
          %parallel_loop3A_314 = arith.index_cast %parallel_loop3A_241 : i32 to index
          %parallel_loop3A_315 = arith.constant 48 : index
          %parallel_loop3A_316 = tpu.vector_load %arg17[%parallel_loop3A_314, %parallel_loop3A_315] {strides = array<i32>} : memref<25x128xf32, #tpu.memory_space<vmem>>, vector<16xf32>,
          %parallel_loop3A_317 = arith.addf %parallel_loop3A_313, %parallel_loop3A_316 : vector<16xf32>
          %parallel_loop3A_318 = arith.constant 0.000000e+00 : f32
          %parallel_loop3A_319 = vector.broadcast %parallel_loop3A_318 : f32 to vector<16xf32>
          %parallel_loop3A_320 = arith.subf %parallel_loop3A_319, %parallel_loop3A_317 : vector<16xf32>
          %parallel_loop3A_321 = math.exp %parallel_loop3A_320 : vector<16xf32>
          %parallel_loop3A_322 = arith.constant 1.000000e+00 : f32
          %parallel_loop3A_323 = vector.broadcast %parallel_loop3A_322 : f32 to vector<16xf32>
          %parallel_loop3A_324 = arith.addf %parallel_loop3A_323, %parallel_loop3A_321 : vector<16xf32>
          %parallel_loop3A_325 = arith.divf %parallel_loop3A_317, %parallel_loop3A_324 : vector<16xf32>
          %parallel_loop3A_326 = arith.mulf %parallel_loop3A_325, %get3A_16 : vector<16xf32>
          %parallel_loop3A_327 = arith.addf %parallel_loop3A_306, %parallel_loop3A_326 : vector<16xf32>
          %parallel_loop3A_328 = arith.index_cast %parallel_loop3A_241 : i32 to index
          %parallel_loop3A_329 = arith.constant 64 : index
          %parallel_loop3A_330 = tpu.vector_load %arg13[%parallel_loop3A_328, %parallel_loop3A_329] {strides = array<i32>} : memref<25x128xf32, #tpu.memory_space<vmem>>, vector<16xf32>,
          %parallel_loop3A_331 = arith.index_cast %parallel_loop3A_241 : i32 to index
          %parallel_loop3A_332 = arith.constant 64 : index
          %parallel_loop3A_333 = tpu.vector_load %arg15[%parallel_loop3A_331, %parallel_loop3A_332] {strides = array<i32>} : memref<25x128xf32, #tpu.memory_space<vmem>>, vector<16xf32>,
          %parallel_loop3A_334 = arith.addf %parallel_loop3A_330, %parallel_loop3A_333 : vector<16xf32>
          %parallel_loop3A_335 = arith.index_cast %parallel_loop3A_241 : i32 to index
          %parallel_loop3A_336 = arith.constant 64 : index
          %parallel_loop3A_337 = tpu.vector_load %arg17[%parallel_loop3A_335, %parallel_loop3A_336] {strides = array<i32>} : memref<25x128xf32, #tpu.memory_space<vmem>>, vector<16xf32>,
          %parallel_loop3A_338 = arith.addf %parallel_loop3A_334, %parallel_loop3A_337 : vector<16xf32>
          %parallel_loop3A_339 = arith.constant 0.000000e+00 : f32
          %parallel_loop3A_340 = vector.broadcast %parallel_loop3A_339 : f32 to vector<16xf32>
          %parallel_loop3A_341 = arith.subf %parallel_loop3A_340, %parallel_loop3A_338 : vector<16xf32>
          %parallel_loop3A_342 = math.exp %parallel_loop3A_341 : vector<16xf32>
          %parallel_loop3A_343 = arith.constant 1.000000e+00 : f32
          %parallel_loop3A_344 = vector.broadcast %parallel_loop3A_343 : f32 to vector<16xf32>
          %parallel_loop3A_345 = arith.addf %parallel_loop3A_344, %parallel_loop3A_342 : vector<16xf32>
          %parallel_loop3A_346 = arith.divf %parallel_loop3A_338, %parallel_loop3A_345 : vector<16xf32>
          %parallel_loop3A_347 = arith.mulf %parallel_loop3A_346, %get3A_18 : vector<16xf32>
          %parallel_loop3A_348 = arith.addf %parallel_loop3A_327, %parallel_loop3A_347 : vector<16xf32>
          %parallel_loop3A_349 = arith.index_cast %parallel_loop3A_241 : i32 to index
          %parallel_loop3A_350 = arith.constant 80 : index
          %parallel_loop3A_351 = tpu.vector_load %arg13[%parallel_loop3A_349, %parallel_loop3A_350] {strides = array<i32>} : memref<25x128xf32, #tpu.memory_space<vmem>>, vector<16xf32>,
          %parallel_loop3A_352 = arith.index_cast %parallel_loop3A_241 : i32 to index
          %parallel_loop3A_353 = arith.constant 80 : index
          %parallel_loop3A_354 = tpu.vector_load %arg15[%parallel_loop3A_352, %parallel_loop3A_353] {strides = array<i32>} : memref<25x128xf32, #tpu.memory_space<vmem>>, vector<16xf32>,
          %parallel_loop3A_355 = arith.addf %parallel_loop3A_351, %parallel_loop3A_354 : vector<16xf32>
          %parallel_loop3A_356 = arith.index_cast %parallel_loop3A_241 : i32 to index
          %parallel_loop3A_357 = arith.constant 80 : index
          %parallel_loop3A_358 = tpu.vector_load %arg17[%parallel_loop3A_356, %parallel_loop3A_357] {strides = array<i32>} : memref<25x128xf32, #tpu.memory_space<vmem>>, vector<16xf32>,
          %parallel_loop3A_359 = arith.addf %parallel_loop3A_355, %parallel_loop3A_358 : vector<16xf32>
          %parallel_loop3A_360 = arith.constant 0.000000e+00 : f32
          %parallel_loop3A_361 = vector.broadcast %parallel_loop3A_360 : f32 to vector<16xf32>
          %parallel_loop3A_362 = arith.subf %parallel_loop3A_361, %parallel_loop3A_359 : vector<16xf32>
          %parallel_loop3A_363 = math.exp %parallel_loop3A_362 : vector<16xf32>
          %parallel_loop3A_364 = arith.constant 1.000000e+00 : f32
          %parallel_loop3A_365 = vector.broadcast %parallel_loop3A_364 : f32 to vector<16xf32>
          %parallel_loop3A_366 = arith.addf %parallel_loop3A_365, %parallel_loop3A_363 : vector<16xf32>
          %parallel_loop3A_367 = arith.divf %parallel_loop3A_359, %parallel_loop3A_366 : vector<16xf32>
          %parallel_loop3A_368 = arith.mulf %parallel_loop3A_367, %get3A_20 : vector<16xf32>
          %parallel_loop3A_369 = arith.addf %parallel_loop3A_348, %parallel_loop3A_368 : vector<16xf32>
          %parallel_loop3A_370 = arith.index_cast %parallel_loop3A_241 : i32 to index
          %parallel_loop3A_371 = arith.constant 96 : index
          %parallel_loop3A_372 = tpu.vector_load %arg13[%parallel_loop3A_370, %parallel_loop3A_371] {strides = array<i32>} : memref<25x128xf32, #tpu.memory_space<vmem>>, vector<16xf32>,
          %parallel_loop3A_373 = arith.index_cast %parallel_loop3A_241 : i32 to index
          %parallel_loop3A_374 = arith.constant 96 : index
          %parallel_loop3A_375 = tpu.vector_load %arg15[%parallel_loop3A_373, %parallel_loop3A_374] {strides = array<i32>} : memref<25x128xf32, #tpu.memory_space<vmem>>, vector<16xf32>,
          %parallel_loop3A_376 = arith.addf %parallel_loop3A_372, %parallel_loop3A_375 : vector<16xf32>
          %parallel_loop3A_377 = arith.index_cast %parallel_loop3A_241 : i32 to index
          %parallel_loop3A_378 = arith.constant 96 : index
          %parallel_loop3A_379 = tpu.vector_load %arg17[%parallel_loop3A_377, %parallel_loop3A_378] {strides = array<i32>} : memref<25x128xf32, #tpu.memory_space<vmem>>, vector<16xf32>,
          %parallel_loop3A_380 = arith.addf %parallel_loop3A_376, %parallel_loop3A_379 : vector<16xf32>
          %parallel_loop3A_381 = arith.constant 0.000000e+00 : f32
          %parallel_loop3A_382 = vector.broadcast %parallel_loop3A_381 : f32 to vector<16xf32>
          %parallel_loop3A_383 = arith.subf %parallel_loop3A_382, %parallel_loop3A_380 : vector<16xf32>
          %parallel_loop3A_384 = math.exp %parallel_loop3A_383 : vector<16xf32>
          %parallel_loop3A_385 = arith.constant 1.000000e+00 : f32
          %parallel_loop3A_386 = vector.broadcast %parallel_loop3A_385 : f32 to vector<16xf32>
          %parallel_loop3A_387 = arith.addf %parallel_loop3A_386, %parallel_loop3A_384 : vector<16xf32>
          %parallel_loop3A_388 = arith.divf %parallel_loop3A_380, %parallel_loop3A_387 : vector<16xf32>
          %parallel_loop3A_389 = arith.mulf %parallel_loop3A_388, %get3A_22 : vector<16xf32>
          %parallel_loop3A_390 = arith.addf %parallel_loop3A_369, %parallel_loop3A_389 : vector<16xf32>
          %parallel_loop3A_391 = arith.index_cast %parallel_loop3A_241 : i32 to index
          %parallel_loop3A_392 = arith.constant 112 : index
          %parallel_loop3A_393 = tpu.vector_load %arg13[%parallel_loop3A_391, %parallel_loop3A_392] {strides = array<i32>} : memref<25x128xf32, #tpu.memory_space<vmem>>, vector<16xf32>,
          %parallel_loop3A_394 = arith.index_cast %parallel_loop3A_241 : i32 to index
          %parallel_loop3A_395 = arith.constant 112 : index
          %parallel_loop3A_396 = tpu.vector_load %arg15[%parallel_loop3A_394, %parallel_loop3A_395] {strides = array<i32>} : memref<25x128xf32, #tpu.memory_space<vmem>>, vector<16xf32>,
          %parallel_loop3A_397 = arith.addf %parallel_loop3A_393, %parallel_loop3A_396 : vector<16xf32>
          %parallel_loop3A_398 = arith.index_cast %parallel_loop3A_241 : i32 to index
          %parallel_loop3A_399 = arith.constant 112 : index
          %parallel_loop3A_400 = tpu.vector_load %arg17[%parallel_loop3A_398, %parallel_loop3A_399] {strides = array<i32>} : memref<25x128xf32, #tpu.memory_space<vmem>>, vector<16xf32>,
          %parallel_loop3A_401 = arith.addf %parallel_loop3A_397, %parallel_loop3A_400 : vector<16xf32>
          %parallel_loop3A_402 = arith.constant 0.000000e+00 : f32
          %parallel_loop3A_403 = vector.broadcast %parallel_loop3A_402 : f32 to vector<16xf32>
          %parallel_loop3A_404 = arith.subf %parallel_loop3A_403, %parallel_loop3A_401 : vector<16xf32>
          %parallel_loop3A_405 = math.exp %parallel_loop3A_404 : vector<16xf32>
          %parallel_loop3A_406 = arith.constant 1.000000e+00 : f32
          %parallel_loop3A_407 = vector.broadcast %parallel_loop3A_406 : f32 to vector<16xf32>
          %parallel_loop3A_408 = arith.addf %parallel_loop3A_407, %parallel_loop3A_405 : vector<16xf32>
          %parallel_loop3A_409 = arith.divf %parallel_loop3A_401, %parallel_loop3A_408 : vector<16xf32>
          %parallel_loop3A_410 = arith.mulf %parallel_loop3A_409, %get3A_24 : vector<16xf32>
          %parallel_loop3A_411 = arith.addf %parallel_loop3A_390, %parallel_loop3A_410 : vector<16xf32>
          %parallel_loop3A_412 = arith.constant true
          %parallel_loop3A_413 = vector.broadcast %parallel_loop3A_412 : i1 to vector<16xi1>
          %parallel_loop3A_414 = tpu.scan <sum>, %parallel_loop3A_411 masked %parallel_loop3A_413 : vector<16xf32>, vector<16xi1> -> vector<16xf32>
          %parallel_loop3A_415 = vector.extract %parallel_loop3A_414[15] : f32 from vector<16xf32>
          %parallel_loop3A_416 = vector.broadcast %parallel_loop3A_415 : f32 to vector<16xf32>
          %parallel_loop3A_417 = arith.addf %parallel_loop3A_416, %get3A_8 : vector<16xf32>
          %parallel_loop3A_418 = arith.constant 0.000000e+00 : f32
          %parallel_loop3A_419 = vector.broadcast %parallel_loop3A_418 : f32 to vector<16xf32>
          %parallel_loop3A_420 = arith.subf %parallel_loop3A_419, %parallel_loop3A_417 : vector<16xf32>
          %parallel_loop3A_421 = math.exp %parallel_loop3A_420 : vector<16xf32>
          %parallel_loop3A_422 = arith.constant 1.000000e+00 : f32
          %parallel_loop3A_423 = vector.broadcast %parallel_loop3A_422 : f32 to vector<16xf32>
          %parallel_loop3A_424 = arith.addf %parallel_loop3A_423, %parallel_loop3A_421 : vector<16xf32>
          %parallel_loop3A_425 = arith.constant 1.000000e+00 : f32
          %parallel_loop3A_426 = vector.broadcast %parallel_loop3A_425 : f32 to vector<16xf32>
          %parallel_loop3A_427 = arith.divf %parallel_loop3A_426, %parallel_loop3A_424 : vector<16xf32>
          %parallel_loop3A_428 = arith.mulf %parallel_loop3A_262, %parallel_loop3A_427 : vector<16xf32>
          %parallel_loop3A_429 = arith.index_cast %parallel_loop3A_241 : i32 to index
          %parallel_loop3A_430 = arith.constant 0 : index
          %parallel_loop3A_431 = tpu.vector_load %arg19[%parallel_loop3A_429, %parallel_loop3A_430] {strides = array<i32>} : memref<25x128xf32, #tpu.memory_space<vmem>>, vector<16xf32>,
          tpu.vector_store %arg19[%parallel_loop3A_429, %parallel_loop3A_430], %parallel_loop3A_428 {strides = array<i32>} : memref<25x128xf32, #tpu.memory_space<vmem>>, vector<16xf32>,
          %parallel_loop3A_432 = arith.mulf %parallel_loop3A_283, %parallel_loop3A_427 : vector<16xf32>
          %parallel_loop3A_433 = arith.index_cast %parallel_loop3A_241 : i32 to index
          %parallel_loop3A_434 = arith.constant 16 : index
          %parallel_loop3A_435 = tpu.vector_load %arg19[%parallel_loop3A_433, %parallel_loop3A_434] {strides = array<i32>} : memref<25x128xf32, #tpu.memory_space<vmem>>, vector<16xf32>,
          tpu.vector_store %arg19[%parallel_loop3A_433, %parallel_loop3A_434], %parallel_loop3A_432 {strides = array<i32>} : memref<25x128xf32, #tpu.memory_space<vmem>>, vector<16xf32>,
          %parallel_loop3A_436 = arith.mulf %parallel_loop3A_304, %parallel_loop3A_427 : vector<16xf32>
          %parallel_loop3A_437 = arith.index_cast %parallel_loop3A_241 : i32 to index
          %parallel_loop3A_438 = arith.constant 32 : index
          %parallel_loop3A_439 = tpu.vector_load %arg19[%parallel_loop3A_437, %parallel_loop3A_438] {strides = array<i32>} : memref<25x128xf32, #tpu.memory_space<vmem>>, vector<16xf32>,
          tpu.vector_store %arg19[%parallel_loop3A_437, %parallel_loop3A_438], %parallel_loop3A_436 {strides = array<i32>} : memref<25x128xf32, #tpu.memory_space<vmem>>, vector<16xf32>,
          %parallel_loop3A_440 = arith.mulf %parallel_loop3A_325, %parallel_loop3A_427 : vector<16xf32>
          %parallel_loop3A_441 = arith.index_cast %parallel_loop3A_241 : i32 to index
          %parallel_loop3A_442 = arith.constant 48 : index
          %parallel_loop3A_443 = tpu.vector_load %arg19[%parallel_loop3A_441, %parallel_loop3A_442] {strides = array<i32>} : memref<25x128xf32, #tpu.memory_space<vmem>>, vector<16xf32>,
          tpu.vector_store %arg19[%parallel_loop3A_441, %parallel_loop3A_442], %parallel_loop3A_440 {strides = array<i32>} : memref<25x128xf32, #tpu.memory_space<vmem>>, vector<16xf32>,
          %parallel_loop3A_444 = arith.mulf %parallel_loop3A_346, %parallel_loop3A_427 : vector<16xf32>
          %parallel_loop3A_445 = arith.index_cast %parallel_loop3A_241 : i32 to index
          %parallel_loop3A_446 = arith.constant 64 : index
          %parallel_loop3A_447 = tpu.vector_load %arg19[%parallel_loop3A_445, %parallel_loop3A_446] {strides = array<i32>} : memref<25x128xf32, #tpu.memory_space<vmem>>, vector<16xf32>,
          tpu.vector_store %arg19[%parallel_loop3A_445, %parallel_loop3A_446], %parallel_loop3A_444 {strides = array<i32>} : memref<25x128xf32, #tpu.memory_space<vmem>>, vector<16xf32>,
          %parallel_loop3A_448 = arith.mulf %parallel_loop3A_367, %parallel_loop3A_427 : vector<16xf32>
          %parallel_loop3A_449 = arith.index_cast %parallel_loop3A_241 : i32 to index
          %parallel_loop3A_450 = arith.constant 80 : index
          %parallel_loop3A_451 = tpu.vector_load %arg19[%parallel_loop3A_449, %parallel_loop3A_450] {strides = array<i32>} : memref<25x128xf32, #tpu.memory_space<vmem>>, vector<16xf32>,
          tpu.vector_store %arg19[%parallel_loop3A_449, %parallel_loop3A_450], %parallel_loop3A_448 {strides = array<i32>} : memref<25x128xf32, #tpu.memory_space<vmem>>, vector<16xf32>,
          %parallel_loop3A_452 = arith.mulf %parallel_loop3A_388, %parallel_loop3A_427 : vector<16xf32>
          %parallel_loop3A_453 = arith.index_cast %parallel_loop3A_241 : i32 to index
          %parallel_loop3A_454 = arith.constant 96 : index
          %parallel_loop3A_455 = tpu.vector_load %arg19[%parallel_loop3A_453, %parallel_loop3A_454] {strides = array<i32>} : memref<25x128xf32, #tpu.memory_space<vmem>>, vector<16xf32>,
          tpu.vector_store %arg19[%parallel_loop3A_453, %parallel_loop3A_454], %parallel_loop3A_452 {strides = array<i32>} : memref<25x128xf32, #tpu.memory_space<vmem>>, vector<16xf32>,
          %parallel_loop3A_456 = arith.mulf %parallel_loop3A_409, %parallel_loop3A_427 : vector<16xf32>
          %parallel_loop3A_457 = arith.index_cast %parallel_loop3A_241 : i32 to index
          %parallel_loop3A_458 = arith.constant 112 : index
          %parallel_loop3A_459 = tpu.vector_load %arg19[%parallel_loop3A_457, %parallel_loop3A_458] {strides = array<i32>} : memref<25x128xf32, #tpu.memory_space<vmem>>, vector<16xf32>,
          tpu.vector_store %arg19[%parallel_loop3A_457, %parallel_loop3A_458], %parallel_loop3A_456 {strides = array<i32>} : memref<25x128xf32, #tpu.memory_space<vmem>>, vector<16xf32>,
        } {sc.loop_unroll_factor = 1 : i64, sc.parallel_access}
        %dma_start3A_185 = arith.constant 0 : i32
        %dma_start3A_186 = tpu.memref_slice %arg12[%add3A_158, %dma_start3A_185] : memref<50x25xi32, #tpu.memory_space<vmem>> -> memref<1x25xi32, #tpu.memory_space<vmem>>
        %dma_start3A_187 = tpu.memref_squeeze %dma_start3A_186 : memref<1x25xi32, #tpu.memory_space<vmem>> -> memref<25xi32, #tpu.memory_space<vmem>>
        %dma_start3A_188 = arith.constant 0 : i32
        %dma_start3A_189 = arith.constant 0 : i32
        %dma_start3A_190 = tpu.memref_slice %arg26[%dma_start3A_188, %dma_start3A_189] : memref<10000x128xf32, #tpu.memory_space<vmem_shared>> -> memref<10000x128xf32, #tpu.memory_space<vmem_shared>>
        tpu.enqueue_indirect_dma source(%arg19 : memref<25x128xf32, #tpu.memory_space<vmem>>) target(%dma_start3A_190 : memref<10000x128xf32, #tpu.memory_space<vmem_shared>>) offsets(%dma_start3A_187 : memref<25xi32, #tpu.memory_space<vmem>>) semaphore(%arg33 : memref<!tpu.dma_semaphore, #tpu.memory_space<semaphore_mem>>) {add = true}
        %add3A_191 = arith.constant 2 : i32
        %add3A_192 = arith.addi %add3A_158, %add3A_191 : i32
        %lt3A = arith.constant 50 : i32
        %lt3A_193 = arith.cmpi slt, %add3A_192, %lt3A : i32
        %convert_element_type3A_194 = arith.extui %lt3A_193 : i1 to i32
        %cond3A_195 = arith.constant 0 : i32
        %cond3A_196 = arith.cmpi ne, %convert_element_type3A_194, %cond3A_195 : i32
        scf.if %cond3A_196 {
          %add3A_241 = arith.constant 2 : i32
          %add3A_242 = arith.addi %add3A_158, %add3A_241 : i32
          %mul3A_243 = arith.constant 8 : i32
          %mul3A_244 = arith.muli %add3A, %mul3A_243 : i32
          %add3A_245 = arith.addi %mul3A_244, %scan3A_58 : i32
          %mul3A_246 = arith.constant 50 : i32
          %mul3A_247 = arith.muli %add3A_245, %mul3A_246 : i32
          %mul3A_248 = arith.constant 25 : i32
          %mul3A_249 = arith.muli %mul3A_247, %mul3A_248 : i32
          %mul3A_250 = arith.constant 25 : i32
          %mul3A_251 = arith.muli %add3A_242, %mul3A_250 : i32
          %add3A_252 = arith.addi %mul3A_249, %mul3A_251 : i32
          %iota3A_253 = tpu.iota {dimensions = array<i32: 0>} : vector<16xi32>
          %add3A_254 = vector.broadcast %add3A_252 : i32 to vector<16xi32>
          %add3A_255 = arith.addi %iota3A_253, %add3A_254 : vector<16xi32>
          %swap3A_256 = arith.constant 0 : index
          %swap3A_257 = tpu.vector_load %arg21[%swap3A_256] {strides = array<i32>} : memref<48xi32, #tpu.memory_space<vmem>>, vector<16xi32>,
          tpu.vector_store %arg21[%swap3A_256], %add3A_255 {strides = array<i32>} : memref<48xi32, #tpu.memory_space<vmem>>, vector<16xi32>,
          %add3A_258 = arith.constant 16 : i32
          %add3A_259 = arith.addi %add3A_252, %add3A_258 : i32
          %add3A_260 = vector.broadcast %add3A_259 : i32 to vector<16xi32>
          %add3A_261 = arith.addi %iota3A_253, %add3A_260 : vector<16xi32>
          %swap3A_262 = arith.constant 16 : index
          %swap3A_263 = tpu.vector_load %arg21[%swap3A_262] {strides = array<i32>} : memref<48xi32, #tpu.memory_space<vmem>>, vector<16xi32>,
          tpu.vector_store %arg21[%swap3A_262], %add3A_261 {strides = array<i32>} : memref<48xi32, #tpu.memory_space<vmem>>, vector<16xi32>,
          %add3A_264 = arith.constant 32 : i32
          %add3A_265 = arith.addi %add3A_252, %add3A_264 : i32
          %add3A_266 = vector.broadcast %add3A_265 : i32 to vector<16xi32>
          %add3A_267 = arith.addi %iota3A_253, %add3A_266 : vector<16xi32>
          %swap3A_268 = arith.constant 32 : index
          %swap3A_269 = tpu.vector_load %arg21[%swap3A_268] {strides = array<i32>} : memref<48xi32, #tpu.memory_space<vmem>>, vector<16xi32>,
          tpu.vector_store %arg21[%swap3A_268], %add3A_267 {strides = array<i32>} : memref<48xi32, #tpu.memory_space<vmem>>, vector<16xi32>,
          %dma_start3A_270 = arith.constant 0 : i32
          %dma_start3A_271 = tpu.memref_slice %arg11[%add3A_242, %dma_start3A_270] : memref<50x25xi32, #tpu.memory_space<vmem>> -> memref<1x25xi32, #tpu.memory_space<vmem>>
          %dma_start3A_272 = tpu.memref_squeeze %dma_start3A_271 : memref<1x25xi32, #tpu.memory_space<vmem>> -> memref<25xi32, #tpu.memory_space<vmem>>
          %dma_start3A_273 = arith.constant 0 : i32
          %dma_start3A_274 = arith.constant 0 : i32
          %dma_start3A_275 = tpu.memref_slice %arg2[%dma_start3A_273, %dma_start3A_274] : memref<10000x128xf32, #tpu.memory_space<hbm>> -> memref<10000x128xf32, #tpu.memory_space<hbm>>
          tpu.enqueue_indirect_dma source(%dma_start3A_275 : memref<10000x128xf32, #tpu.memory_space<hbm>>) target(%arg13 : memref<25x128xf32, #tpu.memory_space<vmem>>) offsets(%dma_start3A_272 : memref<25xi32, #tpu.memory_space<vmem>>) semaphore(%arg27 : memref<!tpu.dma_semaphore, #tpu.memory_space<semaphore_mem>>)
          %dma_start3A_276 = arith.constant 0 : i32
          %dma_start3A_277 = tpu.memref_slice %arg12[%add3A_242, %dma_start3A_276] : memref<50x25xi32, #tpu.memory_space<vmem>> -> memref<1x25xi32, #tpu.memory_space<vmem>>
          %dma_start3A_278 = tpu.memref_squeeze %dma_start3A_277 : memref<1x25xi32, #tpu.memory_space<vmem>> -> memref<25xi32, #tpu.memory_space<vmem>>
          %dma_start3A_279 = arith.constant 0 : i32
          %dma_start3A_280 = arith.constant 0 : i32
          %dma_start3A_281 = tpu.memref_slice %arg3[%dma_start3A_279, %dma_start3A_280] : memref<10000x128xf32, #tpu.memory_space<hbm>> -> memref<10000x128xf32, #tpu.memory_space<hbm>>
          tpu.enqueue_indirect_dma source(%dma_start3A_281 : memref<10000x128xf32, #tpu.memory_space<hbm>>) target(%arg15 : memref<25x128xf32, #tpu.memory_space<vmem>>) offsets(%dma_start3A_278 : memref<25xi32, #tpu.memory_space<vmem>>) semaphore(%arg28 : memref<!tpu.dma_semaphore, #tpu.memory_space<semaphore_mem>>)
          %dma_start3A_282 = arith.constant 0 : i32
          %dma_start3A_283 = tpu.memref_slice %arg21[%dma_start3A_282] : memref<48xi32, #tpu.memory_space<vmem>> -> memref<25xi32, #tpu.memory_space<vmem>>
          %dma_start3A_284 = arith.constant 0 : i32
          %dma_start3A_285 = arith.constant 0 : i32
          %dma_start3A_286 = tpu.memref_slice %arg4[%dma_start3A_284, %dma_start3A_285] : memref<320000x128xf32, #tpu.memory_space<hbm>> -> memref<320000x128xf32, #tpu.memory_space<hbm>>
          tpu.enqueue_indirect_dma source(%dma_start3A_286 : memref<320000x128xf32, #tpu.memory_space<hbm>>) target(%arg17 : memref<25x128xf32, #tpu.memory_space<vmem>>) offsets(%dma_start3A_283 : memref<25xi32, #tpu.memory_space<vmem>>) semaphore(%arg29 : memref<!tpu.dma_semaphore, #tpu.memory_space<semaphore_mem>>)
        } else {
        }
        %mul3A_197 = arith.constant 2 : i32
        %mul3A_198 = arith.muli %mul3A_197, %scan3A_154 : i32
        %add3A_199 = arith.constant 1 : i32
        %add3A_200 = arith.addi %mul3A_198, %add3A_199 : i32
        %dma_wait3A_201 = arith.constant 0 : i32
        %dma_wait3A_202 = arith.constant 0 : i32
        %dma_wait3A_203 = tpu.memref_slice %arg11[%dma_wait3A_201, %dma_wait3A_202] : memref<50x25xi32, #tpu.memory_space<vmem>> -> memref<1x25xi32, #tpu.memory_space<vmem>>
        %dma_wait3A_204 = tpu.memref_squeeze %dma_wait3A_203 : memref<1x25xi32, #tpu.memory_space<vmem>> -> memref<25xi32, #tpu.memory_space<vmem>>
        %dma_wait3A_205 = arith.constant 0 : i32
        %dma_wait3A_206 = arith.constant 0 : i32
        %dma_wait3A_207 = tpu.memref_slice %arg2[%dma_wait3A_205, %dma_wait3A_206] : memref<10000x128xf32, #tpu.memory_space<hbm>> -> memref<10000x128xf32, #tpu.memory_space<hbm>>
        tpu.wait_indirect_dma semaphore(%arg30 : memref<!tpu.dma_semaphore, #tpu.memory_space<semaphore_mem>>) src(%dma_wait3A_207 : memref<10000x128xf32, #tpu.memory_space<hbm>>) dst(%arg14 : memref<25x128xf32, #tpu.memory_space<vmem>>)
        %dma_wait3A_208 = arith.constant 0 : i32
        %dma_wait3A_209 = arith.constant 0 : i32
        %dma_wait3A_210 = tpu.memref_slice %arg12[%dma_wait3A_208, %dma_wait3A_209] : memref<50x25xi32, #tpu.memory_space<vmem>> -> memref<1x25xi32, #tpu.memory_space<vmem>>
        %dma_wait3A_211 = tpu.memref_squeeze %dma_wait3A_210 : memref<1x25xi32, #tpu.memory_space<vmem>> -> memref<25xi32, #tpu.memory_space<vmem>>
        %dma_wait3A_212 = arith.constant 0 : i32
        %dma_wait3A_213 = arith.constant 0 : i32
        %dma_wait3A_214 = tpu.memref_slice %arg3[%dma_wait3A_212, %dma_wait3A_213] : memref<10000x128xf32, #tpu.memory_space<hbm>> -> memref<10000x128xf32, #tpu.memory_space<hbm>>
        tpu.wait_indirect_dma semaphore(%arg31 : memref<!tpu.dma_semaphore, #tpu.memory_space<semaphore_mem>>) src(%dma_wait3A_214 : memref<10000x128xf32, #tpu.memory_space<hbm>>) dst(%arg16 : memref<25x128xf32, #tpu.memory_space<vmem>>)
        %dma_wait3A_215 = arith.constant 0 : i32
        %dma_wait3A_216 = tpu.memref_slice %arg22[%dma_wait3A_215] : memref<48xi32, #tpu.memory_space<vmem>> -> memref<25xi32, #tpu.memory_space<vmem>>
        %dma_wait3A_217 = arith.constant 0 : i32
        %dma_wait3A_218 = arith.constant 0 : i32
        %dma_wait3A_219 = tpu.memref_slice %arg4[%dma_wait3A_217, %dma_wait3A_218] : memref<320000x128xf32, #tpu.memory_space<hbm>> -> memref<320000x128xf32, #tpu.memory_space<hbm>>
        tpu.wait_indirect_dma semaphore(%arg32 : memref<!tpu.dma_semaphore, #tpu.memory_space<semaphore_mem>>) src(%dma_wait3A_219 : memref<320000x128xf32, #tpu.memory_space<hbm>>) dst(%arg18 : memref<25x128xf32, #tpu.memory_space<vmem>>)
        %gt3A_220 = arith.constant 0 : i32
        %gt3A_221 = arith.cmpi sgt, %scan3A_154, %gt3A_220 : i32
        %convert_element_type3A_222 = arith.extui %gt3A_221 : i1 to i32
        %cond3A_223 = arith.constant 0 : i32
        %cond3A_224 = arith.cmpi ne, %convert_element_type3A_222, %cond3A_223 : i32
        scf.if %cond3A_224 {
          %dma_wait3A_241 = arith.constant 0 : i32
          %dma_wait3A_242 = arith.constant 0 : i32
          %dma_wait3A_243 = tpu.memref_slice %arg12[%dma_wait3A_241, %dma_wait3A_242] : memref<50x25xi32, #tpu.memory_space<vmem>> -> memref<1x25xi32, #tpu.memory_space<vmem>>
          %dma_wait3A_244 = tpu.memref_squeeze %dma_wait3A_243 : memref<1x25xi32, #tpu.memory_space<vmem>> -> memref<25xi32, #tpu.memory_space<vmem>>
          %dma_wait3A_245 = arith.constant 0 : i32
          %dma_wait3A_246 = arith.constant 0 : i32
          %dma_wait3A_247 = tpu.memref_slice %arg26[%dma_wait3A_245, %dma_wait3A_246] : memref<10000x128xf32, #tpu.memory_space<vmem_shared>> -> memref<10000x128xf32, #tpu.memory_space<vmem_shared>>
          tpu.wait_indirect_dma semaphore(%arg34 : memref<!tpu.dma_semaphore, #tpu.memory_space<semaphore_mem>>) src(%arg20 : memref<25x128xf32, #tpu.memory_space<vmem>>) dst(%dma_wait3A_247 : memref<10000x128xf32, #tpu.memory_space<vmem_shared>>)
        } else {
        }
        %parallel_loop3A_225 = arith.constant 0 : i32
        %parallel_loop3A_226 = arith.constant 25 : i32
        %parallel_loop3A_227 = arith.constant 1 : i32
        scf.for %parallel_loop3A_241 = %parallel_loop3A_225 to %parallel_loop3A_226 step %parallel_loop3A_227  : i32 {
          %parallel_loop3A_242 = arith.constant 0.000000e+00 : f32
          %parallel_loop3A_243 = vector.broadcast %parallel_loop3A_242 : f32 to vector<16xf32>
          %parallel_loop3A_244 = arith.index_cast %parallel_loop3A_241 : i32 to index
          %parallel_loop3A_245 = arith.constant 0 : index
          %parallel_loop3A_246 = tpu.vector_load %arg14[%parallel_loop3A_244, %parallel_loop3A_245] {strides = array<i32>} : memref<25x128xf32, #tpu.memory_space<vmem>>, vector<16xf32>,
          %parallel_loop3A_247 = arith.index_cast %parallel_loop3A_241 : i32 to index
          %parallel_loop3A_248 = arith.constant 0 : index
          %parallel_loop3A_249 = tpu.vector_load %arg16[%parallel_loop3A_247, %parallel_loop3A_248] {strides = array<i32>} : memref<25x128xf32, #tpu.memory_space<vmem>>, vector<16xf32>,
          %parallel_loop3A_250 = arith.addf %parallel_loop3A_246, %parallel_loop3A_249 : vector<16xf32>
          %parallel_loop3A_251 = arith.index_cast %parallel_loop3A_241 : i32 to index
          %parallel_loop3A_252 = arith.constant 0 : index
          %parallel_loop3A_253 = tpu.vector_load %arg18[%parallel_loop3A_251, %parallel_loop3A_252] {strides = array<i32>} : memref<25x128xf32, #tpu.memory_space<vmem>>, vector<16xf32>,
          %parallel_loop3A_254 = arith.addf %parallel_loop3A_250, %parallel_loop3A_253 : vector<16xf32>
          %parallel_loop3A_255 = arith.constant 0.000000e+00 : f32
          %parallel_loop3A_256 = vector.broadcast %parallel_loop3A_255 : f32 to vector<16xf32>
          %parallel_loop3A_257 = arith.subf %parallel_loop3A_256, %parallel_loop3A_254 : vector<16xf32>
          %parallel_loop3A_258 = math.exp %parallel_loop3A_257 : vector<16xf32>
          %parallel_loop3A_259 = arith.constant 1.000000e+00 : f32
          %parallel_loop3A_260 = vector.broadcast %parallel_loop3A_259 : f32 to vector<16xf32>
          %parallel_loop3A_261 = arith.addf %parallel_loop3A_260, %parallel_loop3A_258 : vector<16xf32>
          %parallel_loop3A_262 = arith.divf %parallel_loop3A_254, %parallel_loop3A_261 : vector<16xf32>
          %parallel_loop3A_263 = arith.mulf %parallel_loop3A_262, %get3A_10 : vector<16xf32>
          %parallel_loop3A_264 = arith.addf %parallel_loop3A_243, %parallel_loop3A_263 : vector<16xf32>
          %parallel_loop3A_265 = arith.index_cast %parallel_loop3A_241 : i32 to index
          %parallel_loop3A_266 = arith.constant 16 : index
          %parallel_loop3A_267 = tpu.vector_load %arg14[%parallel_loop3A_265, %parallel_loop3A_266] {strides = array<i32>} : memref<25x128xf32, #tpu.memory_space<vmem>>, vector<16xf32>,
          %parallel_loop3A_268 = arith.index_cast %parallel_loop3A_241 : i32 to index
          %parallel_loop3A_269 = arith.constant 16 : index
          %parallel_loop3A_270 = tpu.vector_load %arg16[%parallel_loop3A_268, %parallel_loop3A_269] {strides = array<i32>} : memref<25x128xf32, #tpu.memory_space<vmem>>, vector<16xf32>,
          %parallel_loop3A_271 = arith.addf %parallel_loop3A_267, %parallel_loop3A_270 : vector<16xf32>
          %parallel_loop3A_272 = arith.index_cast %parallel_loop3A_241 : i32 to index
          %parallel_loop3A_273 = arith.constant 16 : index
          %parallel_loop3A_274 = tpu.vector_load %arg18[%parallel_loop3A_272, %parallel_loop3A_273] {strides = array<i32>} : memref<25x128xf32, #tpu.memory_space<vmem>>, vector<16xf32>,
          %parallel_loop3A_275 = arith.addf %parallel_loop3A_271, %parallel_loop3A_274 : vector<16xf32>
          %parallel_loop3A_276 = arith.constant 0.000000e+00 : f32
          %parallel_loop3A_277 = vector.broadcast %parallel_loop3A_276 : f32 to vector<16xf32>
          %parallel_loop3A_278 = arith.subf %parallel_loop3A_277, %parallel_loop3A_275 : vector<16xf32>
          %parallel_loop3A_279 = math.exp %parallel_loop3A_278 : vector<16xf32>
          %parallel_loop3A_280 = arith.constant 1.000000e+00 : f32
          %parallel_loop3A_281 = vector.broadcast %parallel_loop3A_280 : f32 to vector<16xf32>
          %parallel_loop3A_282 = arith.addf %parallel_loop3A_281, %parallel_loop3A_279 : vector<16xf32>
          %parallel_loop3A_283 = arith.divf %parallel_loop3A_275, %parallel_loop3A_282 : vector<16xf32>
          %parallel_loop3A_284 = arith.mulf %parallel_loop3A_283, %get3A_12 : vector<16xf32>
          %parallel_loop3A_285 = arith.addf %parallel_loop3A_264, %parallel_loop3A_284 : vector<16xf32>
          %parallel_loop3A_286 = arith.index_cast %parallel_loop3A_241 : i32 to index
          %parallel_loop3A_287 = arith.constant 32 : index
          %parallel_loop3A_288 = tpu.vector_load %arg14[%parallel_loop3A_286, %parallel_loop3A_287] {strides = array<i32>} : memref<25x128xf32, #tpu.memory_space<vmem>>, vector<16xf32>,
          %parallel_loop3A_289 = arith.index_cast %parallel_loop3A_241 : i32 to index
          %parallel_loop3A_290 = arith.constant 32 : index
          %parallel_loop3A_291 = tpu.vector_load %arg16[%parallel_loop3A_289, %parallel_loop3A_290] {strides = array<i32>} : memref<25x128xf32, #tpu.memory_space<vmem>>, vector<16xf32>,
          %parallel_loop3A_292 = arith.addf %parallel_loop3A_288, %parallel_loop3A_291 : vector<16xf32>
          %parallel_loop3A_293 = arith.index_cast %parallel_loop3A_241 : i32 to index
          %parallel_loop3A_294 = arith.constant 32 : index
          %parallel_loop3A_295 = tpu.vector_load %arg18[%parallel_loop3A_293, %parallel_loop3A_294] {strides = array<i32>} : memref<25x128xf32, #tpu.memory_space<vmem>>, vector<16xf32>,
          %parallel_loop3A_296 = arith.addf %parallel_loop3A_292, %parallel_loop3A_295 : vector<16xf32>
          %parallel_loop3A_297 = arith.constant 0.000000e+00 : f32
          %parallel_loop3A_298 = vector.broadcast %parallel_loop3A_297 : f32 to vector<16xf32>
          %parallel_loop3A_299 = arith.subf %parallel_loop3A_298, %parallel_loop3A_296 : vector<16xf32>
          %parallel_loop3A_300 = math.exp %parallel_loop3A_299 : vector<16xf32>
          %parallel_loop3A_301 = arith.constant 1.000000e+00 : f32
          %parallel_loop3A_302 = vector.broadcast %parallel_loop3A_301 : f32 to vector<16xf32>
          %parallel_loop3A_303 = arith.addf %parallel_loop3A_302, %parallel_loop3A_300 : vector<16xf32>
          %parallel_loop3A_304 = arith.divf %parallel_loop3A_296, %parallel_loop3A_303 : vector<16xf32>
          %parallel_loop3A_305 = arith.mulf %parallel_loop3A_304, %get3A_14 : vector<16xf32>
          %parallel_loop3A_306 = arith.addf %parallel_loop3A_285, %parallel_loop3A_305 : vector<16xf32>
          %parallel_loop3A_307 = arith.index_cast %parallel_loop3A_241 : i32 to index
          %parallel_loop3A_308 = arith.constant 48 : index
          %parallel_loop3A_309 = tpu.vector_load %arg14[%parallel_loop3A_307, %parallel_loop3A_308] {strides = array<i32>} : memref<25x128xf32, #tpu.memory_space<vmem>>, vector<16xf32>,
          %parallel_loop3A_310 = arith.index_cast %parallel_loop3A_241 : i32 to index
          %parallel_loop3A_311 = arith.constant 48 : index
          %parallel_loop3A_312 = tpu.vector_load %arg16[%parallel_loop3A_310, %parallel_loop3A_311] {strides = array<i32>} : memref<25x128xf32, #tpu.memory_space<vmem>>, vector<16xf32>,
          %parallel_loop3A_313 = arith.addf %parallel_loop3A_309, %parallel_loop3A_312 : vector<16xf32>
          %parallel_loop3A_314 = arith.index_cast %parallel_loop3A_241 : i32 to index
          %parallel_loop3A_315 = arith.constant 48 : index
          %parallel_loop3A_316 = tpu.vector_load %arg18[%parallel_loop3A_314, %parallel_loop3A_315] {strides = array<i32>} : memref<25x128xf32, #tpu.memory_space<vmem>>, vector<16xf32>,
          %parallel_loop3A_317 = arith.addf %parallel_loop3A_313, %parallel_loop3A_316 : vector<16xf32>
          %parallel_loop3A_318 = arith.constant 0.000000e+00 : f32
          %parallel_loop3A_319 = vector.broadcast %parallel_loop3A_318 : f32 to vector<16xf32>
          %parallel_loop3A_320 = arith.subf %parallel_loop3A_319, %parallel_loop3A_317 : vector<16xf32>
          %parallel_loop3A_321 = math.exp %parallel_loop3A_320 : vector<16xf32>
          %parallel_loop3A_322 = arith.constant 1.000000e+00 : f32
          %parallel_loop3A_323 = vector.broadcast %parallel_loop3A_322 : f32 to vector<16xf32>
          %parallel_loop3A_324 = arith.addf %parallel_loop3A_323, %parallel_loop3A_321 : vector<16xf32>
          %parallel_loop3A_325 = arith.divf %parallel_loop3A_317, %parallel_loop3A_324 : vector<16xf32>
          %parallel_loop3A_326 = arith.mulf %parallel_loop3A_325, %get3A_16 : vector<16xf32>
          %parallel_loop3A_327 = arith.addf %parallel_loop3A_306, %parallel_loop3A_326 : vector<16xf32>
          %parallel_loop3A_328 = arith.index_cast %parallel_loop3A_241 : i32 to index
          %parallel_loop3A_329 = arith.constant 64 : index
          %parallel_loop3A_330 = tpu.vector_load %arg14[%parallel_loop3A_328, %parallel_loop3A_329] {strides = array<i32>} : memref<25x128xf32, #tpu.memory_space<vmem>>, vector<16xf32>,
          %parallel_loop3A_331 = arith.index_cast %parallel_loop3A_241 : i32 to index
          %parallel_loop3A_332 = arith.constant 64 : index
          %parallel_loop3A_333 = tpu.vector_load %arg16[%parallel_loop3A_331, %parallel_loop3A_332] {strides = array<i32>} : memref<25x128xf32, #tpu.memory_space<vmem>>, vector<16xf32>,
          %parallel_loop3A_334 = arith.addf %parallel_loop3A_330, %parallel_loop3A_333 : vector<16xf32>
          %parallel_loop3A_335 = arith.index_cast %parallel_loop3A_241 : i32 to index
          %parallel_loop3A_336 = arith.constant 64 : index
          %parallel_loop3A_337 = tpu.vector_load %arg18[%parallel_loop3A_335, %parallel_loop3A_336] {strides = array<i32>} : memref<25x128xf32, #tpu.memory_space<vmem>>, vector<16xf32>,
          %parallel_loop3A_338 = arith.addf %parallel_loop3A_334, %parallel_loop3A_337 : vector<16xf32>
          %parallel_loop3A_339 = arith.constant 0.000000e+00 : f32
          %parallel_loop3A_340 = vector.broadcast %parallel_loop3A_339 : f32 to vector<16xf32>
          %parallel_loop3A_341 = arith.subf %parallel_loop3A_340, %parallel_loop3A_338 : vector<16xf32>
          %parallel_loop3A_342 = math.exp %parallel_loop3A_341 : vector<16xf32>
          %parallel_loop3A_343 = arith.constant 1.000000e+00 : f32
          %parallel_loop3A_344 = vector.broadcast %parallel_loop3A_343 : f32 to vector<16xf32>
          %parallel_loop3A_345 = arith.addf %parallel_loop3A_344, %parallel_loop3A_342 : vector<16xf32>
          %parallel_loop3A_346 = arith.divf %parallel_loop3A_338, %parallel_loop3A_345 : vector<16xf32>
          %parallel_loop3A_347 = arith.mulf %parallel_loop3A_346, %get3A_18 : vector<16xf32>
          %parallel_loop3A_348 = arith.addf %parallel_loop3A_327, %parallel_loop3A_347 : vector<16xf32>
          %parallel_loop3A_349 = arith.index_cast %parallel_loop3A_241 : i32 to index
          %parallel_loop3A_350 = arith.constant 80 : index
          %parallel_loop3A_351 = tpu.vector_load %arg14[%parallel_loop3A_349, %parallel_loop3A_350] {strides = array<i32>} : memref<25x128xf32, #tpu.memory_space<vmem>>, vector<16xf32>,
          %parallel_loop3A_352 = arith.index_cast %parallel_loop3A_241 : i32 to index
          %parallel_loop3A_353 = arith.constant 80 : index
          %parallel_loop3A_354 = tpu.vector_load %arg16[%parallel_loop3A_352, %parallel_loop3A_353] {strides = array<i32>} : memref<25x128xf32, #tpu.memory_space<vmem>>, vector<16xf32>,
          %parallel_loop3A_355 = arith.addf %parallel_loop3A_351, %parallel_loop3A_354 : vector<16xf32>
          %parallel_loop3A_356 = arith.index_cast %parallel_loop3A_241 : i32 to index
          %parallel_loop3A_357 = arith.constant 80 : index
          %parallel_loop3A_358 = tpu.vector_load %arg18[%parallel_loop3A_356, %parallel_loop3A_357] {strides = array<i32>} : memref<25x128xf32, #tpu.memory_space<vmem>>, vector<16xf32>,
          %parallel_loop3A_359 = arith.addf %parallel_loop3A_355, %parallel_loop3A_358 : vector<16xf32>
          %parallel_loop3A_360 = arith.constant 0.000000e+00 : f32
          %parallel_loop3A_361 = vector.broadcast %parallel_loop3A_360 : f32 to vector<16xf32>
          %parallel_loop3A_362 = arith.subf %parallel_loop3A_361, %parallel_loop3A_359 : vector<16xf32>
          %parallel_loop3A_363 = math.exp %parallel_loop3A_362 : vector<16xf32>
          %parallel_loop3A_364 = arith.constant 1.000000e+00 : f32
          %parallel_loop3A_365 = vector.broadcast %parallel_loop3A_364 : f32 to vector<16xf32>
          %parallel_loop3A_366 = arith.addf %parallel_loop3A_365, %parallel_loop3A_363 : vector<16xf32>
          %parallel_loop3A_367 = arith.divf %parallel_loop3A_359, %parallel_loop3A_366 : vector<16xf32>
          %parallel_loop3A_368 = arith.mulf %parallel_loop3A_367, %get3A_20 : vector<16xf32>
          %parallel_loop3A_369 = arith.addf %parallel_loop3A_348, %parallel_loop3A_368 : vector<16xf32>
          %parallel_loop3A_370 = arith.index_cast %parallel_loop3A_241 : i32 to index
          %parallel_loop3A_371 = arith.constant 96 : index
          %parallel_loop3A_372 = tpu.vector_load %arg14[%parallel_loop3A_370, %parallel_loop3A_371] {strides = array<i32>} : memref<25x128xf32, #tpu.memory_space<vmem>>, vector<16xf32>,
          %parallel_loop3A_373 = arith.index_cast %parallel_loop3A_241 : i32 to index
          %parallel_loop3A_374 = arith.constant 96 : index
          %parallel_loop3A_375 = tpu.vector_load %arg16[%parallel_loop3A_373, %parallel_loop3A_374] {strides = array<i32>} : memref<25x128xf32, #tpu.memory_space<vmem>>, vector<16xf32>,
          %parallel_loop3A_376 = arith.addf %parallel_loop3A_372, %parallel_loop3A_375 : vector<16xf32>
          %parallel_loop3A_377 = arith.index_cast %parallel_loop3A_241 : i32 to index
          %parallel_loop3A_378 = arith.constant 96 : index
          %parallel_loop3A_379 = tpu.vector_load %arg18[%parallel_loop3A_377, %parallel_loop3A_378] {strides = array<i32>} : memref<25x128xf32, #tpu.memory_space<vmem>>, vector<16xf32>,
          %parallel_loop3A_380 = arith.addf %parallel_loop3A_376, %parallel_loop3A_379 : vector<16xf32>
          %parallel_loop3A_381 = arith.constant 0.000000e+00 : f32
          %parallel_loop3A_382 = vector.broadcast %parallel_loop3A_381 : f32 to vector<16xf32>
          %parallel_loop3A_383 = arith.subf %parallel_loop3A_382, %parallel_loop3A_380 : vector<16xf32>
          %parallel_loop3A_384 = math.exp %parallel_loop3A_383 : vector<16xf32>
          %parallel_loop3A_385 = arith.constant 1.000000e+00 : f32
          %parallel_loop3A_386 = vector.broadcast %parallel_loop3A_385 : f32 to vector<16xf32>
          %parallel_loop3A_387 = arith.addf %parallel_loop3A_386, %parallel_loop3A_384 : vector<16xf32>
          %parallel_loop3A_388 = arith.divf %parallel_loop3A_380, %parallel_loop3A_387 : vector<16xf32>
          %parallel_loop3A_389 = arith.mulf %parallel_loop3A_388, %get3A_22 : vector<16xf32>
          %parallel_loop3A_390 = arith.addf %parallel_loop3A_369, %parallel_loop3A_389 : vector<16xf32>
          %parallel_loop3A_391 = arith.index_cast %parallel_loop3A_241 : i32 to index
          %parallel_loop3A_392 = arith.constant 112 : index
          %parallel_loop3A_393 = tpu.vector_load %arg14[%parallel_loop3A_391, %parallel_loop3A_392] {strides = array<i32>} : memref<25x128xf32, #tpu.memory_space<vmem>>, vector<16xf32>,
          %parallel_loop3A_394 = arith.index_cast %parallel_loop3A_241 : i32 to index
          %parallel_loop3A_395 = arith.constant 112 : index
          %parallel_loop3A_396 = tpu.vector_load %arg16[%parallel_loop3A_394, %parallel_loop3A_395] {strides = array<i32>} : memref<25x128xf32, #tpu.memory_space<vmem>>, vector<16xf32>,
          %parallel_loop3A_397 = arith.addf %parallel_loop3A_393, %parallel_loop3A_396 : vector<16xf32>
          %parallel_loop3A_398 = arith.index_cast %parallel_loop3A_241 : i32 to index
          %parallel_loop3A_399 = arith.constant 112 : index
          %parallel_loop3A_400 = tpu.vector_load %arg18[%parallel_loop3A_398, %parallel_loop3A_399] {strides = array<i32>} : memref<25x128xf32, #tpu.memory_space<vmem>>, vector<16xf32>,
          %parallel_loop3A_401 = arith.addf %parallel_loop3A_397, %parallel_loop3A_400 : vector<16xf32>
          %parallel_loop3A_402 = arith.constant 0.000000e+00 : f32
          %parallel_loop3A_403 = vector.broadcast %parallel_loop3A_402 : f32 to vector<16xf32>
          %parallel_loop3A_404 = arith.subf %parallel_loop3A_403, %parallel_loop3A_401 : vector<16xf32>
          %parallel_loop3A_405 = math.exp %parallel_loop3A_404 : vector<16xf32>
          %parallel_loop3A_406 = arith.constant 1.000000e+00 : f32
          %parallel_loop3A_407 = vector.broadcast %parallel_loop3A_406 : f32 to vector<16xf32>
          %parallel_loop3A_408 = arith.addf %parallel_loop3A_407, %parallel_loop3A_405 : vector<16xf32>
          %parallel_loop3A_409 = arith.divf %parallel_loop3A_401, %parallel_loop3A_408 : vector<16xf32>
          %parallel_loop3A_410 = arith.mulf %parallel_loop3A_409, %get3A_24 : vector<16xf32>
          %parallel_loop3A_411 = arith.addf %parallel_loop3A_390, %parallel_loop3A_410 : vector<16xf32>
          %parallel_loop3A_412 = arith.constant true
          %parallel_loop3A_413 = vector.broadcast %parallel_loop3A_412 : i1 to vector<16xi1>
          %parallel_loop3A_414 = tpu.scan <sum>, %parallel_loop3A_411 masked %parallel_loop3A_413 : vector<16xf32>, vector<16xi1> -> vector<16xf32>
          %parallel_loop3A_415 = vector.extract %parallel_loop3A_414[15] : f32 from vector<16xf32>
          %parallel_loop3A_416 = vector.broadcast %parallel_loop3A_415 : f32 to vector<16xf32>
          %parallel_loop3A_417 = arith.addf %parallel_loop3A_416, %get3A_8 : vector<16xf32>
          %parallel_loop3A_418 = arith.constant 0.000000e+00 : f32
          %parallel_loop3A_419 = vector.broadcast %parallel_loop3A_418 : f32 to vector<16xf32>
          %parallel_loop3A_420 = arith.subf %parallel_loop3A_419, %parallel_loop3A_417 : vector<16xf32>
          %parallel_loop3A_421 = math.exp %parallel_loop3A_420 : vector<16xf32>
          %parallel_loop3A_422 = arith.constant 1.000000e+00 : f32
          %parallel_loop3A_423 = vector.broadcast %parallel_loop3A_422 : f32 to vector<16xf32>
          %parallel_loop3A_424 = arith.addf %parallel_loop3A_423, %parallel_loop3A_421 : vector<16xf32>
          %parallel_loop3A_425 = arith.constant 1.000000e+00 : f32
          %parallel_loop3A_426 = vector.broadcast %parallel_loop3A_425 : f32 to vector<16xf32>
          %parallel_loop3A_427 = arith.divf %parallel_loop3A_426, %parallel_loop3A_424 : vector<16xf32>
          %parallel_loop3A_428 = arith.mulf %parallel_loop3A_262, %parallel_loop3A_427 : vector<16xf32>
          %parallel_loop3A_429 = arith.index_cast %parallel_loop3A_241 : i32 to index
          %parallel_loop3A_430 = arith.constant 0 : index
          %parallel_loop3A_431 = tpu.vector_load %arg20[%parallel_loop3A_429, %parallel_loop3A_430] {strides = array<i32>} : memref<25x128xf32, #tpu.memory_space<vmem>>, vector<16xf32>,
          tpu.vector_store %arg20[%parallel_loop3A_429, %parallel_loop3A_430], %parallel_loop3A_428 {strides = array<i32>} : memref<25x128xf32, #tpu.memory_space<vmem>>, vector<16xf32>,
          %parallel_loop3A_432 = arith.mulf %parallel_loop3A_283, %parallel_loop3A_427 : vector<16xf32>
          %parallel_loop3A_433 = arith.index_cast %parallel_loop3A_241 : i32 to index
          %parallel_loop3A_434 = arith.constant 16 : index
          %parallel_loop3A_435 = tpu.vector_load %arg20[%parallel_loop3A_433, %parallel_loop3A_434] {strides = array<i32>} : memref<25x128xf32, #tpu.memory_space<vmem>>, vector<16xf32>,
          tpu.vector_store %arg20[%parallel_loop3A_433, %parallel_loop3A_434], %parallel_loop3A_432 {strides = array<i32>} : memref<25x128xf32, #tpu.memory_space<vmem>>, vector<16xf32>,
          %parallel_loop3A_436 = arith.mulf %parallel_loop3A_304, %parallel_loop3A_427 : vector<16xf32>
          %parallel_loop3A_437 = arith.index_cast %parallel_loop3A_241 : i32 to index
          %parallel_loop3A_438 = arith.constant 32 : index
          %parallel_loop3A_439 = tpu.vector_load %arg20[%parallel_loop3A_437, %parallel_loop3A_438] {strides = array<i32>} : memref<25x128xf32, #tpu.memory_space<vmem>>, vector<16xf32>,
          tpu.vector_store %arg20[%parallel_loop3A_437, %parallel_loop3A_438], %parallel_loop3A_436 {strides = array<i32>} : memref<25x128xf32, #tpu.memory_space<vmem>>, vector<16xf32>,
          %parallel_loop3A_440 = arith.mulf %parallel_loop3A_325, %parallel_loop3A_427 : vector<16xf32>
          %parallel_loop3A_441 = arith.index_cast %parallel_loop3A_241 : i32 to index
          %parallel_loop3A_442 = arith.constant 48 : index
          %parallel_loop3A_443 = tpu.vector_load %arg20[%parallel_loop3A_441, %parallel_loop3A_442] {strides = array<i32>} : memref<25x128xf32, #tpu.memory_space<vmem>>, vector<16xf32>,
          tpu.vector_store %arg20[%parallel_loop3A_441, %parallel_loop3A_442], %parallel_loop3A_440 {strides = array<i32>} : memref<25x128xf32, #tpu.memory_space<vmem>>, vector<16xf32>,
          %parallel_loop3A_444 = arith.mulf %parallel_loop3A_346, %parallel_loop3A_427 : vector<16xf32>
          %parallel_loop3A_445 = arith.index_cast %parallel_loop3A_241 : i32 to index
          %parallel_loop3A_446 = arith.constant 64 : index
          %parallel_loop3A_447 = tpu.vector_load %arg20[%parallel_loop3A_445, %parallel_loop3A_446] {strides = array<i32>} : memref<25x128xf32, #tpu.memory_space<vmem>>, vector<16xf32>,
          tpu.vector_store %arg20[%parallel_loop3A_445, %parallel_loop3A_446], %parallel_loop3A_444 {strides = array<i32>} : memref<25x128xf32, #tpu.memory_space<vmem>>, vector<16xf32>,
          %parallel_loop3A_448 = arith.mulf %parallel_loop3A_367, %parallel_loop3A_427 : vector<16xf32>
          %parallel_loop3A_449 = arith.index_cast %parallel_loop3A_241 : i32 to index
          %parallel_loop3A_450 = arith.constant 80 : index
          %parallel_loop3A_451 = tpu.vector_load %arg20[%parallel_loop3A_449, %parallel_loop3A_450] {strides = array<i32>} : memref<25x128xf32, #tpu.memory_space<vmem>>, vector<16xf32>,
          tpu.vector_store %arg20[%parallel_loop3A_449, %parallel_loop3A_450], %parallel_loop3A_448 {strides = array<i32>} : memref<25x128xf32, #tpu.memory_space<vmem>>, vector<16xf32>,
          %parallel_loop3A_452 = arith.mulf %parallel_loop3A_388, %parallel_loop3A_427 : vector<16xf32>
          %parallel_loop3A_453 = arith.index_cast %parallel_loop3A_241 : i32 to index
          %parallel_loop3A_454 = arith.constant 96 : index
          %parallel_loop3A_455 = tpu.vector_load %arg20[%parallel_loop3A_453, %parallel_loop3A_454] {strides = array<i32>} : memref<25x128xf32, #tpu.memory_space<vmem>>, vector<16xf32>,
          tpu.vector_store %arg20[%parallel_loop3A_453, %parallel_loop3A_454], %parallel_loop3A_452 {strides = array<i32>} : memref<25x128xf32, #tpu.memory_space<vmem>>, vector<16xf32>,
          %parallel_loop3A_456 = arith.mulf %parallel_loop3A_409, %parallel_loop3A_427 : vector<16xf32>
          %parallel_loop3A_457 = arith.index_cast %parallel_loop3A_241 : i32 to index
          %parallel_loop3A_458 = arith.constant 112 : index
          %parallel_loop3A_459 = tpu.vector_load %arg20[%parallel_loop3A_457, %parallel_loop3A_458] {strides = array<i32>} : memref<25x128xf32, #tpu.memory_space<vmem>>, vector<16xf32>,
          tpu.vector_store %arg20[%parallel_loop3A_457, %parallel_loop3A_458], %parallel_loop3A_456 {strides = array<i32>} : memref<25x128xf32, #tpu.memory_space<vmem>>, vector<16xf32>,
        } {sc.loop_unroll_factor = 1 : i64, sc.parallel_access}
        %dma_start3A_228 = arith.constant 0 : i32
        %dma_start3A_229 = tpu.memref_slice %arg12[%add3A_200, %dma_start3A_228] : memref<50x25xi32, #tpu.memory_space<vmem>> -> memref<1x25xi32, #tpu.memory_space<vmem>>
        %dma_start3A_230 = tpu.memref_squeeze %dma_start3A_229 : memref<1x25xi32, #tpu.memory_space<vmem>> -> memref<25xi32, #tpu.memory_space<vmem>>
        %dma_start3A_231 = arith.constant 0 : i32
        %dma_start3A_232 = arith.constant 0 : i32
        %dma_start3A_233 = tpu.memref_slice %arg26[%dma_start3A_231, %dma_start3A_232] : memref<10000x128xf32, #tpu.memory_space<vmem_shared>> -> memref<10000x128xf32, #tpu.memory_space<vmem_shared>>
        tpu.enqueue_indirect_dma source(%arg20 : memref<25x128xf32, #tpu.memory_space<vmem>>) target(%dma_start3A_233 : memref<10000x128xf32, #tpu.memory_space<vmem_shared>>) offsets(%dma_start3A_230 : memref<25xi32, #tpu.memory_space<vmem>>) semaphore(%arg34 : memref<!tpu.dma_semaphore, #tpu.memory_space<semaphore_mem>>) {add = true}
        %add3A_234 = arith.constant 2 : i32
        %add3A_235 = arith.addi %add3A_200, %add3A_234 : i32
        %lt3A_236 = arith.constant 50 : i32
        %lt3A_237 = arith.cmpi slt, %add3A_235, %lt3A_236 : i32
        %convert_element_type3A_238 = arith.extui %lt3A_237 : i1 to i32
        %cond3A_239 = arith.constant 0 : i32
        %cond3A_240 = arith.cmpi ne, %convert_element_type3A_238, %cond3A_239 : i32
        scf.if %cond3A_240 {
          %add3A_241 = arith.constant 2 : i32
          %add3A_242 = arith.addi %add3A_200, %add3A_241 : i32
          %mul3A_243 = arith.constant 8 : i32
          %mul3A_244 = arith.muli %add3A, %mul3A_243 : i32
          %add3A_245 = arith.addi %mul3A_244, %scan3A_58 : i32
          %mul3A_246 = arith.constant 50 : i32
          %mul3A_247 = arith.muli %add3A_245, %mul3A_246 : i32
          %mul3A_248 = arith.constant 25 : i32
          %mul3A_249 = arith.muli %mul3A_247, %mul3A_248 : i32
          %mul3A_250 = arith.constant 25 : i32
          %mul3A_251 = arith.muli %add3A_242, %mul3A_250 : i32
          %add3A_252 = arith.addi %mul3A_249, %mul3A_251 : i32
          %iota3A_253 = tpu.iota {dimensions = array<i32: 0>} : vector<16xi32>
          %add3A_254 = vector.broadcast %add3A_252 : i32 to vector<16xi32>
          %add3A_255 = arith.addi %iota3A_253, %add3A_254 : vector<16xi32>
          %swap3A_256 = arith.constant 0 : index
          %swap3A_257 = tpu.vector_load %arg22[%swap3A_256] {strides = array<i32>} : memref<48xi32, #tpu.memory_space<vmem>>, vector<16xi32>,
          tpu.vector_store %arg22[%swap3A_256], %add3A_255 {strides = array<i32>} : memref<48xi32, #tpu.memory_space<vmem>>, vector<16xi32>,
          %add3A_258 = arith.constant 16 : i32
          %add3A_259 = arith.addi %add3A_252, %add3A_258 : i32
          %add3A_260 = vector.broadcast %add3A_259 : i32 to vector<16xi32>
          %add3A_261 = arith.addi %iota3A_253, %add3A_260 : vector<16xi32>
          %swap3A_262 = arith.constant 16 : index
          %swap3A_263 = tpu.vector_load %arg22[%swap3A_262] {strides = array<i32>} : memref<48xi32, #tpu.memory_space<vmem>>, vector<16xi32>,
          tpu.vector_store %arg22[%swap3A_262], %add3A_261 {strides = array<i32>} : memref<48xi32, #tpu.memory_space<vmem>>, vector<16xi32>,
          %add3A_264 = arith.constant 32 : i32
          %add3A_265 = arith.addi %add3A_252, %add3A_264 : i32
          %add3A_266 = vector.broadcast %add3A_265 : i32 to vector<16xi32>
          %add3A_267 = arith.addi %iota3A_253, %add3A_266 : vector<16xi32>
          %swap3A_268 = arith.constant 32 : index
          %swap3A_269 = tpu.vector_load %arg22[%swap3A_268] {strides = array<i32>} : memref<48xi32, #tpu.memory_space<vmem>>, vector<16xi32>,
          tpu.vector_store %arg22[%swap3A_268], %add3A_267 {strides = array<i32>} : memref<48xi32, #tpu.memory_space<vmem>>, vector<16xi32>,
          %dma_start3A_270 = arith.constant 0 : i32
          %dma_start3A_271 = tpu.memref_slice %arg11[%add3A_242, %dma_start3A_270] : memref<50x25xi32, #tpu.memory_space<vmem>> -> memref<1x25xi32, #tpu.memory_space<vmem>>
          %dma_start3A_272 = tpu.memref_squeeze %dma_start3A_271 : memref<1x25xi32, #tpu.memory_space<vmem>> -> memref<25xi32, #tpu.memory_space<vmem>>
          %dma_start3A_273 = arith.constant 0 : i32
          %dma_start3A_274 = arith.constant 0 : i32
          %dma_start3A_275 = tpu.memref_slice %arg2[%dma_start3A_273, %dma_start3A_274] : memref<10000x128xf32, #tpu.memory_space<hbm>> -> memref<10000x128xf32, #tpu.memory_space<hbm>>
          tpu.enqueue_indirect_dma source(%dma_start3A_275 : memref<10000x128xf32, #tpu.memory_space<hbm>>) target(%arg14 : memref<25x128xf32, #tpu.memory_space<vmem>>) offsets(%dma_start3A_272 : memref<25xi32, #tpu.memory_space<vmem>>) semaphore(%arg30 : memref<!tpu.dma_semaphore, #tpu.memory_space<semaphore_mem>>)
          %dma_start3A_276 = arith.constant 0 : i32
          %dma_start3A_277 = tpu.memref_slice %arg12[%add3A_242, %dma_start3A_276] : memref<50x25xi32, #tpu.memory_space<vmem>> -> memref<1x25xi32, #tpu.memory_space<vmem>>
          %dma_start3A_278 = tpu.memref_squeeze %dma_start3A_277 : memref<1x25xi32, #tpu.memory_space<vmem>> -> memref<25xi32, #tpu.memory_space<vmem>>
          %dma_start3A_279 = arith.constant 0 : i32
          %dma_start3A_280 = arith.constant 0 : i32
          %dma_start3A_281 = tpu.memref_slice %arg3[%dma_start3A_279, %dma_start3A_280] : memref<10000x128xf32, #tpu.memory_space<hbm>> -> memref<10000x128xf32, #tpu.memory_space<hbm>>
          tpu.enqueue_indirect_dma source(%dma_start3A_281 : memref<10000x128xf32, #tpu.memory_space<hbm>>) target(%arg16 : memref<25x128xf32, #tpu.memory_space<vmem>>) offsets(%dma_start3A_278 : memref<25xi32, #tpu.memory_space<vmem>>) semaphore(%arg31 : memref<!tpu.dma_semaphore, #tpu.memory_space<semaphore_mem>>)
          %dma_start3A_282 = arith.constant 0 : i32
          %dma_start3A_283 = tpu.memref_slice %arg22[%dma_start3A_282] : memref<48xi32, #tpu.memory_space<vmem>> -> memref<25xi32, #tpu.memory_space<vmem>>
          %dma_start3A_284 = arith.constant 0 : i32
          %dma_start3A_285 = arith.constant 0 : i32
          %dma_start3A_286 = tpu.memref_slice %arg4[%dma_start3A_284, %dma_start3A_285] : memref<320000x128xf32, #tpu.memory_space<hbm>> -> memref<320000x128xf32, #tpu.memory_space<hbm>>
          tpu.enqueue_indirect_dma source(%dma_start3A_286 : memref<320000x128xf32, #tpu.memory_space<hbm>>) target(%arg18 : memref<25x128xf32, #tpu.memory_space<vmem>>) offsets(%dma_start3A_283 : memref<25xi32, #tpu.memory_space<vmem>>) semaphore(%arg32 : memref<!tpu.dma_semaphore, #tpu.memory_space<semaphore_mem>>)
        } else {
        }
      }
      %scan3A_153 = arith.constant 25 : i32
    }
    %scan3A_30 = arith.constant 8 : i32
    %dma_wait3A = arith.constant 0 : i32
    %dma_wait3A_31 = arith.constant 0 : i32
    %dma_wait3A_32 = tpu.memref_slice %arg12[%dma_wait3A, %dma_wait3A_31] : memref<50x25xi32, #tpu.memory_space<vmem>> -> memref<1x25xi32, #tpu.memory_space<vmem>>
    %dma_wait3A_33 = tpu.memref_squeeze %dma_wait3A_32 : memref<1x25xi32, #tpu.memory_space<vmem>> -> memref<25xi32, #tpu.memory_space<vmem>>
    %dma_wait3A_34 = arith.constant 0 : i32
    %dma_wait3A_35 = arith.constant 0 : i32
    %dma_wait3A_36 = tpu.memref_slice %arg26[%dma_wait3A_34, %dma_wait3A_35] : memref<10000x128xf32, #tpu.memory_space<vmem_shared>> -> memref<10000x128xf32, #tpu.memory_space<vmem_shared>>
    tpu.wait_indirect_dma semaphore(%arg33 : memref<!tpu.dma_semaphore, #tpu.memory_space<semaphore_mem>>) src(%arg19 : memref<25x128xf32, #tpu.memory_space<vmem>>) dst(%dma_wait3A_36 : memref<10000x128xf32, #tpu.memory_space<vmem_shared>>)
    %dma_wait3A_37 = arith.constant 0 : i32
    %dma_wait3A_38 = arith.constant 0 : i32
    %dma_wait3A_39 = tpu.memref_slice %arg12[%dma_wait3A_37, %dma_wait3A_38] : memref<50x25xi32, #tpu.memory_space<vmem>> -> memref<1x25xi32, #tpu.memory_space<vmem>>
    %dma_wait3A_40 = tpu.memref_squeeze %dma_wait3A_39 : memref<1x25xi32, #tpu.memory_space<vmem>> -> memref<25xi32, #tpu.memory_space<vmem>>
    %dma_wait3A_41 = arith.constant 0 : i32
    %dma_wait3A_42 = arith.constant 0 : i32
    %dma_wait3A_43 = tpu.memref_slice %arg26[%dma_wait3A_41, %dma_wait3A_42] : memref<10000x128xf32, #tpu.memory_space<vmem_shared>> -> memref<10000x128xf32, #tpu.memory_space<vmem_shared>>
    tpu.wait_indirect_dma semaphore(%arg34 : memref<!tpu.dma_semaphore, #tpu.memory_space<semaphore_mem>>) src(%arg20 : memref<25x128xf32, #tpu.memory_space<vmem>>) dst(%dma_wait3A_43 : memref<10000x128xf32, #tpu.memory_space<vmem_shared>>)
    %barrier3A_44 = arith.constant 0 : index
    tpu.barrier barrier_id(%barrier3A_44)
    %mul3A_45 = arith.constant 640 : i32
    %mul3A_46 = arith.muli %arg1, %mul3A_45 : i32
    %eq3A = arith.constant 15 : i32
    %eq3A_47 = arith.cmpi eq, %arg1, %eq3A : i32
    %jit3A = arith.constant 25 : i32
    %jit3A_48 = arith.constant 40 : i32
    %select_n3A = arith.select %eq3A_47, %jit3A, %jit3A_48 : i32
    %while3A = arith.constant 0 : i32
    %while3A_49 = arith.constant 0 : i32
    %while3A_50 = arith.subi %select_n3A, %while3A_49 : i32
    %while3A_51 = arith.addi %while3A_49, %while3A_50 : i32
    %while3A_52 = arith.constant 1 : i32
    %while3A_53 = arith.divsi %while3A_50, %while3A_52 : i32
    %while3A_54 = arith.muli %while3A_53, %while3A_52 : i32
    %while3A_55 = arith.addi %while3A_49, %while3A_54 : i32
    %while3A_56 = arith.constant 1 : i32
    scf.for %while3A_58 = %while3A_49 to %while3A_55 step %while3A_56  : i32 {
      %mul3A_59 = arith.constant 16 : i32
      %mul3A_60 = arith.muli %while3A_58, %mul3A_59 : i32
      %add3A_61 = arith.addi %mul3A_46, %mul3A_60 : i32
      "tpu.region"() ({
        %run_scoped3A = tpu.sem_alloc : memref<!tpu.dma_semaphore, #tpu.memory_space<semaphore_mem>>
        %dma_start3A = arith.constant 0 : i32
        %dma_start3A_62 = tpu.memref_slice %arg26[%add3A_61, %dma_start3A] : memref<10000x128xf32, #tpu.memory_space<vmem_shared>> -> memref<16x128xf32, #tpu.memory_space<vmem_shared>>
        %dma_start3A_63 = arith.constant 0 : i32
        %dma_start3A_64 = tpu.memref_slice %arg26[%add3A_61, %dma_start3A_63] : memref<10000x128xf32, #tpu.memory_space<vmem_shared>> -> memref<16x128xf32, #tpu.memory_space<vmem_shared>>
        tpu.enqueue_dma source(%dma_start3A_64 : memref<16x128xf32, #tpu.memory_space<vmem_shared>>) target(%arg23 : memref<16x128xf32, #tpu.memory_space<vmem>>) target_semaphore(%run_scoped3A : memref<!tpu.dma_semaphore, #tpu.memory_space<semaphore_mem>>)
        %dma_wait3A_65 = arith.constant 0 : i32
        %dma_wait3A_66 = tpu.memref_slice %arg26[%add3A_61, %dma_wait3A_65] : memref<10000x128xf32, #tpu.memory_space<vmem_shared>> -> memref<16x128xf32, #tpu.memory_space<vmem_shared>>
        %dma_wait3A_67 = arith.constant 0 : i32
        %dma_wait3A_68 = tpu.memref_slice %arg26[%add3A_61, %dma_wait3A_67] : memref<10000x128xf32, #tpu.memory_space<vmem_shared>> -> memref<16x128xf32, #tpu.memory_space<vmem_shared>>
        tpu.wait_dma2 semaphore(%run_scoped3A : memref<!tpu.dma_semaphore, #tpu.memory_space<semaphore_mem>>) src(%dma_wait3A_68 : memref<16x128xf32, #tpu.memory_space<vmem_shared>>) dst(%arg23 : memref<16x128xf32, #tpu.memory_space<vmem>>)
        tpu.yield
      }) : () -> ()
      "tpu.region"() ({
        %run_scoped3A = tpu.sem_alloc : memref<!tpu.dma_semaphore, #tpu.memory_space<semaphore_mem>>
        %dma_start3A = arith.constant 0 : i32
        %dma_start3A_62 = tpu.memref_slice %arg10[%arg0, %add3A_61, %dma_start3A] : memref<2x10000x128xf32, #tpu.memory_space<hbm>> -> memref<1x16x128xf32, #tpu.memory_space<hbm>>
        %dma_start3A_63 = tpu.memref_squeeze %dma_start3A_62 : memref<1x16x128xf32, #tpu.memory_space<hbm>> -> memref<16x128xf32, #tpu.memory_space<hbm>>
        %dma_start3A_64 = arith.constant 0 : i32
        %dma_start3A_65 = tpu.memref_slice %arg10[%arg0, %add3A_61, %dma_start3A_64] : memref<2x10000x128xf32, #tpu.memory_space<hbm>> -> memref<1x16x128xf32, #tpu.memory_space<hbm>>
        %dma_start3A_66 = tpu.memref_squeeze %dma_start3A_65 : memref<1x16x128xf32, #tpu.memory_space<hbm>> -> memref<16x128xf32, #tpu.memory_space<hbm>>
        tpu.enqueue_dma source(%arg23 : memref<16x128xf32, #tpu.memory_space<vmem>>) target(%dma_start3A_66 : memref<16x128xf32, #tpu.memory_space<hbm>>) target_semaphore(%run_scoped3A : memref<!tpu.dma_semaphore, #tpu.memory_space<semaphore_mem>>)
        %dma_wait3A_67 = arith.constant 0 : i32
        %dma_wait3A_68 = tpu.memref_slice %arg10[%arg0, %add3A_61, %dma_wait3A_67] : memref<2x10000x128xf32, #tpu.memory_space<hbm>> -> memref<1x16x128xf32, #tpu.memory_space<hbm>>
        %dma_wait3A_69 = tpu.memref_squeeze %dma_wait3A_68 : memref<1x16x128xf32, #tpu.memory_space<hbm>> -> memref<16x128xf32, #tpu.memory_space<hbm>>
        %dma_wait3A_70 = arith.constant 0 : i32
        %dma_wait3A_71 = tpu.memref_slice %arg10[%arg0, %add3A_61, %dma_wait3A_70] : memref<2x10000x128xf32, #tpu.memory_space<hbm>> -> memref<1x16x128xf32, #tpu.memory_space<hbm>>
        %dma_wait3A_72 = tpu.memref_squeeze %dma_wait3A_71 : memref<1x16x128xf32, #tpu.memory_space<hbm>> -> memref<16x128xf32, #tpu.memory_space<hbm>>
        tpu.wait_dma2 semaphore(%run_scoped3A : memref<!tpu.dma_semaphore, #tpu.memory_space<semaphore_mem>>) src(%arg23 : memref<16x128xf32, #tpu.memory_space<vmem>>) dst(%dma_wait3A_72 : memref<16x128xf32, #tpu.memory_space<hbm>>)
        tpu.yield
      }) : () -> ()
    }
    %while3A_57 = arith.constant 1 : i32
    scf.for %while3A_58 = %while3A_55 to %while3A_51 step %while3A_57  : i32 {
      %mul3A_59 = arith.constant 16 : i32
      %mul3A_60 = arith.muli %while3A_58, %mul3A_59 : i32
      %add3A_61 = arith.addi %mul3A_46, %mul3A_60 : i32
      "tpu.region"() ({
        %run_scoped3A = tpu.sem_alloc : memref<!tpu.dma_semaphore, #tpu.memory_space<semaphore_mem>>
        %dma_start3A = arith.constant 0 : i32
        %dma_start3A_62 = tpu.memref_slice %arg26[%add3A_61, %dma_start3A] : memref<10000x128xf32, #tpu.memory_space<vmem_shared>> -> memref<16x128xf32, #tpu.memory_space<vmem_shared>>
        %dma_start3A_63 = arith.constant 0 : i32
        %dma_start3A_64 = tpu.memref_slice %arg26[%add3A_61, %dma_start3A_63] : memref<10000x128xf32, #tpu.memory_space<vmem_shared>> -> memref<16x128xf32, #tpu.memory_space<vmem_shared>>
        tpu.enqueue_dma source(%dma_start3A_64 : memref<16x128xf32, #tpu.memory_space<vmem_shared>>) target(%arg23 : memref<16x128xf32, #tpu.memory_space<vmem>>) target_semaphore(%run_scoped3A : memref<!tpu.dma_semaphore, #tpu.memory_space<semaphore_mem>>)
        %dma_wait3A_65 = arith.constant 0 : i32
        %dma_wait3A_66 = tpu.memref_slice %arg26[%add3A_61, %dma_wait3A_65] : memref<10000x128xf32, #tpu.memory_space<vmem_shared>> -> memref<16x128xf32, #tpu.memory_space<vmem_shared>>
        %dma_wait3A_67 = arith.constant 0 : i32
        %dma_wait3A_68 = tpu.memref_slice %arg26[%add3A_61, %dma_wait3A_67] : memref<10000x128xf32, #tpu.memory_space<vmem_shared>> -> memref<16x128xf32, #tpu.memory_space<vmem_shared>>
        tpu.wait_dma2 semaphore(%run_scoped3A : memref<!tpu.dma_semaphore, #tpu.memory_space<semaphore_mem>>) src(%dma_wait3A_68 : memref<16x128xf32, #tpu.memory_space<vmem_shared>>) dst(%arg23 : memref<16x128xf32, #tpu.memory_space<vmem>>)
        tpu.yield
      }) : () -> ()
      "tpu.region"() ({
        %run_scoped3A = tpu.sem_alloc : memref<!tpu.dma_semaphore, #tpu.memory_space<semaphore_mem>>
        %dma_start3A = arith.constant 0 : i32
        %dma_start3A_62 = tpu.memref_slice %arg10[%arg0, %add3A_61, %dma_start3A] : memref<2x10000x128xf32, #tpu.memory_space<hbm>> -> memref<1x16x128xf32, #tpu.memory_space<hbm>>
        %dma_start3A_63 = tpu.memref_squeeze %dma_start3A_62 : memref<1x16x128xf32, #tpu.memory_space<hbm>> -> memref<16x128xf32, #tpu.memory_space<hbm>>
        %dma_start3A_64 = arith.constant 0 : i32
        %dma_start3A_65 = tpu.memref_slice %arg10[%arg0, %add3A_61, %dma_start3A_64] : memref<2x10000x128xf32, #tpu.memory_space<hbm>> -> memref<1x16x128xf32, #tpu.memory_space<hbm>>
        %dma_start3A_66 = tpu.memref_squeeze %dma_start3A_65 : memref<1x16x128xf32, #tpu.memory_space<hbm>> -> memref<16x128xf32, #tpu.memory_space<hbm>>
        tpu.enqueue_dma source(%arg23 : memref<16x128xf32, #tpu.memory_space<vmem>>) target(%dma_start3A_66 : memref<16x128xf32, #tpu.memory_space<hbm>>) target_semaphore(%run_scoped3A : memref<!tpu.dma_semaphore, #tpu.memory_space<semaphore_mem>>)
        %dma_wait3A_67 = arith.constant 0 : i32
        %dma_wait3A_68 = tpu.memref_slice %arg10[%arg0, %add3A_61, %dma_wait3A_67] : memref<2x10000x128xf32, #tpu.memory_space<hbm>> -> memref<1x16x128xf32, #tpu.memory_space<hbm>>
        %dma_wait3A_69 = tpu.memref_squeeze %dma_wait3A_68 : memref<1x16x128xf32, #tpu.memory_space<hbm>> -> memref<16x128xf32, #tpu.memory_space<hbm>>
        %dma_wait3A_70 = arith.constant 0 : i32
        %dma_wait3A_71 = tpu.memref_slice %arg10[%arg0, %add3A_61, %dma_wait3A_70] : memref<2x10000x128xf32, #tpu.memory_space<hbm>> -> memref<1x16x128xf32, #tpu.memory_space<hbm>>
        %dma_wait3A_72 = tpu.memref_squeeze %dma_wait3A_71 : memref<1x16x128xf32, #tpu.memory_space<hbm>> -> memref<16x128xf32, #tpu.memory_space<hbm>>
        tpu.wait_dma2 semaphore(%run_scoped3A : memref<!tpu.dma_semaphore, #tpu.memory_space<semaphore_mem>>) src(%arg23 : memref<16x128xf32, #tpu.memory_space<vmem>>) dst(%dma_wait3A_72 : memref<16x128xf32, #tpu.memory_space<hbm>>)
        tpu.yield
      }) : () -> ()
    }
    return
  }
}

#map = affine_map<(d0, d1) -> (0, 0, 0, 0)>
#map1 = affine_map<(d0, d1) -> (0)>
#map2 = affine_map<(d0, d1) -> (0, 0)>
module attributes {stable_mosaic.version = 14 : i64} {
  func.func @_hist_kernel(%arg0: i32, %arg1: i32, %arg2: memref<2x16x160x125xi32, #tpu.memory_space<hbm>>, %arg3: memref<10000xf32, #tpu.memory_space<hbm>>, %arg4: memref<2x10000xf32, #tpu.memory_space<hbm>>, %arg5: memref<160x125xi32, #tpu.memory_space<vmem>>, %arg6: memref<125xf32, #tpu.memory_space<vmem>>, %arg7: memref<10000xf32, #tpu.memory_space<vmem_shared>>, %arg8: memref<!tpu.dma_semaphore, #tpu.memory_space<semaphore_mem>>) attributes {dimension_semantics = [#tpu.dimension_semantics<core_parallel>, #tpu.dimension_semantics<subcore_parallel>], iteration_bounds = array<i64: 2, 16>, scalar_prefetch = 0 : i64, scratch_operands = 4 : i64, tpu.core_type = #tpu.core_type<sc_vector_subcore>, window_params = [{transform_indices = #map}, {transform_indices = #map1}, {transform_indices = #map2}]} {
    %eq3A = arith.constant 0 : i32
    %eq3A_0 = arith.cmpi eq, %arg1, %eq3A : i32
    %convert_element_type3A = arith.extui %eq3A_0 : i1 to i32
    %cond3A = arith.constant 0 : i32
    %cond3A_1 = arith.cmpi ne, %convert_element_type3A, %cond3A : i32
    scf.if %cond3A_1 {
      "tpu.region"() ({
        %run_scoped3A = tpu.sem_alloc : memref<!tpu.dma_semaphore, #tpu.memory_space<semaphore_mem>>
        tpu.enqueue_dma source(%arg3 : memref<10000xf32, #tpu.memory_space<hbm>>) target(%arg7 : memref<10000xf32, #tpu.memory_space<vmem_shared>>) target_semaphore(%run_scoped3A : memref<!tpu.dma_semaphore, #tpu.memory_space<semaphore_mem>>)
        tpu.wait_dma2 semaphore(%run_scoped3A : memref<!tpu.dma_semaphore, #tpu.memory_space<semaphore_mem>>) src(%arg3 : memref<10000xf32, #tpu.memory_space<hbm>>) dst(%arg7 : memref<10000xf32, #tpu.memory_space<vmem_shared>>)
        tpu.yield
      }) : () -> ()
    } else {
    }
    %broadcast_in_dim3A = arith.constant 1.000000e+00 : f32
    %broadcast_in_dim3A_2 = vector.broadcast %broadcast_in_dim3A : f32 to vector<16xf32>
    %swap3A = arith.constant 0 : index
    %swap3A_3 = tpu.vector_load %arg6[%swap3A] {strides = array<i32>} : memref<125xf32, #tpu.memory_space<vmem>>, vector<16xf32>,
    tpu.vector_store %arg6[%swap3A], %broadcast_in_dim3A_2 {strides = array<i32>} : memref<125xf32, #tpu.memory_space<vmem>>, vector<16xf32>,
    %broadcast_in_dim3A_4 = arith.constant 1.000000e+00 : f32
    %broadcast_in_dim3A_5 = vector.broadcast %broadcast_in_dim3A_4 : f32 to vector<16xf32>
    %swap3A_6 = arith.constant 16 : index
    %swap3A_7 = tpu.vector_load %arg6[%swap3A_6] {strides = array<i32>} : memref<125xf32, #tpu.memory_space<vmem>>, vector<16xf32>,
    tpu.vector_store %arg6[%swap3A_6], %broadcast_in_dim3A_5 {strides = array<i32>} : memref<125xf32, #tpu.memory_space<vmem>>, vector<16xf32>,
    %broadcast_in_dim3A_8 = arith.constant 1.000000e+00 : f32
    %broadcast_in_dim3A_9 = vector.broadcast %broadcast_in_dim3A_8 : f32 to vector<16xf32>
    %swap3A_10 = arith.constant 32 : index
    %swap3A_11 = tpu.vector_load %arg6[%swap3A_10] {strides = array<i32>} : memref<125xf32, #tpu.memory_space<vmem>>, vector<16xf32>,
    tpu.vector_store %arg6[%swap3A_10], %broadcast_in_dim3A_9 {strides = array<i32>} : memref<125xf32, #tpu.memory_space<vmem>>, vector<16xf32>,
    %broadcast_in_dim3A_12 = arith.constant 1.000000e+00 : f32
    %broadcast_in_dim3A_13 = vector.broadcast %broadcast_in_dim3A_12 : f32 to vector<16xf32>
    %swap3A_14 = arith.constant 48 : index
    %swap3A_15 = tpu.vector_load %arg6[%swap3A_14] {strides = array<i32>} : memref<125xf32, #tpu.memory_space<vmem>>, vector<16xf32>,
    tpu.vector_store %arg6[%swap3A_14], %broadcast_in_dim3A_13 {strides = array<i32>} : memref<125xf32, #tpu.memory_space<vmem>>, vector<16xf32>,
    %broadcast_in_dim3A_16 = arith.constant 1.000000e+00 : f32
    %broadcast_in_dim3A_17 = vector.broadcast %broadcast_in_dim3A_16 : f32 to vector<16xf32>
    %swap3A_18 = arith.constant 64 : index
    %swap3A_19 = tpu.vector_load %arg6[%swap3A_18] {strides = array<i32>} : memref<125xf32, #tpu.memory_space<vmem>>, vector<16xf32>,
    tpu.vector_store %arg6[%swap3A_18], %broadcast_in_dim3A_17 {strides = array<i32>} : memref<125xf32, #tpu.memory_space<vmem>>, vector<16xf32>,
    %broadcast_in_dim3A_20 = arith.constant 1.000000e+00 : f32
    %broadcast_in_dim3A_21 = vector.broadcast %broadcast_in_dim3A_20 : f32 to vector<16xf32>
    %swap3A_22 = arith.constant 80 : index
    %swap3A_23 = tpu.vector_load %arg6[%swap3A_22] {strides = array<i32>} : memref<125xf32, #tpu.memory_space<vmem>>, vector<16xf32>,
    tpu.vector_store %arg6[%swap3A_22], %broadcast_in_dim3A_21 {strides = array<i32>} : memref<125xf32, #tpu.memory_space<vmem>>, vector<16xf32>,
    %broadcast_in_dim3A_24 = arith.constant 1.000000e+00 : f32
    %broadcast_in_dim3A_25 = vector.broadcast %broadcast_in_dim3A_24 : f32 to vector<16xf32>
    %swap3A_26 = arith.constant 96 : index
    %swap3A_27 = tpu.vector_load %arg6[%swap3A_26] {strides = array<i32>} : memref<125xf32, #tpu.memory_space<vmem>>, vector<16xf32>,
    tpu.vector_store %arg6[%swap3A_26], %broadcast_in_dim3A_25 {strides = array<i32>} : memref<125xf32, #tpu.memory_space<vmem>>, vector<16xf32>,
    %broadcast_in_dim3A_28 = arith.constant 1.000000e+00 : f32
    %broadcast_in_dim3A_29 = vector.broadcast %broadcast_in_dim3A_28 : f32 to vector<16xf32>
    %swap3A_30 = arith.constant 109 : index
    %swap3A_31 = tpu.vector_load %arg6[%swap3A_30] {strides = array<i32>} : memref<125xf32, #tpu.memory_space<vmem>>, vector<16xf32>,
    tpu.vector_store %arg6[%swap3A_30], %broadcast_in_dim3A_29 {strides = array<i32>} : memref<125xf32, #tpu.memory_space<vmem>>, vector<16xf32>,
    "tpu.region"() ({
      %run_scoped3A = tpu.sem_alloc : memref<!tpu.dma_semaphore, #tpu.memory_space<semaphore_mem>>
      %dma_start3A = arith.constant 0 : i32
      %dma_start3A_49 = arith.constant 0 : i32
      %dma_start3A_50 = tpu.memref_slice %arg2[%arg0, %arg1, %dma_start3A, %dma_start3A_49] : memref<2x16x160x125xi32, #tpu.memory_space<hbm>> -> memref<1x1x160x125xi32, #tpu.memory_space<hbm>>
      %dma_start3A_51 = tpu.memref_squeeze %dma_start3A_50 : memref<1x1x160x125xi32, #tpu.memory_space<hbm>> -> memref<160x125xi32, #tpu.memory_space<hbm>>
      %dma_start3A_52 = arith.constant 0 : i32
      %dma_start3A_53 = arith.constant 0 : i32
      %dma_start3A_54 = tpu.memref_slice %arg2[%arg0, %arg1, %dma_start3A_52, %dma_start3A_53] : memref<2x16x160x125xi32, #tpu.memory_space<hbm>> -> memref<1x1x160x125xi32, #tpu.memory_space<hbm>>
      %dma_start3A_55 = tpu.memref_squeeze %dma_start3A_54 : memref<1x1x160x125xi32, #tpu.memory_space<hbm>> -> memref<160x125xi32, #tpu.memory_space<hbm>>
      tpu.enqueue_dma source(%dma_start3A_55 : memref<160x125xi32, #tpu.memory_space<hbm>>) target(%arg5 : memref<160x125xi32, #tpu.memory_space<vmem>>) target_semaphore(%run_scoped3A : memref<!tpu.dma_semaphore, #tpu.memory_space<semaphore_mem>>)
      %dma_wait3A = arith.constant 0 : i32
      %dma_wait3A_56 = arith.constant 0 : i32
      %dma_wait3A_57 = tpu.memref_slice %arg2[%arg0, %arg1, %dma_wait3A, %dma_wait3A_56] : memref<2x16x160x125xi32, #tpu.memory_space<hbm>> -> memref<1x1x160x125xi32, #tpu.memory_space<hbm>>
      %dma_wait3A_58 = tpu.memref_squeeze %dma_wait3A_57 : memref<1x1x160x125xi32, #tpu.memory_space<hbm>> -> memref<160x125xi32, #tpu.memory_space<hbm>>
      %dma_wait3A_59 = arith.constant 0 : i32
      %dma_wait3A_60 = arith.constant 0 : i32
      %dma_wait3A_61 = tpu.memref_slice %arg2[%arg0, %arg1, %dma_wait3A_59, %dma_wait3A_60] : memref<2x16x160x125xi32, #tpu.memory_space<hbm>> -> memref<1x1x160x125xi32, #tpu.memory_space<hbm>>
      %dma_wait3A_62 = tpu.memref_squeeze %dma_wait3A_61 : memref<1x1x160x125xi32, #tpu.memory_space<hbm>> -> memref<160x125xi32, #tpu.memory_space<hbm>>
      tpu.wait_dma2 semaphore(%run_scoped3A : memref<!tpu.dma_semaphore, #tpu.memory_space<semaphore_mem>>) src(%dma_wait3A_62 : memref<160x125xi32, #tpu.memory_space<hbm>>) dst(%arg5 : memref<160x125xi32, #tpu.memory_space<vmem>>)
      tpu.yield
    }) : () -> ()
    %barrier3A = arith.constant 0 : index
    tpu.barrier barrier_id(%barrier3A)
    %scan3A = arith.constant 0 : i32
    %scan3A_32 = arith.constant 0 : i32
    %scan3A_33 = arith.constant 160 : i32
    %scan3A_34 = arith.addi %scan3A_32, %scan3A_33 : i32
    %scan3A_35 = arith.constant 1 : i32
    scf.for %scan3A_49 = %scan3A_32 to %scan3A_34 step %scan3A_35  : i32 {
      %dma_start3A = arith.constant 0 : i32
      %dma_start3A_50 = tpu.memref_slice %arg5[%scan3A_49, %dma_start3A] : memref<160x125xi32, #tpu.memory_space<vmem>> -> memref<1x125xi32, #tpu.memory_space<vmem>>
      %dma_start3A_51 = tpu.memref_squeeze %dma_start3A_50 : memref<1x125xi32, #tpu.memory_space<vmem>> -> memref<125xi32, #tpu.memory_space<vmem>>
      %dma_start3A_52 = arith.constant 0 : i32
      %dma_start3A_53 = tpu.memref_slice %arg7[%dma_start3A_52] : memref<10000xf32, #tpu.memory_space<vmem_shared>> -> memref<10000xf32, #tpu.memory_space<vmem_shared>>
      tpu.enqueue_indirect_dma source(%arg6 : memref<125xf32, #tpu.memory_space<vmem>>) target(%dma_start3A_53 : memref<10000xf32, #tpu.memory_space<vmem_shared>>) offsets(%dma_start3A_51 : memref<125xi32, #tpu.memory_space<vmem>>) semaphore(%arg8 : memref<!tpu.dma_semaphore, #tpu.memory_space<semaphore_mem>>) {add = true}
    }
    %scan3A_36 = arith.constant 160 : i32
    %scan3A_37 = arith.constant 0 : i32
    %scan3A_38 = arith.constant 0 : i32
    %scan3A_39 = arith.constant 160 : i32
    %scan3A_40 = arith.addi %scan3A_38, %scan3A_39 : i32
    %scan3A_41 = arith.constant 1 : i32
    scf.for %scan3A_49 = %scan3A_38 to %scan3A_40 step %scan3A_41  : i32 {
      %dma_wait3A = arith.constant 0 : i32
      %dma_wait3A_50 = arith.constant 0 : i32
      %dma_wait3A_51 = tpu.memref_slice %arg5[%dma_wait3A, %dma_wait3A_50] : memref<160x125xi32, #tpu.memory_space<vmem>> -> memref<1x125xi32, #tpu.memory_space<vmem>>
      %dma_wait3A_52 = tpu.memref_squeeze %dma_wait3A_51 : memref<1x125xi32, #tpu.memory_space<vmem>> -> memref<125xi32, #tpu.memory_space<vmem>>
      %dma_wait3A_53 = arith.constant 0 : i32
      %dma_wait3A_54 = tpu.memref_slice %arg7[%dma_wait3A_53] : memref<10000xf32, #tpu.memory_space<vmem_shared>> -> memref<10000xf32, #tpu.memory_space<vmem_shared>>
      tpu.wait_indirect_dma semaphore(%arg8 : memref<!tpu.dma_semaphore, #tpu.memory_space<semaphore_mem>>) src(%arg6 : memref<125xf32, #tpu.memory_space<vmem>>) dst(%dma_wait3A_54 : memref<10000xf32, #tpu.memory_space<vmem_shared>>)
    }
    %scan3A_42 = arith.constant 160 : i32
    %barrier3A_43 = arith.constant 0 : index
    tpu.barrier barrier_id(%barrier3A_43)
    %eq3A_44 = arith.constant 0 : i32
    %eq3A_45 = arith.cmpi eq, %arg1, %eq3A_44 : i32
    %convert_element_type3A_46 = arith.extui %eq3A_45 : i1 to i32
    %cond3A_47 = arith.constant 0 : i32
    %cond3A_48 = arith.cmpi ne, %convert_element_type3A_46, %cond3A_47 : i32
    scf.if %cond3A_48 {
      "tpu.region"() ({
        %run_scoped3A = tpu.sem_alloc : memref<!tpu.dma_semaphore, #tpu.memory_space<semaphore_mem>>
        %dma_start3A = arith.constant 0 : i32
        %dma_start3A_49 = tpu.memref_slice %arg4[%arg0, %dma_start3A] : memref<2x10000xf32, #tpu.memory_space<hbm>> -> memref<1x10000xf32, #tpu.memory_space<hbm>>
        %dma_start3A_50 = tpu.memref_squeeze %dma_start3A_49 : memref<1x10000xf32, #tpu.memory_space<hbm>> -> memref<10000xf32, #tpu.memory_space<hbm>>
        tpu.enqueue_dma source(%arg7 : memref<10000xf32, #tpu.memory_space<vmem_shared>>) target(%dma_start3A_50 : memref<10000xf32, #tpu.memory_space<hbm>>) target_semaphore(%run_scoped3A : memref<!tpu.dma_semaphore, #tpu.memory_space<semaphore_mem>>)
        %dma_wait3A = arith.constant 0 : i32
        %dma_wait3A_51 = tpu.memref_slice %arg4[%arg0, %dma_wait3A] : memref<2x10000xf32, #tpu.memory_space<hbm>> -> memref<1x10000xf32, #tpu.memory_space<hbm>>
        %dma_wait3A_52 = tpu.memref_squeeze %dma_wait3A_51 : memref<1x10000xf32, #tpu.memory_space<hbm>> -> memref<10000xf32, #tpu.memory_space<hbm>>
        tpu.wait_dma2 semaphore(%run_scoped3A : memref<!tpu.dma_semaphore, #tpu.memory_space<semaphore_mem>>) src(%arg7 : memref<10000xf32, #tpu.memory_space<vmem_shared>>) dst(%dma_wait3A_52 : memref<10000xf32, #tpu.memory_space<hbm>>)
        tpu.yield
      }) : () -> ()
    } else {
    }
    return
  }
}

module attributes {stable_mosaic.version = 14 : i64} {
  func.func @_edge_body(%arg0: i32, %arg1: memref<8000x16xf32, #tpu.memory_space<vmem>>, %arg2: memref<1x16xf32, #tpu.memory_space<vmem>>, %arg3: memref<1x16xf32, #tpu.memory_space<vmem>>, %arg4: memref<16x128xf32, #tpu.memory_space<vmem>>, %arg5: memref<8000x128xf32, #tpu.memory_space<vmem>>, %arg6: memref<1x16xf32, #tpu.memory_space<vmem>>, %arg7: memref<8x16xf32, #tpu.memory_space<vmem>>, %arg8: memref<16x128xf32, #tpu.memory_space<vmem>>) attributes {dimension_semantics = [#tpu.dimension_semantics<arbitrary>], iteration_bounds = array<i64: 80>, scalar_prefetch = 0 : i64, scratch_operands = 2 : i64, tpu.core_type = #tpu.core_type<tc>, window_params = [{transform_indices = @transform_0, window_bounds = array<i64: 8000, 16>}, {pipeline_mode = #tpu.pipeline_mode<synchronous>, transform_indices = @transform_1, window_bounds = array<i64: 1, 16>}, {pipeline_mode = #tpu.pipeline_mode<synchronous>, transform_indices = @transform_2, window_bounds = array<i64: 1, 16>}, {pipeline_mode = #tpu.pipeline_mode<synchronous>, transform_indices = @transform_3, window_bounds = array<i64: 16, 128>}, {transform_indices = @transform_4, window_bounds = array<i64: 8000, 128>}, {pipeline_mode = #tpu.pipeline_mode<synchronous>, transform_indices = @transform_5, window_bounds = array<i64: 1, 16>}]} {
    %eq3A = arith.constant 0 : i32
    %eq3A_0 = arith.cmpi eq, %arg0, %eq3A : i32
    %convert_element_type3A = arith.extui %eq3A_0 : i1 to i32
    %cond3A = arith.constant 0 : i32
    %cond3A_1 = arith.cmpi ne, %convert_element_type3A, %cond3A : i32
    scf.if %cond3A_1 {
      %broadcast_in_dim3A = arith.constant 0.000000e+00 : f32
      %broadcast_in_dim3A_17 = vector.broadcast %broadcast_in_dim3A : f32 to vector<8x16xf32>
      %swap3A = arith.constant 0 : index
      %swap3A_18 = arith.constant 0 : index
      %swap3A_19 = vector.load %arg7[%swap3A, %swap3A_18] : memref<8x16xf32, #tpu.memory_space<vmem>>, vector<8x16xf32>
      tpu.vector_store %arg7[%swap3A, %swap3A_18], %broadcast_in_dim3A_17 {strides = array<i32>} : memref<8x16xf32, #tpu.memory_space<vmem>>, vector<8x16xf32>,
    } else {
    }
    %get3A = arith.constant 0 : index
    %get3A_2 = arith.constant 0 : index
    %get3A_3 = vector.load %arg1[%get3A, %get3A_2] : memref<8000x16xf32, #tpu.memory_space<vmem>>, vector<8000x16xf32>
    %lt3A = arith.constant 40 : i32
    %lt3A_4 = arith.cmpi slt, %arg0, %lt3A : i32
    %convert_element_type3A_5 = arith.extui %lt3A_4 : i1 to i32
    %cond3A_6 = arith.constant 0 : i32
    %cond3A_7 = arith.cmpi ne, %convert_element_type3A_5, %cond3A_6 : i32
    scf.if %cond3A_7 {
      %get3A_17 = arith.constant 0 : index
      %get3A_18 = arith.constant 0 : index
      %get3A_19 = vector.load %arg7[%get3A_17, %get3A_18] : memref<8x16xf32, #tpu.memory_space<vmem>>, vector<1x16xf32>
      %reduce_sum3A = arith.constant dense<0.000000e+00> : vector<16xf32>
      %reduce_sum3A_20 = vector.multi_reduction <add>, %get3A_3, %reduce_sum3A [0] : vector<8000x16xf32> to vector<16xf32>
      %broadcast_in_dim3A = vector.shape_cast %reduce_sum3A_20 : vector<16xf32> to vector<1x16xf32>
      %add3A = arith.addf %get3A_19, %broadcast_in_dim3A : vector<1x16xf32>
      %swap3A = arith.constant 0 : index
      %swap3A_21 = arith.constant 0 : index
      %swap3A_22 = vector.load %arg7[%swap3A, %swap3A_21] : memref<8x16xf32, #tpu.memory_space<vmem>>, vector<1x16xf32>
      tpu.vector_store %arg7[%swap3A, %swap3A_21], %add3A {strides = array<i32>} : memref<8x16xf32, #tpu.memory_space<vmem>>, vector<1x16xf32>,
      %get3A_23 = arith.constant 1 : index
      %get3A_24 = arith.constant 0 : index
      %get3A_25 = vector.load %arg7[%get3A_23, %get3A_24] : memref<8x16xf32, #tpu.memory_space<vmem>>, vector<1x16xf32>
      %mul3A = arith.mulf %get3A_3, %get3A_3 : vector<8000x16xf32>
      %reduce_sum3A_26 = arith.constant dense<0.000000e+00> : vector<16xf32>
      %reduce_sum3A_27 = vector.multi_reduction <add>, %mul3A, %reduce_sum3A_26 [0] : vector<8000x16xf32> to vector<16xf32>
      %broadcast_in_dim3A_28 = vector.shape_cast %reduce_sum3A_27 : vector<16xf32> to vector<1x16xf32>
      %add3A_29 = arith.addf %get3A_25, %broadcast_in_dim3A_28 : vector<1x16xf32>
      %swap3A_30 = arith.constant 1 : index
      %swap3A_31 = arith.constant 0 : index
      %swap3A_32 = vector.load %arg7[%swap3A_30, %swap3A_31] : memref<8x16xf32, #tpu.memory_space<vmem>>, vector<1x16xf32>
      tpu.vector_store %arg7[%swap3A_30, %swap3A_31], %add3A_29 {strides = array<i32>} : memref<8x16xf32, #tpu.memory_space<vmem>>, vector<1x16xf32>,
    } else {
    }
    %eq3A_8 = arith.constant 40 : i32
    %eq3A_9 = arith.cmpi eq, %arg0, %eq3A_8 : i32
    %convert_element_type3A_10 = arith.extui %eq3A_9 : i1 to i32
    %cond3A_11 = arith.constant 0 : i32
    %cond3A_12 = arith.cmpi ne, %convert_element_type3A_10, %cond3A_11 : i32
    scf.if %cond3A_12 {
      %get3A_17 = arith.constant 0 : index
      %get3A_18 = arith.constant 0 : index
      %get3A_19 = vector.load %arg7[%get3A_17, %get3A_18] : memref<8x16xf32, #tpu.memory_space<vmem>>, vector<1x16xf32>
      %mul3A = arith.constant 3.125000e-06 : f32
      %mul3A_20 = vector.broadcast %mul3A : f32 to vector<1x16xf32>
      %mul3A_21 = arith.mulf %get3A_19, %mul3A_20 : vector<1x16xf32>
      %get3A_22 = arith.constant 1 : index
      %get3A_23 = arith.constant 0 : index
      %get3A_24 = vector.load %arg7[%get3A_22, %get3A_23] : memref<8x16xf32, #tpu.memory_space<vmem>>, vector<1x16xf32>
      %mul3A_25 = arith.constant 3.125000e-06 : f32
      %mul3A_26 = vector.broadcast %mul3A_25 : f32 to vector<1x16xf32>
      %mul3A_27 = arith.mulf %get3A_24, %mul3A_26 : vector<1x16xf32>
      %mul3A_28 = arith.mulf %mul3A_21, %mul3A_21 : vector<1x16xf32>
      %sub3A = arith.subf %mul3A_27, %mul3A_28 : vector<1x16xf32>
      %get3A_29 = arith.constant 0 : index
      %get3A_30 = arith.constant 0 : index
      %get3A_31 = vector.load %arg2[%get3A_29, %get3A_30] : memref<1x16xf32, #tpu.memory_space<vmem>>, vector<1x16xf32>
      %add3A = arith.constant 9.99999974E-6 : f32
      %add3A_32 = vector.broadcast %add3A : f32 to vector<1x16xf32>
      %add3A_33 = arith.addf %sub3A, %add3A_32 : vector<1x16xf32>
      %rsqrt3A = math.rsqrt %add3A_33 : vector<1x16xf32>
      %mul3A_34 = arith.mulf %get3A_31, %rsqrt3A : vector<1x16xf32>
      %get3A_35 = arith.constant 0 : index
      %get3A_36 = arith.constant 0 : index
      %get3A_37 = vector.load %arg3[%get3A_35, %get3A_36] : memref<1x16xf32, #tpu.memory_space<vmem>>, vector<1x16xf32>
      %mul3A_38 = arith.mulf %mul3A_21, %mul3A_34 : vector<1x16xf32>
      %sub3A_39 = arith.subf %get3A_37, %mul3A_38 : vector<1x16xf32>
      %swap3A = arith.constant 0 : index
      %swap3A_40 = arith.constant 0 : index
      %swap3A_41 = vector.load %arg6[%swap3A, %swap3A_40] : memref<1x16xf32, #tpu.memory_space<vmem>>, vector<1x16xf32>
      tpu.vector_store %arg6[%swap3A, %swap3A_40], %sub3A_39 {strides = array<i32>} : memref<1x16xf32, #tpu.memory_space<vmem>>, vector<1x16xf32>,
      %iota3A = tpu.iota {dimensions = array<i32: 0>} : vector<16x16xi32>
      %iota3A_42 = tpu.iota {dimensions = array<i32: 1>} : vector<16x16xi32>
      %eq3A_43 = arith.cmpi eq, %iota3A, %iota3A_42 : vector<16x16xi32>
      %jit3A = arith.constant 1.000000e+00 : f32
      %jit3A_44 = arith.constant 0.000000e+00 : f32
      %broadcast_in_dim3A = vector.broadcast %jit3A : f32 to vector<16x16xf32>
      %broadcast_in_dim3A_45 = vector.broadcast %jit3A_44 : f32 to vector<16x16xf32>
      %select_n3A = arith.select %eq3A_43, %broadcast_in_dim3A, %broadcast_in_dim3A_45 : vector<16x16xi1>, vector<16x16xf32>
      %mul3A_46 = vector.broadcast %mul3A_34 : vector<1x16xf32> to vector<16x16xf32>
      %mul3A_47 = arith.mulf %select_n3A, %mul3A_46 : vector<16x16xf32>
      %get3A_48 = arith.constant 0 : index
      %get3A_49 = arith.constant 0 : index
      %get3A_50 = vector.load %arg4[%get3A_48, %get3A_49] : memref<16x128xf32, #tpu.memory_space<vmem>>, vector<16x128xf32>
      %dot_general3A = arith.constant dense<0.000000e+00> : vector<16x128xf32>
      %dot_general3A_51 = tpu.matmul %mul3A_47, %get3A_50, %dot_general3A {dimension_numbers = #tpu.dot_dimension_numbers<[1], [0], [0], [1], [0, 0, 1, 1], [], []>, transpose_lhs_hint = false} : vector<16x16xf32>, vector<16x128xf32>, vector<16x128xf32> -> vector<16x128xf32>
      %swap3A_52 = arith.constant 0 : index
      %swap3A_53 = arith.constant 0 : index
      %swap3A_54 = vector.load %arg8[%swap3A_52, %swap3A_53] : memref<16x128xf32, #tpu.memory_space<vmem>>, vector<16x128xf32>
      tpu.vector_store %arg8[%swap3A_52, %swap3A_53], %dot_general3A_51 {strides = array<i32>} : memref<16x128xf32, #tpu.memory_space<vmem>>, vector<16x128xf32>,
    } else {
    }
    %ge3A = arith.constant 40 : i32
    %ge3A_13 = arith.cmpi sge, %arg0, %ge3A : i32
    %convert_element_type3A_14 = arith.extui %ge3A_13 : i1 to i32
    %cond3A_15 = arith.constant 0 : i32
    %cond3A_16 = arith.cmpi ne, %convert_element_type3A_14, %cond3A_15 : i32
    scf.if %cond3A_16 {
      %get3A_17 = arith.constant 0 : index
      %get3A_18 = arith.constant 0 : index
      %get3A_19 = vector.load %arg8[%get3A_17, %get3A_18] : memref<16x128xf32, #tpu.memory_space<vmem>>, vector<16x128xf32>
      %dot_general3A = arith.constant dense<0.000000e+00> : vector<8000x128xf32>
      %dot_general3A_20 = tpu.matmul %get3A_3, %get3A_19, %dot_general3A {dimension_numbers = #tpu.dot_dimension_numbers<[1], [0], [0], [1], [0, 0, 1, 1], [], []>, transpose_lhs_hint = false} : vector<8000x16xf32>, vector<16x128xf32>, vector<8000x128xf32> -> vector<8000x128xf32>
      %swap3A = arith.constant 0 : index
      %swap3A_21 = arith.constant 0 : index
      %swap3A_22 = vector.load %arg5[%swap3A, %swap3A_21] : memref<8000x128xf32, #tpu.memory_space<vmem>>, vector<8000x128xf32>
      tpu.vector_store %arg5[%swap3A, %swap3A_21], %dot_general3A_20 {strides = array<i32>} : memref<8000x128xf32, #tpu.memory_space<vmem>>, vector<8000x128xf32>,
    } else {
    }
    return
  }
  func.func @transform_0(%arg0: i32) -> (i32, i32) {
    %lt3A = arith.constant 40 : i32
    %lt3A_0 = arith.cmpi slt, %arg0, %lt3A : i32
    %sub3A = arith.constant 40 : i32
    %sub3A_1 = arith.subi %arg0, %sub3A : i32
    %select_n3A = arith.select %lt3A_0, %arg0, %sub3A_1 : i32
    %c0_i32 = arith.constant 0 : i32
    %c0_i32_2 = arith.constant 0 : i32
    return %select_n3A, %c0_i32 : i32, i32
  }
  func.func @transform_1(%arg0: i32) -> (i32, i32) {
    %c0_i32 = arith.constant 0 : i32
    %c0_i32_0 = arith.constant 0 : i32
    %c0_i32_1 = arith.constant 0 : i32
    return %c0_i32, %c0_i32_0 : i32, i32
  }
  func.func @transform_2(%arg0: i32) -> (i32, i32) {
    %c0_i32 = arith.constant 0 : i32
    %c0_i32_0 = arith.constant 0 : i32
    %c0_i32_1 = arith.constant 0 : i32
    return %c0_i32, %c0_i32_0 : i32, i32
  }
  func.func @transform_3(%arg0: i32) -> (i32, i32) {
    %c0_i32 = arith.constant 0 : i32
    %c0_i32_0 = arith.constant 0 : i32
    %c0_i32_1 = arith.constant 0 : i32
    return %c0_i32, %c0_i32_0 : i32, i32
  }
  func.func @transform_4(%arg0: i32) -> (i32, i32) {
    %lt3A = arith.constant 40 : i32
    %lt3A_0 = arith.cmpi slt, %arg0, %lt3A : i32
    %sub3A = arith.constant 40 : i32
    %sub3A_1 = arith.subi %arg0, %sub3A : i32
    %jit3A = arith.constant 0 : i32
    %select_n3A = arith.select %lt3A_0, %jit3A, %sub3A_1 : i32
    %c0_i32 = arith.constant 0 : i32
    %c0_i32_2 = arith.constant 0 : i32
    return %select_n3A, %c0_i32 : i32, i32
  }
  func.func @transform_5(%arg0: i32) -> (i32, i32) {
    %c0_i32 = arith.constant 0 : i32
    %c0_i32_0 = arith.constant 0 : i32
    %c0_i32_1 = arith.constant 0 : i32
    return %c0_i32, %c0_i32_0 : i32, i32
  }
}

module attributes {stable_mosaic.version = 14 : i64} {
  func.func @_stats_body(%arg0: memref<2x10000xf32, #tpu.memory_space<vmem>>, %arg1: memref<10000x128xf32, #tpu.memory_space<vmem>>, %arg2: memref<10000x128xf32, #tpu.memory_space<vmem>>, %arg3: memref<1x272xf32, #tpu.memory_space<vmem>>, %arg4: memref<1x272xf32, #tpu.memory_space<vmem>>, %arg5: memref<272x128xf32, #tpu.memory_space<vmem>>, %arg6: memref<1x128xf32, #tpu.memory_space<vmem>>, %arg7: memref<1x16xf32, #tpu.memory_space<vmem>>, %arg8: memref<10000x128xf32, #tpu.memory_space<vmem>>, %arg9: memref<10000x128xf32, #tpu.memory_space<vmem>>) attributes {dimension_semantics = [], scalar_prefetch = 0 : i64, scratch_operands = 0 : i64, tpu.core_type = #tpu.core_type<tc>} {
    %get3A = arith.constant 0 : index
    %get3A_0 = arith.constant 0 : index
    %get3A_1 = vector.load %arg0[%get3A, %get3A_0] : memref<2x10000xf32, #tpu.memory_space<vmem>>, vector<1x10000xf32>
    %get3A_2 = arith.constant 1 : index
    %get3A_3 = arith.constant 0 : index
    %get3A_4 = vector.load %arg0[%get3A_2, %get3A_3] : memref<2x10000xf32, #tpu.memory_space<vmem>>, vector<1x10000xf32>
    %get3A_5 = arith.constant 0 : index
    %get3A_6 = arith.constant 0 : index
    %get3A_7 = vector.load %arg1[%get3A_5, %get3A_6] : memref<10000x128xf32, #tpu.memory_space<vmem>>, vector<10000x128xf32>
    %get3A_8 = arith.constant 0 : index
    %get3A_9 = arith.constant 0 : index
    %get3A_10 = vector.load %arg2[%get3A_8, %get3A_9] : memref<10000x128xf32, #tpu.memory_space<vmem>>, vector<10000x128xf32>
    %dot_general3A = arith.constant dense<0.000000e+00> : vector<1x128xf32>
    %dot_general3A_11 = tpu.matmul %get3A_1, %get3A_7, %dot_general3A {dimension_numbers = #tpu.dot_dimension_numbers<[1], [0], [0], [1], [0, 0, 1, 1], [], []>, transpose_lhs_hint = false} : vector<1x10000xf32>, vector<10000x128xf32>, vector<1x128xf32> -> vector<1x128xf32>
    %mul3A = arith.mulf %get3A_7, %get3A_7 : vector<10000x128xf32>
    %dot_general3A_12 = arith.constant dense<0.000000e+00> : vector<1x128xf32>
    %dot_general3A_13 = tpu.matmul %get3A_1, %mul3A, %dot_general3A_12 {dimension_numbers = #tpu.dot_dimension_numbers<[1], [0], [0], [1], [0, 0, 1, 1], [], []>, transpose_lhs_hint = false} : vector<1x10000xf32>, vector<10000x128xf32>, vector<1x128xf32> -> vector<1x128xf32>
    %dot_general3A_14 = arith.constant dense<0.000000e+00> : vector<1x128xf32>
    %dot_general3A_15 = tpu.matmul %get3A_4, %get3A_10, %dot_general3A_14 {dimension_numbers = #tpu.dot_dimension_numbers<[1], [0], [0], [1], [0, 0, 1, 1], [], []>, transpose_lhs_hint = false} : vector<1x10000xf32>, vector<10000x128xf32>, vector<1x128xf32> -> vector<1x128xf32>
    %mul3A_16 = arith.mulf %get3A_10, %get3A_10 : vector<10000x128xf32>
    %dot_general3A_17 = arith.constant dense<0.000000e+00> : vector<1x128xf32>
    %dot_general3A_18 = tpu.matmul %get3A_4, %mul3A_16, %dot_general3A_17 {dimension_numbers = #tpu.dot_dimension_numbers<[1], [0], [0], [1], [0, 0, 1, 1], [], []>, transpose_lhs_hint = false} : vector<1x10000xf32>, vector<10000x128xf32>, vector<1x128xf32> -> vector<1x128xf32>
    %mul3A_19 = arith.constant 3.125000e-06 : f32
    %mul3A_20 = vector.broadcast %mul3A_19 : f32 to vector<1x128xf32>
    %mul3A_21 = arith.mulf %dot_general3A_11, %mul3A_20 : vector<1x128xf32>
    %mul3A_22 = arith.constant 3.125000e-06 : f32
    %mul3A_23 = vector.broadcast %mul3A_22 : f32 to vector<1x128xf32>
    %mul3A_24 = arith.mulf %dot_general3A_13, %mul3A_23 : vector<1x128xf32>
    %mul3A_25 = arith.mulf %mul3A_21, %mul3A_21 : vector<1x128xf32>
    %sub3A = arith.subf %mul3A_24, %mul3A_25 : vector<1x128xf32>
    %mul3A_26 = arith.constant 3.125000e-06 : f32
    %mul3A_27 = vector.broadcast %mul3A_26 : f32 to vector<1x128xf32>
    %mul3A_28 = arith.mulf %dot_general3A_15, %mul3A_27 : vector<1x128xf32>
    %mul3A_29 = arith.constant 3.125000e-06 : f32
    %mul3A_30 = vector.broadcast %mul3A_29 : f32 to vector<1x128xf32>
    %mul3A_31 = arith.mulf %dot_general3A_18, %mul3A_30 : vector<1x128xf32>
    %mul3A_32 = arith.mulf %mul3A_28, %mul3A_28 : vector<1x128xf32>
    %sub3A_33 = arith.subf %mul3A_31, %mul3A_32 : vector<1x128xf32>
    %get3A_34 = arith.constant 0 : index
    %get3A_35 = arith.constant 0 : index
    %get3A_36 = vector.load %arg3[%get3A_34, %get3A_35] : memref<1x272xf32, #tpu.memory_space<vmem>>, vector<1x128xf32>
    %add3A = arith.constant 9.99999974E-6 : f32
    %add3A_37 = vector.broadcast %add3A : f32 to vector<1x128xf32>
    %add3A_38 = arith.addf %sub3A, %add3A_37 : vector<1x128xf32>
    %rsqrt3A = math.rsqrt %add3A_38 : vector<1x128xf32>
    %mul3A_39 = arith.mulf %get3A_36, %rsqrt3A : vector<1x128xf32>
    %get3A_40 = arith.constant 0 : index
    %get3A_41 = arith.constant 128 : index
    %get3A_42 = vector.load %arg3[%get3A_40, %get3A_41] : memref<1x272xf32, #tpu.memory_space<vmem>>, vector<1x128xf32>
    %add3A_43 = arith.constant 9.99999974E-6 : f32
    %add3A_44 = vector.broadcast %add3A_43 : f32 to vector<1x128xf32>
    %add3A_45 = arith.addf %sub3A_33, %add3A_44 : vector<1x128xf32>
    %rsqrt3A_46 = math.rsqrt %add3A_45 : vector<1x128xf32>
    %mul3A_47 = arith.mulf %get3A_42, %rsqrt3A_46 : vector<1x128xf32>
    %get3A_48 = arith.constant 0 : index
    %get3A_49 = arith.constant 0 : index
    %get3A_50 = vector.load %arg4[%get3A_48, %get3A_49] : memref<1x272xf32, #tpu.memory_space<vmem>>, vector<1x128xf32>
    %mul3A_51 = arith.mulf %mul3A_21, %mul3A_39 : vector<1x128xf32>
    %sub3A_52 = arith.subf %get3A_50, %mul3A_51 : vector<1x128xf32>
    %get3A_53 = arith.constant 0 : index
    %get3A_54 = arith.constant 128 : index
    %get3A_55 = vector.load %arg4[%get3A_53, %get3A_54] : memref<1x272xf32, #tpu.memory_space<vmem>>, vector<1x128xf32>
    %mul3A_56 = arith.mulf %mul3A_28, %mul3A_47 : vector<1x128xf32>
    %sub3A_57 = arith.subf %get3A_55, %mul3A_56 : vector<1x128xf32>
    %get3A_58 = arith.constant 0 : index
    %get3A_59 = arith.constant 0 : index
    %get3A_60 = vector.load %arg7[%get3A_58, %get3A_59] : memref<1x16xf32, #tpu.memory_space<vmem>>, vector<1x16xf32>
    %concatenate3A = tpu.concatenate %sub3A_52, %sub3A_57, %get3A_60 in 1 : vector<1x128xf32>, vector<1x128xf32>, vector<1x16xf32> -> vector<1x272xf32>
    %get3A_61 = arith.constant 0 : index
    %get3A_62 = arith.constant 0 : index
    %get3A_63 = vector.load %arg6[%get3A_61, %get3A_62] : memref<1x128xf32, #tpu.memory_space<vmem>>, vector<1x128xf32>
    %get3A_64 = arith.constant 0 : index
    %get3A_65 = arith.constant 0 : index
    %get3A_66 = vector.load %arg5[%get3A_64, %get3A_65] : memref<272x128xf32, #tpu.memory_space<vmem>>, vector<272x128xf32>
    %dot_general3A_67 = arith.constant dense<0.000000e+00> : vector<1x128xf32>
    %dot_general3A_68 = tpu.matmul %concatenate3A, %get3A_66, %dot_general3A_67 {dimension_numbers = #tpu.dot_dimension_numbers<[1], [0], [0], [1], [0, 0, 1, 1], [], []>, transpose_lhs_hint = false} : vector<1x272xf32>, vector<272x128xf32>, vector<1x128xf32> -> vector<1x128xf32>
    %add3A_69 = arith.addf %get3A_63, %dot_general3A_68 : vector<1x128xf32>
    %mul3A_70 = vector.broadcast %mul3A_39 : vector<1x128xf32> to vector<10000x128xf32>
    %mul3A_71 = arith.mulf %get3A_7, %mul3A_70 : vector<10000x128xf32>
    %get3A_72 = arith.constant 0 : index
    %get3A_73 = arith.constant 0 : index
    %get3A_74 = vector.load %arg5[%get3A_72, %get3A_73] : memref<272x128xf32, #tpu.memory_space<vmem>>, vector<128x128xf32>
    %dot_general3A_75 = arith.constant dense<0.000000e+00> : vector<10000x128xf32>
    %dot_general3A_76 = tpu.matmul %mul3A_71, %get3A_74, %dot_general3A_75 {dimension_numbers = #tpu.dot_dimension_numbers<[1], [0], [0], [1], [0, 0, 1, 1], [], []>, transpose_lhs_hint = false} : vector<10000x128xf32>, vector<128x128xf32>, vector<10000x128xf32> -> vector<10000x128xf32>
    %add3A_77 = vector.broadcast %add3A_69 : vector<1x128xf32> to vector<10000x128xf32>
    %add3A_78 = arith.addf %dot_general3A_76, %add3A_77 : vector<10000x128xf32>
    %swap3A = arith.constant 0 : index
    %swap3A_79 = arith.constant 0 : index
    %swap3A_80 = vector.load %arg8[%swap3A, %swap3A_79] : memref<10000x128xf32, #tpu.memory_space<vmem>>, vector<10000x128xf32>
    tpu.vector_store %arg8[%swap3A, %swap3A_79], %add3A_78 {strides = array<i32>} : memref<10000x128xf32, #tpu.memory_space<vmem>>, vector<10000x128xf32>,
    %mul3A_81 = vector.broadcast %mul3A_47 : vector<1x128xf32> to vector<10000x128xf32>
    %mul3A_82 = arith.mulf %get3A_10, %mul3A_81 : vector<10000x128xf32>
    %get3A_83 = arith.constant 128 : index
    %get3A_84 = arith.constant 0 : index
    %get3A_85 = vector.load %arg5[%get3A_83, %get3A_84] : memref<272x128xf32, #tpu.memory_space<vmem>>, vector<128x128xf32>
    %dot_general3A_86 = arith.constant dense<0.000000e+00> : vector<10000x128xf32>
    %dot_general3A_87 = tpu.matmul %mul3A_82, %get3A_85, %dot_general3A_86 {dimension_numbers = #tpu.dot_dimension_numbers<[1], [0], [0], [1], [0, 0, 1, 1], [], []>, transpose_lhs_hint = false} : vector<10000x128xf32>, vector<128x128xf32>, vector<10000x128xf32> -> vector<10000x128xf32>
    %swap3A_88 = arith.constant 0 : index
    %swap3A_89 = arith.constant 0 : index
    %swap3A_90 = vector.load %arg9[%swap3A_88, %swap3A_89] : memref<10000x128xf32, #tpu.memory_space<vmem>>, vector<10000x128xf32>
    tpu.vector_store %arg9[%swap3A_88, %swap3A_89], %dot_general3A_87 {strides = array<i32>} : memref<10000x128xf32, #tpu.memory_space<vmem>>, vector<10000x128xf32>,
    return
  }
}

module attributes {stable_mosaic.version = 14 : i64} {
  func.func @_combine_body(%arg0: i32, %arg1: memref<2x2000x128xf32, #tpu.memory_space<vmem>>, %arg2: memref<2000x128xf32, #tpu.memory_space<vmem>>) attributes {dimension_semantics = [#tpu.dimension_semantics<arbitrary>], iteration_bounds = array<i64: 5>, scalar_prefetch = 0 : i64, scratch_operands = 0 : i64, tpu.core_type = #tpu.core_type<tc>, window_params = [{transform_indices = @transform_0, window_bounds = array<i64: 2, 2000, 128>}, {transform_indices = @transform_1, window_bounds = array<i64: 2000, 128>}]} {
    %get3A = arith.constant 0 : index
    %get3A_0 = arith.constant 0 : index
    %get3A_1 = arith.constant 0 : index
    %get3A_2 = vector.load %arg1[%get3A, %get3A_0, %get3A_1] : memref<2x2000x128xf32, #tpu.memory_space<vmem>>, vector<1x2000x128xf32>
    %get3A_3 = vector.shape_cast %get3A_2 : vector<1x2000x128xf32> to vector<2000x128xf32>
    %get3A_4 = arith.constant 1 : index
    %get3A_5 = arith.constant 0 : index
    %get3A_6 = arith.constant 0 : index
    %get3A_7 = vector.load %arg1[%get3A_4, %get3A_5, %get3A_6] : memref<2x2000x128xf32, #tpu.memory_space<vmem>>, vector<1x2000x128xf32>
    %get3A_8 = vector.shape_cast %get3A_7 : vector<1x2000x128xf32> to vector<2000x128xf32>
    %add3A = arith.addf %get3A_3, %get3A_8 : vector<2000x128xf32>
    %swap3A = arith.constant 0 : index
    %swap3A_9 = arith.constant 0 : index
    %swap3A_10 = vector.load %arg2[%swap3A, %swap3A_9] : memref<2000x128xf32, #tpu.memory_space<vmem>>, vector<2000x128xf32>
    tpu.vector_store %arg2[%swap3A, %swap3A_9], %add3A {strides = array<i32>} : memref<2000x128xf32, #tpu.memory_space<vmem>>, vector<2000x128xf32>,
    return
  }
  func.func @transform_0(%arg0: i32) -> (i32, i32, i32) {
    %c0_i32 = arith.constant 0 : i32
    %c0_i32_0 = arith.constant 0 : i32
    %c0_i32_1 = arith.constant 0 : i32
    return %c0_i32, %arg0, %c0_i32_0 : i32, i32, i32
  }
  func.func @transform_1(%arg0: i32) -> (i32, i32) {
    %c0_i32 = arith.constant 0 : i32
    %c0_i32_0 = arith.constant 0 : i32
    return %arg0, %c0_i32 : i32, i32
  }
}

</mosaic_0001>

<sc_bundles>
// kernel: kernel.10.cloned.1.call-start
scs
__scs_entry_jumppad:
0x0: {  	(pc) =	sbr.rel $0x88, $3  }
0x1: {  	(tag) =	ssettag $0x0;
	lr =	simm.s32 $0x1  }
0x2: {  	[smem:$0x3F97] =	sst lr;
	_ =	strace $0xD0000000  }
0x3: {  	_ = 	snop  }
0x4: {  	_ = 	snop  }
0x5: {  	_ = 	snop  }
0x6: {  	_ = 	snop  }
0x7: {  	_ = 	snop  }
__scs_overlays_trampoline_lowered:
0x8: {  	[smem:$0x3FA6] =	sst s0  }
0x9: {  	[smem:$0x3FA7] =	sst s1  }
0xa: {  	[smem:$0x3FA8] =	sst s2  }
0xb: {  	[smem:$0x3FA9] =	sst s3  }
0xc: {  	[smem:$0x3FAA] =	sst s4  }
0xd: {  	[smem:$0x3FAB] =	sst s5  }
0xe: {  	[smem:$0x3FAC] =	sst s6  }
0xf: {  	[smem:$0x3FAD] =	sst s7  }
0x10: {  	[smem:$0x3FAE] =	sst s8  }
0x11: {  	[smem:$0x3FAF] =	sst s9;
	s0 =	simm.s32 @!p0 $0x0  }
0x12: {  	s1 =	sld [smem:$0x3F95];
	s0 =	simm.s32 @p0 $0x1  }
0x13: {  	[smem:$0x3FB0] =	sst s0;
	s0 =	simm.s32 @!p1 $0x0  }
0x14: {  	s2 =	sld [smem:$0x3F94];
	s0 =	simm.s32 @p1 $0x1  }
0x15: {  	[smem:$0x3FB1] =	sst s0;
	s0 =	simm.s32 @!p2 $0x0  }
0x16: {  	s3 =	sld [smem:$0x3FDB];
	s0 =	simm.s32 @p2 $0x1  }
0x17: {  	s4 =	simm.s32 $0x1BF5;
	[smem:$0x3FB3] =	sst s0  }
0x18: {  	s0 =	sld [smem:$0x3F96];
	_ =	swait.ge [sflag:s4], $0x0  }
0x19: {  	s7 =	sld [smem:$0x3F97]  }
0x1a: {  	s8 =	sadd.s32 $0xFFFFE003, lr  }
0x1b: {  	s9 =	sadd.s32 $0xFFFFFEF7, lr;
	s5 =	simm.s32 $0xFFFFFFFF;
	p2 =	slt.u32 s8, $0xFFFFF086  }
0x1c: {  	p1 =	slt.u32 s9, $0xF7A;
	s5 =	simm.s32 @!p2 $0x0  }
0x1d: {  	s5 =	simm.s32 @p1 $0x1;
	p0 =	seq.s32 s7, s2  }
0x1e: {  	s7 =	smul.u32 @!p0 $0xF7A, s2;
	p2 =	seq.s32 @!p0 s5, $0x0  }
0x1f: {  	s9 =	smul.u32 $0xF7A, s1;
	s8 =	simm.s32 @!p0 $0x1BF5;
	p2 =	por !p2, p0  }
0x20: {  	[sflag:s8] =	ssyncset.s32 @!p0 $0xFFFFF086;
	s6 =	sadd.s32 @!p0 s3, s7;
	s7 =	simm.s32 @!p0 $0x108  }
0x21: {  	s3 =	sadd.s32 s3, s9;
	s6 =	sadd.s32 @!p0 $0x88, s6;
	s7 =	simm.s32 @p2 $0x1082  }
0x22: {  	[simem:s7], [sflag:s8] =	dma.local @!p0 [hbm:s6], $0xF7A  }
0x23: {  	s9 =	sor.u32 $0xD0000000, s2;
	s6 =	simm.s32 $0x108;
	_ =	swait.ge @!p0 [sflag:s8], $0x0  }
0x24: {  	s3 =	sadd.s32 $0x88, s3;
	s6 =	simm.s32 @!p1 $0x1082;
	[sflag:s4] =	ssyncset.s32 $0xFFFFF086  }
0x25: {  	[simem:s6], [sflag:s4] =	dma.local [hbm:s3], $0xF7A  }
0x26: {  	[smem:$0x3F97] =	sst s1;
	(tag) =	ssettag s2;
	_ =	strace s9  }
0x27: {  	s1 =	sld [smem:$0x3FA7]  }
0x28: {  	s2 =	sld [smem:$0x3FA8]  }
0x29: {  	s4 =	sld [smem:$0x3FAA]  }
0x2a: {  	p0 =	seq.s32 s5, $0x0;
	s5 =	sld [smem:$0x3FAB]  }
0x2b: {  	s6 =	sld [smem:$0x3FAC]  }
0x2c: {  	s7 =	sld [smem:$0x3FAD]  }
0x2d: {  	s3 =	simm.s32 $0x108;
	s8 =	sld [smem:$0x3FAE]  }
0x2e: {  	s3 =	simm.s32 @!p0 $0x1082;
	s9 =	sld [smem:$0x3FAF]  }
0x2f: {  	lr =	sadd.s32 s0, s3;
	s0 =	sld [smem:$0x3FA6]  }
0x30: {  	s3 =	sld [smem:$0x3FA9]  }
0x31: {  	[smem:$0x3FB2] =	sst s10  }
0x32: {  	s10 =	sld [smem:$0x3FB0];
	_ =	sdelay $0x3  }
0x33: {  	p0 =	seq.s32 s10, $0x1;
	s10 =	sld [smem:$0x3FB2];
	_ =	sdelay $0x3  }
0x34: {  	[smem:$0x3FB2] =	sst s10  }
0x35: {  	s10 =	sld [smem:$0x3FB1];
	_ =	sdelay $0x3  }
0x36: {  	p1 =	seq.s32 s10, $0x1;
	s10 =	sld [smem:$0x3FB2];
	_ =	sdelay $0x3  }
0x37: {  	[smem:$0x3FB2] =	sst s10  }
0x38: {  	s10 =	sld [smem:$0x3FB3]  }
0x39: {  	_ = 	snop;
	(pc) =	sbr.ind lr, $3  }
0x3a: {  	_ = 	snop  }
0x3b: {  	_ = 	snop  }
0x3c: {  	p2 =	seq.s32 s10, $0x1;
	s10 =	sld [smem:$0x3FB2]  }
0x3d: {  	_ =	shalt  }
0x3e: {  	_ =	shalt  }
0x3f: {  	_ =	shalt  }
0x40: {  	_ =	shalt  }
0x41: {  	_ =	shalt  }
0x42: {  	_ =	shalt  }
0x43: {  	_ =	shalt  }
0x44: {  	_ =	shalt  }
0x45: {  	_ =	shalt  }
0x46: {  	_ =	shalt  }
0x47: {  	_ =	shalt  }
0x48: {  	_ =	shalt  }
0x49: {  	_ =	shalt  }
0x4a: {  	_ =	shalt  }
0x4b: {  	_ =	shalt  }
0x4c: {  	_ =	shalt  }
0x4d: {  	_ =	shalt  }
0x4e: {  	_ =	shalt  }
0x4f: {  	_ =	shalt  }
0x50: {  	_ =	shalt  }
0x51: {  	_ =	shalt  }
0x52: {  	_ =	shalt  }
0x53: {  	_ =	shalt  }
0x54: {  	_ =	shalt  }
0x55: {  	_ =	shalt  }
0x56: {  	_ =	shalt  }
0x57: {  	_ =	shalt  }
0x58: {  	_ =	shalt  }
0x59: {  	_ =	shalt  }
0x5a: {  	_ =	shalt  }
0x5b: {  	_ =	shalt  }
0x5c: {  	_ =	shalt  }
0x5d: {  	_ =	shalt  }
0x5e: {  	_ =	shalt  }
0x5f: {  	_ =	shalt  }
0x60: {  	_ =	shalt  }
0x61: {  	_ =	shalt  }
0x62: {  	_ =	shalt  }
0x63: {  	_ =	shalt  }
0x64: {  	_ =	shalt  }
0x65: {  	_ =	shalt  }
0x66: {  	_ =	shalt  }
0x67: {  	_ =	shalt  }
0x68: {  	_ =	shalt  }
0x69: {  	_ =	shalt  }
0x6a: {  	_ =	shalt  }
0x6b: {  	_ =	shalt  }
0x6c: {  	_ =	shalt  }
0x6d: {  	_ =	shalt  }
0x6e: {  	_ =	shalt  }
0x6f: {  	_ =	shalt  }
0x70: {  	_ =	shalt  }
0x71: {  	_ =	shalt  }
0x72: {  	_ =	shalt  }
0x73: {  	_ =	shalt  }
0x74: {  	_ =	shalt  }
0x75: {  	_ =	shalt  }
0x76: {  	_ =	shalt  }
0x77: {  	_ =	shalt  }
0x78: {  	_ =	shalt  }
0x79: {  	_ =	shalt  }
0x7a: {  	_ =	shalt  }
0x7b: {  	_ =	shalt  }
0x7c: {  	_ =	shalt  }
0x7d: {  	_ =	shalt  }
0x7e: {  	_ =	shalt  }
0x7f: {  	_ =	shalt  }
0x80: {  	_ =	shalt  }
0x81: {  	_ =	shalt  }
0x82: {  	_ =	shalt  }
0x83: {  	_ =	shalt  }
0x84: {  	_ =	shalt  }
0x85: {  	_ =	shalt  }
0x86: {  	_ =	shalt  }
0x87: {  	_ =	shalt  }
.Lfunc_end0:
.L_simem_size_0:
called_computation.1_lowered:
.L_overlay_start_0:
0x88: {  	s2 =	sld [smem:$0x3FD9]  }
0x89: {  	s3 =	sld [smem:$0x3FFE];
	_ =	sdelay $0x1  }
0x8a: {  	s1 =	srdreg.scid  }
0x8b: {  	s0 =	sand.u32 $0x1, s1  }
0x8c: {  	s17 =	sshll.u32 s0, $0xA;
	s2 =	sadd.s32 s3, s2  }
0x8d: {  	s2 =	sadd.s32 s2, s17  }
0x8e: {  	[smem:$0x3FBE] =	sst s2  }
0x8f: {  	_ = 	snop  }
0x90: {  	s2 =	sld [smem:$0x3FC1]  }
0x91: {  	s18 =	sld [smem:$0x3FD0];
	(tm) =	ssettm $0x1  }
0x92: {  	s4 =	sld [smem:$0x3FFB];
	_ =	sdelay $0x3  }
0x93: {  	_ =	strace s4  }
0x94: {  	s4 =	sld [smem:$0x3FFC];
	_ =	sdelay $0x3  }
0x95: {  	_ =	strace s4  }
0x96: {  	s4 =	sld [smem:$0x3FFD];
	_ =	sdelay $0x3  }
0x97: {  	_ =	strace s4  }
0x98: {  	_ =	strace $0x8FFFFFFF  }
0x99: {  	s19 =	sld [smem:$0x3FDB];
	_ =	sdelay $0x1  }
0x9a: {  	s5 =	simm.s32 $_scs_section_size  }
0x9b: {  	s6 =	simm.s32 $_size__tile_overlayer_lowered;
	s7 =	simm.s32 $_tile_overlayer_lowered  }
0x9c: {  	s22 =	simm.s32 $0x1BFF;
	s21 =	sshll.u32 s7, $0x1;
	s4 =	sadd.s32 s5, s19  }
0x9d: {  	s8 =	simm.s32 $0x0;
	s20 =	sshll.u32 s6, $0x1;
	s6 =	sadd.s32 s21, s4  }
0x9e: {  	[timem:s8], [sflag:s22] =	dma.local [hbm:s6], s20  }
0x9f: {  	_ =	swait.ge [sflag:s22], s20  }
0xa0: {  	s5 =	ssub.s32 $0x0, s20;
	[sflag:s22] =	ssyncset.done $0x0  }
0xa1: {  	[sflag:s22] =	ssyncadd.s32 s5;
	_ =	sdelay $0x1  }
0xa2: {  	s23 =	simm.s32 $0x1B8B  }
0xa3: {  	_ =	swait.ge [sflag:s23], $0x1  }
0xa4: {  	[sflag:s23] =	ssyncset.done $0x0  }
0xa5: {  	s25 =	simm.s32 $0x1B8E;
	s24 =	sld [smem:$0x3FFE];
	[sflag:s23] =	ssyncadd.s32 $0xFFFFFFFF  }
0xa6: {  	s26 =	simm.s32 $execute0_lowered;
	[smem:$0x3FD2] =	sst s25  }
0xa7: {  	s6 =	sshll.u32 s26, $0x1;
	_ =	strace $0x80000049;
	[dreg:$0x1] =	wrdreg $0xFFFFFFFF  }
0xa8: {  	s28 =	simm.s32 $_size_execute0_lowered;
	s4 =	sadd.s32 s4, s6;
	[dreg:$0x0] =	wrdreg $0x0  }
0xa9: {  	s6 =	sshll.u32 s28, $0x1;
	[dreg:$0x2] =	wrdreg s4  }
0xaa: {  	[dreg:$0x3] =	wrdreg s6  }
0xab: {  	[dreg:$0x4] =	wrdreg $0xC0  }
0xac: {  	_ =	task [dreg:s8], $0x5FFFF  }
0xad: {  	[dreg:$0x1] =	wrdreg $0xFFFFFFFF  }
0xae: {  	[dreg:$0x0] =	wrdreg $0x60  }
0xaf: {  	[dreg:$0x2] =	wrdreg s18  }
0xb0: {  	[dreg:$0x3] =	wrdreg s24  }
0xb1: {  	[dreg:$0x4] =	wrdreg s2  }
0xb2: {  	[dreg:$0x5] =	wrdreg $0xC2000  }
0xb3: {  	[dreg:$0x6] =	wrdreg $0x9  }
0xb4: {  	_ =	task.clear_ibuf [dreg:s8], $0x7FFFF;
	_ =	strace $0x90000049  }
0xb5: {  	s29 =	simm.s32 $0x9;
	_ =	strace $0x8000004B  }
0xb6: {  	_ =	swait.ge [sflag:s29], $0x1  }
0xb7: {  	[sflag:s29] =	ssyncadd.s32 $0xFFFFFFFF  }
0xb8: {  	_ =	strace $0x9000004B  }
0xb9: {  	_ =	sfence  }
0xba: {  	s30 =	sld [smem:$0x0];
	_ =	sdelay $0x2  }
0xbb: {  	s31 =	sshll.u32 s1, $0xD;
	s1 =	sshrl.u32 s1, $0x2  }
0xbc: {  	s3 =	sand.u32 $0x4000, s31;
	s1 =	sadd.s32 s1, s30  }
0xbd: {  	s0 =	sor.u32 s3, s0;
	s1 =	sshll.u32 s1, $0x11  }
0xbe: {  	s0 =	sor.u32 s1, s0  }
0xbf: {  	s0 =	sadd.s32 $0x8F2B, s0  }
0xc0: {  	[sflag:s0] =	ssyncadd.remote.s32 $0x1  }
0xc1: {  	_ =	sfence.sel $0xFFFF  }
0xc2: {  	[dreg:$0x0] =	wrdreg $0xFFFFFFFF;
	(pc) =	sbr.abs _section_cstart, $3  }
0xc3: {  	[dreg:$0x1] =	wrdreg $0xFFFFFFFF  }
0xc4: {  	_ =	task.clear_ibuf [dreg:s8], $0x2FFFF;
	_ =	strace $0x9FFFFFFF  }
0xc5: {  	(tm) =	ssettm $0x7FFFFFFF  }
tec
execute0_lowered:
.L_overlay_start_1:
0x0: {  	(tag) =	ssettag $0x1  }
0x1: {  	s1 =	rddreg [dreg:$0x0]  }
0x2: {  	s0 =	rddreg [dreg:$0x1]  }
0x3: {  	s3 =	rddreg [dreg:$0x3];
	s4 =	simm.s32 $0x0  }
0x4: {  	s2 =	srdreg.scid;
	s10 =	stileid.u32;
	s14 =	simm.s32 $0x19  }
0x5: {  	s31 =	simm.s32 $0x4800;
	s11 =	simm.s32 $0x3;
	s16 =	simm.s32 $0x4  }
0x6: {  	s18 =	simm.s32 $0x5;
	s19 =	simm.s32 $0x6;
	s15 =	simm.s32 $0xA800  }
0x7: {  	[smem:$0x7FF] =	sst s4;
	s2 =	sand.u32 $0x1, s2;
	s6 =	sadd.s32 $0x555800, s0  }
0x8: {  	s7 =	sadd.s32 $0x2600, s0;
	s8 =	sadd.s32 $0x4E5600, s0;
	s20 =	smul.u32 $0x14000, s10  }
0x9: {  	s9 =	sadd.s32 $0x51D600, s0;
	_ =	strace $0x8000004A;
	[dreg:$0x5] =	wrdreg s8  }
0xa: {  	s21 =	sadd.s32 $0x29800, s0;
	s28 =	smul.u32 $0x4E200, s10;
	[dreg:$0x6] =	wrdreg s9  }
0xb: {  	s22 =	sadd.s32 $0x29A00, s0;
	s29 =	smul.u32 $0x50000, s10;
	[dreg:$0x7] =	wrdreg s21  }
0xc: {  	p0 =	seq.s32 s10, $0xF;
	s5 =	smul.u32 $0x138800, s2;
	[dreg:$0x8] =	wrdreg s22  }
0xd: {  	s23 =	ssub.s32 $0x2, s2;
	s2 =	sshll.u32 s2, $0x4;
	s9 =	simm.s32 $0x19  }
0xe: {  	s21 =	simm.s32 $0x9;
	s22 =	simm.s32 $0x8800;
	s8 =	simm.s32 $0x0  }
0xf: {  	s24 =	sshrl.u32 s23, $0x1;
	s2 =	sor.u32 s10, s2;
	s9 =	simm.s32 @!p0 $0x28  }
0x10: {  	s30 =	sshrl.u32 s29, $0x2;
	s10 =	simm.s32 $0x2;
	s5 =	sadd.s32 s20, s5  }
0x11: {  	s25 =	ssub.s32 s23, s24;
	s26 =	smul.u32 $0xE000, s2;
	s2 =	sshll.u32 s2, $0x3  }
0x12: {  	[dreg:$0xb] =	wrdreg s9;
	s20 =	simm.s32 $0x9800;
	s23 =	simm.s32 $0x1  }
0x13: {  	s5 =	sshrl.u32 s5, $0x3;
	[dreg:$0xa] =	wrdreg s2;
	s2 =	sshrl.u32 s28, $0x2  }
0x14: {  	s0 =	sadd.s32 s5, s0;
	[dreg:$0x9] =	wrdreg s26;
	s5 =	smax.u32 s25, $0x1  }
0x15: {  	s17 =	sadd.s32 s2, s3;
	[dreg:$0xc] =	wrdreg s5;
	s0 =	sadd.s32 $0x29C00, s0  }
0x16: {  	s2 =	simm.s32 $0xB880;
	[dreg:$0xd] =	wrdreg s0;
	s0 =	sadd.s32 s30, s3  }
0x17: {  	v0 =	vlaneseq.u32;
	s25 =	simm.s32 $0xB900;
	s5 =	simm.s32 $0x6800;
	[dreg:$0xe] =	wrdreg s0  }
.LBB2_1:
0x18: {  	[dreg:$0xf] =	wrdreg s8  }
0x19: {  	s0 =	rddreg [dreg:$0x8]  }
0x1a: {  	[tilespmem:s20], [sflag:$0x9] =	stream.linear.gather [hbm4b:s0+s4], $0xC80, $0x38;
	[tilespmem:$0x1FA80] =	vst v63  }
0x1b: {  	_ =	swait.ge [sflag:s21], $0xC80  }
0x1c: {  	[sflag:s21] =	ssyncset.done $0x0  }
0x1d: {  	s30 =	sadd.s32 $0x0, s17;
	[sflag:s21] =	ssyncadd.s32 $0xFFFFF380  }
0x1e: {  	[spmem:s30] =	stream.linear.scatter [tilespmem:s20], [sflag:$0x9], $0xC80, $0x38;
	[tilespmem:$0x1FA80] =	vst v63  }
0x1f: {  	s0 =	simm.s32 $0x3200;
	_ =	swait.ge [sflag:s21], $0xC80  }
.LBB2_2:
0x20: {  	s8 =	sshra.s32 s0, $0x2;
	[sflag:s21] =	ssyncset.done $0x0;
	p0 =	sne.s32 s0, $0x4B000  }
.Ltmp0:
0x21: {  	s8 =	sadd.s32 s8, s17;
	[sflag:s21] =	ssyncadd.s32 $0xFFFFF380;
	(pc) =	sbr.rel @p0 .LBB2_2-.Ltmp0, $3  }
0x22: {  	[spmem:s8] =	stream.linear.scatter [tilespmem:s20], [sflag:$0x9], $0xC80, $0x38;
	[tilespmem:$0x1FA80] =	vst v63  }
0x23: {  	s0 =	sadd.s32 $0x3200, s0;
	_ =	sdelay $0x1  }
0x24: {  	_ =	swait.ge [sflag:s21], $0xC80  }
0x25: {  	[sflag:s21] =	ssyncset.done $0x0  }
0x26: {  	[sflag:s21] =	ssyncadd.s32 $0xFFFFF380  }
0x27: {  	s9 =	simm.s32 $0x0;
	s8 =	simm.s32 $0xC100;
	s0 =	rddreg [dreg:$0x2]  }
0x28: {  	[tilespmem:s8], [sflag:$0x9] =	stream.linear.gather [hbm4b:s0+s9], $0x80, $0x38;
	[tilespmem:$0x1FA80] =	vst v63  }
0x29: {  	_ =	swait.ge [sflag:s21], $0x80  }
0x2a: {  	[sflag:s21] =	ssyncset.done $0x0  }
0x2b: {  	s30 =	simm.s32 $0xC180;
	s29 =	rddreg [dreg:$0x7];
	[sflag:s21] =	ssyncadd.s32 $0xFFFFFF80  }
0x2c: {  	[tilespmem:s30], [sflag:$0x9] =	stream.linear.gather [hbm4b:s29+s9], $0x80, $0x38;
	[tilespmem:$0x1FA80] =	vst v63  }
0x2d: {  	_ =	swait.ge [sflag:s21], $0x80  }
0x2e: {  	[sflag:s21] =	ssyncset.done $0x0  }
0x2f: {  	[sflag:s21] =	ssyncadd.s32 $0xFFFFFF80  }
0x30: {  	[bflag:$0x0] =	sbarrier.arrive $0xFFFF  }
0x31: {  	v1 =	vld [tilespmem:$0xC180]  }
0x32: {  	v2 =	vld [tilespmem:$0xC100]  }
0x33: {  	v3 =	vld [tilespmem:$0xC110]  }
0x34: {  	v4 =	vld [tilespmem:$0xC120]  }
.Ltmp1:
0x35: {  	v5 =	vld [tilespmem:$0xC130];
	(pc) =	sbr.rel .LBB2_4-.Ltmp1, $4  }
0x36: {  	v6 =	vld [tilespmem:$0xC140]  }
0x37: {  	v7 =	vld [tilespmem:$0xC150]  }
0x38: {  	v8 =	vld [tilespmem:$0xC160]  }
0x39: {  	s12 =	simm.s32 $0x0;
	v9 =	vld [tilespmem:$0xC170]  }
.LBB2_11:
0x3a: {  	s12 =	rddreg [dreg:$0x10]  }
0x3b: {  	s12 =	sadd.s32 $0x1, s12  }
0x3c: {  	p0 =	sne.s32 s12, $0x8  }
.Ltmp2:
0x3d: {  	_ = 	snop;
	(pc) =	sbr.rel @!p0 .LBB2_12-.Ltmp2, $1  }
0x3e: {  	_ =	sdelay $0x3  }
.LBB2_4:
0x3f: {  	p0 =	seq.s32 s12, $0x0  }
0x40: {  	s0 =	simm.s32 @!p0 $0x7  }
0x41: {  	_ =	swait.ge @!p0 [sflag:s0], $0xC80  }
0x42: {  	[sflag:s0] =	ssyncset.done @!p0 $0x0  }
0x43: {  	[sflag:s0] =	ssyncadd.s32 @!p0 $0xFFFFF380;
	s0 =	simm.s32 @!p0 $0x8  }
0x44: {  	s8 =	smul.u32 $0x1C00, s12;
	_ =	swait.ge @!p0 [sflag:s0], $0xC80  }
0x45: {  	s9 =	rddreg [dreg:$0x9]  }
0x46: {  	s8 =	sadd.s32 s9, s8  }
0x47: {  	[sflag:s0] =	ssyncset.done @!p0 $0x0;
	s26 =	rddreg [dreg:$0x5];
	s8 =	sshrl.u32 s8, $0x3  }
0x48: {  	[sflag:s0] =	ssyncadd.s32 @!p0 $0xFFFFF380;
	s9 =	simm.s32 $0x0;
	s0 =	sadd.s32 s26, s8  }
0x49: {  	[tilespmem:s9], [sflag:$0x9] =	stream.linear.gather [hbm4b:s0+s9], $0x1900, $0x38;
	[tilespmem:$0x1FA80] =	vst v63  }
0x4a: {  	_ =	swait.ge [sflag:s21], $0x1900  }
0x4b: {  	s28 =	rddreg [dreg:$0x6]  }
0x4c: {  	[sflag:s21] =	ssyncset.done $0x0;
	s13 =	rddreg [dreg:$0xa]  }
0x4d: {  	[sflag:s21] =	ssyncadd.s32 $0xFFFFE700;
	s0 =	sadd.s32 s28, s8;
	s8 =	simm.s32 $0x1C00  }
0x4e: {  	[tilespmem:s8], [sflag:$0x9] =	stream.linear.gather [hbm4b:s0+s9], $0x1900, $0x38;
	[tilespmem:$0x1FA80] =	vst v63  }
0x4f: {  	[dreg:$0x10] =	wrdreg s12;
	s0 =	sadd.s32 s13, s12  }
0x50: {  	_ =	swait.ge [sflag:s21], $0x1900;
	s29 =	smul.u32 $0x4E2, s0  }
0x51: {  	[sflag:s21] =	ssyncset.done $0x0  }
0x52: {  	[sflag:s21] =	ssyncadd.s32 $0xFFFFE700;
	v10 =	vadd.s32 s29, v0;
	s0 =	sadd.s32 $0x10, s29  }
0x53: {  	s24 =	sadd.s32 $0x20, s29;
	[tilespmem:$0xB800] =	vst v10;
	v10 =	vadd.s32 s0, v0  }
0x54: {  	[tilespmem:$0xB810] =	vst v10;
	v10 =	vadd.s32 s24, v0  }
0x55: {  	s26 =	simm.s32 $0x3800;
	[tilespmem:$0xB820] =	vst v10  }
0x56: {  	[tilespmem:s26], [sflag:$0x1] =	stream.indirect.gather [hbm4b:s1+s14], $0x80, s9, s14, $0xb8;
	[tilespmem:$0x1FA80] =	vst v63  }
0x57: {  	s28 =	simm.s32 $0x5800;
	s12 =	sadd.s32 $0x19, s29  }
0x58: {  	[tilespmem:s28], [sflag:$0x2] =	stream.indirect.gather [hbm4b:s7+s14], $0x80, s8, s14, $0xb8;
	[tilespmem:$0x1FA80] =	vst v63  }
0x59: {  	s13 =	sadd.s32 $0x29, s29;
	s9 =	simm.s32 $0x7800;
	s8 =	simm.s32 $0xB800  }
0x5a: {  	v10 =	vadd.s32 s12, v0;
	[tilespmem:s9], [sflag:$0x3] =	stream.indirect.gather [hbm4b:s6+s14], $0x80, s8, s14, $0xb8;
	[tilespmem:$0x1FA80] =	vst v63  }
0x5b: {  	s24 =	sadd.s32 $0x39, s29;
	[tilespmem:$0xB880] =	vst v10;
	v10 =	vadd.s32 s13, v0  }
0x5c: {  	[tilespmem:$0xB890] =	vst v10;
	v10 =	vadd.s32 s24, v0  }
0x5d: {  	s26 =	simm.s32 $0x80;
	[tilespmem:$0xB8A0] =	vst v10  }
0x5e: {  	[tilespmem:s31], [sflag:$0x4] =	stream.indirect.gather [hbm4b:s1+s14], $0x80, s26, s14, $0xb8;
	[tilespmem:$0x1FA80] =	vst v63  }
0x5f: {  	s28 =	simm.s32 $0x1C80  }
0x60: {  	[tilespmem:s5], [sflag:$0x5] =	stream.indirect.gather [hbm4b:s7+s14], $0x80, s28, s14, $0xb8;
	[tilespmem:$0x1FA80] =	vst v63  }
0x61: {  	s30 =	simm.s32 $0x0  }
0x62: {  	[tilespmem:s22], [sflag:$0x6] =	stream.indirect.gather [hbm4b:s6+s14], $0x80, s2, s14, $0xb8;
	[tilespmem:$0x1FA80] =	vst v63  }
.LBB2_5:
0x63: {  	_ =	swait.ge [sflag:s23], $0xC80  }
0x64: {  	[sflag:s23] =	ssyncset.done $0x0  }
0x65: {  	[sflag:s23] =	ssyncadd.s32 $0xFFFFF380  }
0x66: {  	_ =	swait.ge [sflag:s10], $0xC80  }
0x67: {  	[sflag:s10] =	ssyncset.done $0x0  }
0x68: {  	[sflag:s10] =	ssyncadd.s32 $0xFFFFF380  }
0x69: {  	_ =	swait.ge [sflag:s11], $0xC80  }
0x6a: {  	p0 =	seq.s32 s30, $0x0;
	[sflag:s11] =	ssyncset.done $0x0  }
0x6b: {  	s0 =	simm.s32 @!p0 $0x7;
	[sflag:s11] =	ssyncadd.s32 $0xFFFFF380  }
0x6c: {  	_ =	swait.ge @!p0 [sflag:s0], $0xC80  }
0x6d: {  	[sflag:s0] =	ssyncset.done @!p0 $0x0  }
0x6e: {  	s8 =	simm.s32 $0x0;
	[sflag:s0] =	ssyncadd.s32 @!p0 $0xFFFFF380  }
0x6f: {  	v10 =	vld [tilespmem:s8+$0x3870]  }
0x70: {  	v11 =	vld [tilespmem:s8+$0x3860]  }
0x71: {  	v12 =	vld [tilespmem:s8+$0x3850]  }
0x72: {  	v13 =	vld [tilespmem:s8+$0x3840]  }
0x73: {  	v14 =	vld [tilespmem:s8+$0x5840]  }
0x74: {  	v15 =	vld [tilespmem:s8+$0x3830]  }
0x75: {  	v16 =	vld [tilespmem:s8+$0x3820]  }
0x76: {  	v17 =	vld [tilespmem:s8+$0x3810]  }
0x77: {  	v18 =	vld [tilespmem:s8+$0x3800]  }
0x78: {  	v19 =	vld [tilespmem:s8+$0x5800]  }
0x79: {  	v20 =	vld [tilespmem:s8+$0x5810]  }
0x7a: {  	v21 =	vld [tilespmem:s8+$0x7800]  }
0x7b: {  	v22 =	vld [tilespmem:s8+$0x5820]  }
0x7c: {  	v23 =	vld [tilespmem:s8+$0x7810]  }
0x7d: {  	v24 =	vld [tilespmem:s8+$0x5830];
	v18 =	vadd.f32 v19, v18  }
0x7e: {  	v19 =	vld [tilespmem:s8+$0x7820]  }
0x7f: {  	v17 =	vadd.f32 v20, v17;
	v20 =	vld [tilespmem:s8+$0x7830];
	v18 =	vadd.f32 v21, v18  }
0x80: {  	v16 =	vadd.f32 v22, v16;
	v22 =	vld [tilespmem:s8+$0x7840]  }
0x81: {  	v21 =	vld [tilespmem:s8+$0x5850];
	v25 =	vsub.f32 $0.0e+00, v18  }
0x82: {  	v17 =	vadd.f32 v23, v17;
	v23 =	vld [tilespmem:s8+$0x5860]  }
0x83: {  	v15 =	vadd.f32 v24, v15;
	v24 =	vld [tilespmem:s8+$0x7850];
	v16 =	vadd.f32 v19, v16;
	v25 =	vmul.f32 $1.442695020e+00, v25  }
0x84: {  	v13 =	vadd.f32 v14, v13;
	v26 =	vsub.f32 $0.0e+00, v17;
	v19 =	vld [tilespmem:s8+$0x5870]  }
0x85: {  	v14 =	vadd.f32 v20, v15;
	v20 =	vsub.f32 $0.0e+00, v16;
	(erf) = vpow2.f32 v25  }
0x86: {  	v15 =	vmul.f32 $1.442695020e+00, v26;
	v12 =	vadd.f32 v21, v12;
	v25 =	vld [tilespmem:s8+$0x7860]  }
0x87: {  	v21 =	vadd.f32 v22, v13;
	v11 =	vadd.f32 v23, v11;
	v13 =	vmul.f32 $1.442695020e+00, v20  }
0x88: {  	s9 =	simm.s32 $0x80;
	v22 =	vld [tilespmem:s8+$0x7870];
	v20 =	vsub.f32 $0.0e+00, v14;
	(erf) = vpow2.f32 v15;
	v12 =	vadd.f32 v24, v12  }
0x89: {  	v28 =	vld [tilespmem:s9+$0x3840];
	v23 =	vsub.f32 $0.0e+00, v21;
	v10 =	vadd.f32 v19, v10  }
0x8a: {  	v33 =	vld [tilespmem:s9+$0x3810];
	v20 =	vmul.f32 $1.442695020e+00, v20;
	(erf) = vpow2.f32 v13;
	v19 =	vsub.f32 $0.0e+00, v12  }
0x8b: {  	v34 =	vld [tilespmem:s9+$0x3800];
	v23 =	vmul.f32 $1.442695020e+00, v23;
	v24 =	vadd.f32 v25, v11  }
0x8c: {  	v15 =	vld [tilespmem:s9+$0x3870];
	(erf) = vpow2.f32 v20;
	v19 =	vmul.f32 $1.442695020e+00, v19  }
0x8d: {  	v13 =	vld [tilespmem:s9+$0x5870];
	v22 =	vadd.f32 v22, v10;
	(erf) = vpow2.f32 v23;
	v25 =	vsub.f32 $0.0e+00, v24  }
0x8e: {  	v11 =	vld [tilespmem:s9+$0x3860];
	v26 =	vpop (erf);
	(erf) = vpow2.f32 v19  }
0x8f: {  	v20 =	vld [tilespmem:s9+$0x5860];
	v27 =	vsub.f32 $0.0e+00, v22;
	v25 =	vmul.f32 $1.442695020e+00, v25  }
0x90: {  	v10 =	vld [tilespmem:s9+$0x3850];
	v26 =	vadd.f32 $1.000000000e+00, v26  }
0x91: {  	v23 =	vld [tilespmem:s9+$0x5850];
	v27 =	vmul.f32 $1.442695020e+00, v27;
	v29 =	vpop (erf);
	(erf) = vpow2.f32 v25  }
0x92: {  	v15 =	vadd.f32 v13, v15;
	v13 =	vld [tilespmem:s9+$0x5800];
	v29 =	vadd.f32 $1.000000000e+00, v29;
	(erf) = vrcp.f32 v26  }
0x93: {  	v19 =	vld [tilespmem:s9+$0x5840];
	v30 =	vpop (erf);
	(erf) = vpow2.f32 v27  }
0x94: {  	v20 =	vadd.f32 v20, v11;
	v11 =	vld [tilespmem:s9+$0x7840];
	v30 =	vadd.f32 $1.000000000e+00, v30;
	(erf) = vrcp.f32 v29  }
0x95: {  	v27 =	vld [tilespmem:s9+$0x3820];
	v31 =	vpop (erf)  }
0x96: {  	v29 =	vld [tilespmem:s9+$0x5820];
	v31 =	vadd.f32 $1.000000000e+00, v31;
	(erf) = vrcp.f32 v30;
	v32 =	vpop (erf)  }
0x97: {  	v25 =	vld [tilespmem:s9+$0x3830];
	v23 =	vadd.f32 v23, v10;
	v10 =	vpop (erf)  }
0x98: {  	v26 =	vld [tilespmem:s9+$0x5830];
	(erf) = vrcp.f32 v31;
	v10 =	vadd.f32 $1.000000000e+00, v10  }
0x99: {  	v30 =	vld [tilespmem:s9+$0x5810];
	v32 =	vadd.f32 $1.000000000e+00, v32  }
0x9a: {  	v19 =	vadd.f32 v19, v28;
	v31 =	vpop (erf)  }
0x9b: {  	(erf) = vrcp.f32 v32;
	v27 =	vadd.f32 v29, v27;
	v29 =	vld [tilespmem:s9+$0x7800];
	v50 =	vpop (erf)  }
0x9c: {  	v19 =	vadd.f32 v11, v19;
	(erf) = vrcp.f32 v10;
	v10 =	vpop (erf)  }
0x9d: {  	v31 =	vadd.f32 $1.000000000e+00, v31;
	v32 =	vmul.f32 v50, v18;
	v18 =	vadd.f32 v26, v25;
	v25 =	vpop (erf)  }
0x9e: {  	v28 =	vld [tilespmem:s9+$0x7830];
	v26 =	vadd.f32 v30, v33;
	v33 =	vmul.f32 v25, v17;
	v17 =	vadd.f32 v13, v34  }
0x9f: {  	v30 =	vld [tilespmem:s9+$0x7810];
	(erf) = vrcp.f32 v31;
	v10 =	vadd.f32 $1.000000000e+00, v10;
	v31 =	vmul.f32 v32, v2;
	v11 =	vpop (erf)  }
0xa0: {  	v13 =	vmul.f32 v11, v16;
	v16 =	vadd.f32 v29, v17  }
0xa1: {  	v25 =	vld [tilespmem:s9+$0x7820];
	(erf) = vrcp.f32 v10;
	v10 =	vadd.f32 $0.0e+00, v31;
	v11 =	vpop (erf);
	v31 =	vmul.f32 v33, v3  }
0xa2: {  	v14 =	vmul.f32 v11, v14;
	v11 =	vsub.f32 $0.0e+00, v16  }
0xa3: {  	v17 =	vmul.f32 v13, v4;
	v10 =	vadd.f32 v31, v10  }
0xa4: {  	v18 =	vadd.f32 v28, v18;
	v26 =	vadd.f32 v30, v26;
	v28 =	vpop (erf)  }
0xa5: {  	v29 =	vmul.f32 v14, v5;
	v17 =	vadd.f32 v17, v10;
	v10 =	vmul.f32 v28, v21  }
0xa6: {  	v25 =	vadd.f32 v25, v27;
	v21 =	vmul.f32 $1.442695020e+00, v11;
	v28 =	vsub.f32 $0.0e+00, v26;
	v11 =	vpop (erf)  }
0xa7: {  	v27 =	vld [tilespmem:s9+$0x7850];
	v17 =	vadd.f32 v29, v17;
	v29 =	vmul.f32 v10, v6;
	v11 =	vmul.f32 v11, v12  }
0xa8: {  	v30 =	vsub.f32 $0.0e+00, v25;
	v28 =	vmul.f32 $1.442695020e+00, v28;
	(erf) = vpow2.f32 v21;
	v12 =	vpop (erf)  }
0xa9: {  	v35 =	vld [tilespmem:s9+$0x7870];
	v17 =	vadd.f32 v29, v17;
	v12 =	vmul.f32 v12, v24;
	v29 =	vmul.f32 v11, v7  }
0xaa: {  	v31 =	vsub.f32 $0.0e+00, v18;
	v21 =	vld [tilespmem:s9+$0x7860];
	v30 =	vmul.f32 $1.442695020e+00, v30;
	v24 =	vpop (erf);
	(erf) = vpow2.f32 v28  }
0xab: {  	s12 =	simm.s32 $0x100;
	v34 =	vmul.f32 v24, v22;
	v17 =	vadd.f32 v29, v17;
	v29 =	vmul.f32 v12, v8  }
0xac: {  	v52 =	vld [tilespmem:s12+$0x3810];
	v22 =	vadd.f32 v27, v23;
	v24 =	vmul.f32 $1.442695020e+00, v31;
	v27 =	vsub.f32 $0.0e+00, v19  }
0xad: {  	v42 =	vld [tilespmem:s12+$0x3800];
	(erf) = vpow2.f32 v30;
	v17 =	vadd.f32 v29, v17;
	v29 =	vmul.f32 v34, v9  }
0xae: {  	v54 =	vld [tilespmem:s12+$0x5800];
	v35 =	vadd.f32 v35, v15;
	v27 =	vmul.f32 $1.442695020e+00, v27;
	(erf) = vpow2.f32 v24  }
0xaf: {  	v15 =	vld [tilespmem:s12+$0x3840];
	v21 =	vadd.f32 v21, v20;
	v17 =	vadd.f32 v29, v17  }
0xb0: {  	v28 =	vld [tilespmem:s12+$0x3870];
	v36 =	vsub.f32 $0.0e+00, v22;
	(erf) = vpow2.f32 v27  }
0xb1: {  	v23 =	vld [tilespmem:s12+$0x5870];
	v29 =	vsub.f32 $0.0e+00, v21  }
0xb2: {  	v31 =	vld [tilespmem:s12+$0x3860];
	v36 =	vmul.f32 $1.442695020e+00, v36;
	(xrf2) =	vadd.scan.msk.f32 $0xffff, v17  }
0xb3: {  	v37 =	vsub.f32 $0.0e+00, v35;
	v20 =	vld [tilespmem:s12+$0x3850];
	v29 =	vmul.f32 $1.442695020e+00, v29;
	v17 =	vpop (erf)  }
0xb4: {  	v24 =	vld [tilespmem:s12+$0x5850];
	(erf) = vpow2.f32 v36;
	v17 =	vadd.f32 $1.000000000e+00, v17  }
0xb5: {  	v37 =	vmul.f32 $1.442695020e+00, v37;
	v27 =	vld [tilespmem:s12+$0x5840];
	(erf) = vpow2.f32 v29;
	v51 =	vpop (erf)  }
0xb6: {  	v30 =	vld [tilespmem:s12+$0x5860];
	v36 =	vadd.f32 $1.000000000e+00, v51;
	v40 =	vpop (erf);
	(erf) = vrcp.f32 v17  }
0xb7: {  	v28 =	vadd.f32 v23, v28;
	v29 =	vld [tilespmem:s12+$0x3820];
	v41 =	vpop (erf);
	(erf) = vpow2.f32 v37  }
0xb8: {  	v17 =	vld [tilespmem:s12+$0x5820];
	v40 =	vadd.f32 $1.000000000e+00, v40;
	v23 =	vadd.f32 $1.000000000e+00, v41;
	(erf) = vrcp.f32 v36  }
0xb9: {  	v53 =	vld [tilespmem:s12+$0x5810];
	v20 =	vadd.f32 v24, v20;
	v24 =	vpop (erf)  }
0xba: {  	v27 =	vadd.f32 v27, v15;
	v15 =	vadd.f32 $1.000000000e+00, v24;
	(erf) = vrcp.f32 v40  }
0xbb: {  	v31 =	vadd.f32 v30, v31;
	v30 =	vld [tilespmem:s12+$0x7840];
	(erf) = vrcp.f32 v23  }
0xbc: {  	v23, _, _ =	vpop (xrf2)  }
0xbd: {  	v58 =	vadd.f32 v54, v42;
	v24 =	vpop (erf);
	v55 =	vadd.f32 v17, v29;
	v17 =	vld [tilespmem:s12+$0x7850];
	v23 =	vbroadcast v23, $0xF  }
0xbe: {  	v59 =	vld [tilespmem:s12+$0x7800];
	v36 =	vadd.f32 v53, v52;
	v24 =	vadd.f32 $1.000000000e+00, v24;
	(erf) = vrcp.f32 v15;
	v15 =	vpop (erf)  }
0xbf: {  	v38 =	vld [tilespmem:s12+$0x3830];
	v57 =	vadd.f32 $1.000000000e+00, v15;
	v23 =	vadd.f32 v23, v1;
	v15 =	vpop (erf)  }
0xc0: {  	v39 =	vld [tilespmem:s12+$0x5830];
	(erf) = vrcp.f32 v24;
	v24 =	vadd.f32 v30, v27;
	v15 =	vmul.f32 v15, v16;
	v16 =	vpop (erf)  }
0xc1: {  	v56 =	vld [tilespmem:s12+$0x7830];
	v61 =	vsub.f32 $0.0e+00, v23;
	v60 =	vadd.f32 $1.000000000e+00, v16;
	v16 =	vpop (erf);
	(erf) = vrcp.f32 v57  }
0xc2: {  	v43 =	vld [tilespmem:s12+$0x7810];
	v23 =	vadd.f32 v17, v20;
	v17 =	vmul.f32 v15, v2;
	v16 =	vmul.f32 v16, v26  }
0xc3: {  	v30 =	vadd.f32 v59, v58;
	v20 =	vpop (erf);
	v27 =	vmul.f32 $1.442695020e+00, v61;
	(erf) = vrcp.f32 v60  }
0xc4: {  	v63 =	vadd.f32 $0.0e+00, v17;
	v44 =	vmul.f32 v16, v3;
	v17 =	vmul.f32 v20, v25;
	v20 =	vpop (erf)  }
0xc5: {  	v29 =	vadd.f32 v39, v38;
	v18 =	vmul.f32 v20, v18;
	v20 =	vsub.f32 $0.0e+00, v30  }
0xc6: {  	v62 =	vld [tilespmem:s12+$0x7820];
	(erf) = vpow2.f32 v27;
	v25 =	vadd.f32 v44, v63;
	v27 =	vmul.f32 v17, v4  }
0xc7: {  	v26 =	vadd.f32 v56, v29;
	v29 =	vadd.f32 v43, v36;
	v43 =	vpop (erf)  }
0xc8: {  	v19 =	vmul.f32 v43, v19;
	v44 =	vmul.f32 v18, v5;
	v25 =	vadd.f32 v27, v25  }
0xc9: {  	v45 =	vmul.f32 $1.442695020e+00, v20;
	v20 =	vpop (erf)  }
0xca: {  	v50 =	vld [tilespmem:s12+$0x7860];
	v47 =	vmul.f32 v19, v6;
	v25 =	vadd.f32 v44, v25;
	v20 =	vmul.f32 v20, v22  }
0xcb: {  	v46 =	vsub.f32 $0.0e+00, v29;
	v27 =	vadd.f32 v62, v55;
	v22 =	vpop (erf)  }
0xcc: {  	v21 =	vmul.f32 v22, v21;
	v25 =	vadd.f32 v47, v25;
	v51 =	vmul.f32 v20, v7  }
0xcd: {  	v48 =	vmul.f32 $1.442695020e+00, v46;
	(erf) = vpow2.f32 v45;
	v49 =	vsub.f32 $0.0e+00, v27;
	v22 =	vpop (erf)  }
0xce: {  	s13 =	simm.s32 $0x180;
	v54 =	vmul.f32 v21, v8;
	v22 =	vmul.f32 v22, v35;
	v25 =	vadd.f32 v51, v25  }
0xcf: {  	v42 =	vld [tilespmem:s13+$0x5870];
	v31 =	vadd.f32 v50, v31;
	v52 =	vsub.f32 $0.0e+00, v26;
	(erf) = vpow2.f32 v48  }
0xd0: {  	v53 =	vld [tilespmem:s12+$0x7870];
	v39 =	vmul.f32 $1.442695020e+00, v49;
	v55 =	vpop (erf);
	v57 =	vmul.f32 v22, v9;
	v25 =	vadd.f32 v54, v25  }
0xd1: {  	v50 =	vld [tilespmem:s13+$0x5810];
	v56 =	vsub.f32 $0.0e+00, v24;
	v35 =	vadd.f32 $1.000000000e+00, v55  }
0xd2: {  	v38 =	vld [tilespmem:s13+$0x3870];
	v40 =	vmul.f32 $1.442695020e+00, v52;
	(erf) = vpow2.f32 v39;
	v25 =	vadd.f32 v57, v25  }
0xd3: {  	v59 =	vld [tilespmem:s13+$0x5850];
	(erf) = vrcp.f32 v35  }
0xd4: {  	v61 =	vld [tilespmem:s13+$0x3840];
	v58 =	vmul.f32 $1.442695020e+00, v56;
	v45 =	vsub.f32 $0.0e+00, v23;
	(erf) = vpow2.f32 v40  }
0xd5: {  	v28 =	vadd.f32 v53, v28;
	v60 =	vsub.f32 $0.0e+00, v31;
	v63 =	vld [tilespmem:s13+$0x5840]  }
0xd6: {  	v48 =	vld [tilespmem:s13+$0x3820];
	v62 =	vmul.f32 $1.442695020e+00, v45;
	(erf) = vpow2.f32 v58;
	(xrf2) =	vadd.scan.msk.f32 $0xffff, v25;
	v25 =	vpop (erf)  }
0xd7: {  	v53 =	vsub.f32 $0.0e+00, v28;
	v52 =	vmul.f32 $1.442695020e+00, v60;
	v49 =	vld [tilespmem:s13+$0x5820];
	v25 =	vadd.f32 $1.000000000e+00, v25  }
0xd8: {  	v35 =	vld [tilespmem:s13+$0x3850];
	(erf) = vpow2.f32 v62  }
0xd9: {  	v46 =	vld [tilespmem:s13+$0x3830];
	v40 =	vmul.f32 $1.442695020e+00, v53;
	v54 =	vpop (erf);
	(erf) = vpow2.f32 v52  }
0xda: {  	v44 =	vld [tilespmem:s13+$0x3860];
	v55 =	vadd.f32 $1.000000000e+00, v54;
	(erf) = vrcp.f32 v25  }
0xdb: {  	v47 =	vld [tilespmem:s13+$0x5830];
	v25 =	vpop (erf);
	(erf) = vpow2.f32 v40  }
0xdc: {  	v39 =	vld [tilespmem:s13+$0x5860];
	v56 =	vadd.f32 $1.000000000e+00, v25;
	(erf) = vrcp.f32 v55;
	v25 =	vpop (erf)  }
0xdd: {  	v37 =	vadd.f32 v49, v48;
	v36 =	vadd.f32 v59, v35;
	v40 =	vld [tilespmem:s13+$0x3810];
	v57 =	vpop (erf)  }
0xde: {  	v41 =	vld [tilespmem:s13+$0x3800];
	v52 =	vmul.f32 v25, v34;
	v58 =	vadd.f32 $1.000000000e+00, v57;
	(erf) = vrcp.f32 v56  }
0xdf: {  	v51 =	vmul.f32 v25, v32;
	v32 =	vadd.f32 v42, v38;
	v60 =	vmul.f32 v25, v33;
	v33 =	vld [tilespmem:s13+$0x5800];
	v59 =	vpop (erf)  }
0xe0: {  	v38 =	vadd.f32 v63, v61;
	v62, _, _ =	vpop (xrf2);
	[tilespmem:s8+$0x9870] =	vst v52;
	v61 =	vadd.f32 $1.000000000e+00, v59;
	(erf) = vrcp.f32 v58  }
0xe1: {  	v35 =	vld [tilespmem:s13+$0x7850];
	v34 =	vadd.f32 v39, v44;
	v39 =	vadd.f32 v47, v46;
	[tilespmem:s8+$0x9800] =	vst v51;
	v63 =	vpop (erf);
	v43 =	vbroadcast v62, $0xF  }
0xe2: {  	s24 =	simm.s32 $0x800;
	s0 =	sshll.u32 s30, $0x1;
	v42 =	vld [tilespmem:s13+$0x7840];
	[tilespmem:s8+$0x9810] =	vst v60;
	v40 =	vadd.f32 v50, v40;
	v44 =	vadd.f32 $1.000000000e+00, v63;
	v45 =	vpop (erf);
	(erf) = vrcp.f32 v61  }
.LBB2_6:
0xe3: {  	p1 =	sne.s32 s24, $0x3000;
	v46 =	vld [tilespmem:s13+$0x7830];
	v45 =	vadd.f32 $1.000000000e+00, v45;
	v47 =	vpop (erf);
	v43 =	vadd.f32 v43, v1;
	v13 =	vmul.f32 v25, v13  }
0xe4: {  	v41 =	vadd.f32 v33, v41;
	v48 =	vld [tilespmem:s13+$0x7800];
	v33 =	vmul.f32 v47, v30;
	(erf) = vrcp.f32 v44;
	v30 =	vpop (erf)  }
0xe5: {  	v30 =	vadd.f32 $1.000000000e+00, v30;
	v44 =	vpop (erf);
	(erf) = vrcp.f32 v45;
	v43 =	vsub.f32 $0.0e+00, v43;
	[tilespmem:s8+$0x9820] =	vst v13  }
0xe6: {  	v45 =	vld [tilespmem:s13+$0x7810];
	v36 =	vadd.f32 v35, v36;
	v49 =	vmul.f32 v33, v2;
	v35 =	vmovc v16;
	v16 =	vmul.f32 v44, v29  }
0xe7: {  	v38 =	vadd.f32 v42, v38;
	v29 =	vpop (erf);
	(erf) = vrcp.f32 v30;
	v42 =	vmul.f32 $1.442695020e+00, v43  }
0xe8: {  	v13 =	vmovc v17;
	v43 =	vld [tilespmem:s13+$0x7820];
	v44 =	vadd.f32 $0.0e+00, v49;
	v47 =	vmul.f32 v16, v3;
	v17 =	vmul.f32 v29, v27  }
0xe9: {  	v39 =	vadd.f32 v46, v39;
	v30 =	vadd.f32 v48, v41;
	v27 =	vpop (erf);
	(erf) = vpow2.f32 v42  }
0xea: {  	v41 =	vadd.f32 v47, v44;
	v42 =	vmul.f32 v17, v4;
	v44 =	vmul.f32 v27, v26  }
0xeb: {  	v14 =	vmul.f32 v25, v14;
	v26 =	vsub.f32 $0.0e+00, v30;
	v29 =	vadd.f32 v45, v40;
	v27 =	vpop (erf)  }
0xec: {  	v40 =	vadd.f32 v42, v41;
	v45 =	vmul.f32 v44, v5;
	v42 =	vmul.f32 v27, v24;
	v24 =	vmovc v38  }
0xed: {  	v46 =	vmul.f32 $1.442695020e+00, v26;
	v38 =	vsub.f32 $0.0e+00, v29;
	v27 =	vadd.f32 v43, v37;
	v37 =	vpop (erf);
	[tilespmem:s8+$0x9830] =	vst v14  }
0xee: {  	v47 =	vadd.f32 v45, v40;
	v40 =	vmul.f32 v42, v6;
	v37 =	vmul.f32 v37, v23;
	v41 =	vpop (erf)  }
0xef: {  	v23 =	vmovc v36;
	v38 =	vmul.f32 $1.442695020e+00, v38;
	v43 =	vsub.f32 $0.0e+00, v27;
	(erf) = vpow2.f32 v46;
	v26 =	vmovc v39  }
0xf0: {  	v41 =	vmul.f32 v41, v31;
	v36 =	vld [tilespmem:s13+$0x7860];
	v39 =	vadd.f32 v40, v47;
	v40 =	vmul.f32 v37, v7;
	v31 =	vpop (erf)  }
0xf1: {  	s26 =	sshra.s32 s24, $0x2;
	v14 =	vmovc v18;
	v18 =	vmovc v44;
	v45 =	vsub.f32 $0.0e+00, v26;
	v43 =	vmul.f32 $1.442695020e+00, v43;
	v46 =	vld [tilespmem:s13+$0x7870];
	(erf) = vpow2.f32 v38  }
0xf2: {  	v44 =	vmul.f32 v31, v28;
	v38 =	vld [tilespmem:s26+$0x3870];
	v39 =	vadd.f32 v40, v39;
	v40 =	vmul.f32 v41, v8;
	v28 =	vpop (erf)  }
0xf3: {  	v48 =	vsub.f32 $0.0e+00, v24;
	v45 =	vmul.f32 $1.442695020e+00, v45;
	v47 =	vld [tilespmem:s26+$0x5870];
	v28 =	vadd.f32 $1.000000000e+00, v28  }
0xf4: {  	v49 =	vld [tilespmem:s26+$0x3860];
	(erf) = vpow2.f32 v43;
	v39 =	vadd.f32 v40, v39;
	v40 =	vmul.f32 v44, v9  }
0xf5: {  	v50 =	vsub.f32 $0.0e+00, v23;
	v43 =	vld [tilespmem:s26+$0x5860];
	v31 =	vadd.f32 v36, v34;
	(erf) = vrcp.f32 v28  }
0xf6: {  	v36 =	vmul.f32 $1.442695020e+00, v48;
	v34 =	vld [tilespmem:s26+$0x3850];
	(erf) = vpow2.f32 v45;
	v39 =	vadd.f32 v40, v39  }
0xf7: {  	v28 =	vadd.f32 v46, v32;
	v32 =	vmul.f32 v25, v10;
	v10 =	vmovc v19;
	v19 =	vmovc v42;
	v40 =	vld [tilespmem:s26+$0x5850];
	v45 =	vsub.f32 $0.0e+00, v31  }
0xf8: {  	v46 =	vmul.f32 $1.442695020e+00, v50;
	v42 =	vld [tilespmem:s26+$0x3840];
	v48 =	vpop (erf);
	(erf) = vpow2.f32 v36;
	(xrf2) =	vadd.scan.msk.f32 $0xffff, v39  }
0xf9: {  	v39 =	vld [tilespmem:s26+$0x5840];
	v36 =	vmul.f32 $1.442695020e+00, v45;
	v45 =	vsub.f32 $0.0e+00, v28;
	[tilespmem:s8+$0x9840] =	vst v32;
	v32 =	vmul.f32 v25, v11;
	v11 =	vmovc v20;
	v20 =	vmovc v37  }
0xfa: {  	v52 =	vmul.f32 v25, v12;
	v37 =	vadd.f32 $1.000000000e+00, v48;
	v50 =	vld [tilespmem:s26+$0x3830];
	v48 =	vpop (erf);
	(erf) = vpow2.f32 v46  }
0xfb: {  	v12 =	vmovc v21;
	v21 =	vmov v41;
	v46 =	vld [tilespmem:s26+$0x5830];
	v45 =	vmul.f32 $1.442695020e+00, v45;
	(erf) = vpow2.f32 v36;
	[tilespmem:s8+$0x9850] =	vst v32  }
0xfc: {  	v32 =	vadd.f32 $1.000000000e+00, v48;
	v51 =	vld [tilespmem:s26+$0x3820];
	(erf) = vrcp.f32 v37;
	[tilespmem:s8+$0x9860] =	vst v52;
	s8 =	smov.u32 s9;
	s9 =	smov.u32 s12;
	s12 =	smov.u32 s13  }
0xfd: {  	s13 =	smov.u32 s26;
	v37 =	vld [tilespmem:s26+$0x5820];
	v25 =	vpop (erf);
	(erf) = vpow2.f32 v45  }
0xfe: {  	v45 =	vld [tilespmem:s13+$0x3810];
	v36 =	vadd.f32 $1.000000000e+00, v25;
	(erf) = vrcp.f32 v32;
	v25 =	vpop (erf)  }
0xff: {  	v48 =	vld [tilespmem:s13+$0x5810];
	v52 =	vpop (erf);
	v53 =	vmul.f32 v25, v15;
	v54 =	vmul.f32 v25, v22;
	v15 =	vmov v33  }
.Ltmp3:
0x100: {  	v32 =	vadd.f32 v47, v38;
	v22 =	vmovc v44;
	v41 =	vld [tilespmem:s13+$0x3800];
	v47 =	vadd.f32 $1.000000000e+00, v52;
	(erf) = vrcp.f32 v36;
	(pc) =	sbr.rel @p1 .LBB2_6-.Ltmp3, $4  }
0x101: {  	v44 =	vmul.f32 v25, v35;
	v36 =	vadd.f32 v40, v34;
	v34 =	vadd.f32 v43, v49;
	v33 =	vld [tilespmem:s13+$0x5800];
	v40 =	vpop (erf);
	[tilespmem:s8+$0x9870] =	vst v54  }
0x102: {  	v38 =	vadd.f32 v39, v42;
	v49 =	vadd.f32 $1.000000000e+00, v40;
	(erf) = vrcp.f32 v47;
	v40, _, _ =	vpop (xrf2);
	[tilespmem:s8+$0x9800] =	vst v53  }
0x103: {  	v39 =	vadd.f32 v46, v50;
	v37 =	vadd.f32 v37, v51;
	v35 =	vld [tilespmem:s13+$0x7850];
	v46 =	vpop (erf);
	v43 =	vbroadcast v40, $0xF;
	[tilespmem:s8+$0x9810] =	vst v44  }
0x104: {  	s24 =	sadd.s32 $0x200, s24;
	v40 =	vadd.f32 v48, v45;
	v42 =	vld [tilespmem:s13+$0x7840];
	v44 =	vadd.f32 $1.000000000e+00, v46;
	(erf) = vrcp.f32 v49;
	v45 =	vpop (erf)  }
0x105: {  	v43 =	vadd.f32 v43, v1  }
0x106: {  	v46 =	vpop (erf)  }
0x107: {  	v45 =	vadd.f32 $1.000000000e+00, v45;
	v47 =	vld [tilespmem:s13+$0x7800];
	v48 =	vpop (erf);
	v43 =	vsub.f32 $0.0e+00, v43  }
0x108: {  	(erf) = vrcp.f32 v44;
	v52 =	vadd.f32 $1.000000000e+00, v48  }
0x109: {  	v53 =	vld [tilespmem:s13+$0x7810];
	(erf) = vrcp.f32 v45;
	v43 =	vmul.f32 $1.442695020e+00, v43  }
0x10a: {  	v33 =	vadd.f32 v33, v41;
	(erf) = vrcp.f32 v52  }
0x10b: {  	v54 =	vld [tilespmem:s13+$0x7820];
	(erf) = vpow2.f32 v43  }
0x10c: {  	v55 =	vld [tilespmem:s13+$0x7830];
	v33 =	vadd.f32 v47, v33  }
0x10d: {  	v56 =	vpop (erf)  }
0x10e: {  	v47 =	vpop (erf);
	v40 =	vadd.f32 v53, v40;
	v57 =	vsub.f32 $0.0e+00, v33  }
0x10f: {  	v45 =	vpop (erf)  }
0x110: {  	v37 =	vadd.f32 v54, v37;
	v50 =	vsub.f32 $0.0e+00, v40;
	v49 =	vpop (erf);
	v48 =	vmul.f32 $1.442695020e+00, v57  }
0x111: {  	v39 =	vadd.f32 v55, v39;
	v41 =	vpop (erf)  }
0x112: {  	v58 =	vld [tilespmem:s13+$0x7860];
	v51 =	vsub.f32 $0.0e+00, v37;
	v50 =	vmul.f32 $1.442695020e+00, v50;
	v43 =	vpop (erf);
	(erf) = vpow2.f32 v48  }
0x113: {  	v38 =	vadd.f32 v42, v38;
	v42 =	vpop (erf)  }
0x114: {  	v53 =	vld [tilespmem:s13+$0x7870];
	v52 =	vsub.f32 $0.0e+00, v39;
	v51 =	vmul.f32 $1.442695020e+00, v51;
	(erf) = vpow2.f32 v50;
	v59 =	vpop (erf)  }
0x115: {  	v35 =	vadd.f32 v35, v36;
	v60 =	vadd.f32 $1.000000000e+00, v59  }
0x116: {  	v62 =	vsub.f32 $0.0e+00, v38;
	v61 =	vmul.f32 $1.442695020e+00, v52;
	(erf) = vpow2.f32 v51  }
0x117: {  	v30 =	vmul.f32 v46, v30;
	v34 =	vadd.f32 v58, v34;
	(erf) = vrcp.f32 v60  }
0x118: {  	v52 =	vsub.f32 $0.0e+00, v35;
	v50 =	vmul.f32 $1.442695020e+00, v62;
	(erf) = vpow2.f32 v61  }
0x119: {  	v63 =	vmul.f32 v30, v2;
	v54 =	vsub.f32 $0.0e+00, v34;
	v32 =	vadd.f32 v53, v32  }
0x11a: {  	v36 =	vmul.f32 $1.442695020e+00, v52;
	(erf) = vpow2.f32 v50  }
0x11b: {  	v29 =	vmul.f32 v56, v29;
	v44 =	vmul.f32 $1.442695020e+00, v54;
	v57 =	vsub.f32 $0.0e+00, v32;
	v56 =	vpop (erf)  }
0x11c: {  	v58 =	vadd.f32 $1.000000000e+00, v56;
	(erf) = vpow2.f32 v36  }
0x11d: {  	v61 =	vmul.f32 $1.442695020e+00, v57;
	v60 =	vpop (erf);
	(erf) = vpow2.f32 v44  }
0x11e: {  	v55 =	vmul.f32 v29, v3;
	v48 =	vadd.f32 $1.000000000e+00, v60;
	(erf) = vrcp.f32 v58  }
0x11f: {  	v27 =	vmul.f32 v47, v27;
	v59 =	vadd.f32 $0.0e+00, v63;
	v63 =	vpop (erf);
	(erf) = vpow2.f32 v61  }
0x120: {  	v26 =	vmul.f32 v45, v26;
	v45 =	vadd.f32 $1.000000000e+00, v63;
	(erf) = vrcp.f32 v48;
	v46 =	vpop (erf)  }
0x121: {  	v24 =	vmul.f32 v49, v24;
	v62 =	vmul.f32 v27, v4;
	v36 =	vadd.f32 v55, v59;
	v49 =	vpop (erf)  }
0x122: {  	(erf) = vrcp.f32 v45;
	v47 =	vadd.f32 $1.000000000e+00, v49  }
0x123: {  	v23 =	vmul.f32 v41, v23;
	v36 =	vadd.f32 v62, v36;
	v48 =	vmul.f32 v26, v5;
	v51 =	vpop (erf)  }
0x124: {  	v31 =	vmul.f32 v43, v31;
	v52 =	vadd.f32 $1.000000000e+00, v51;
	(erf) = vrcp.f32 v47  }
0x125: {  	v54 =	vmul.f32 v23, v7;
	v50 =	vmul.f32 v24, v6;
	v36 =	vadd.f32 v48, v36;
	v53 =	vpop (erf)  }
0x126: {  	v28 =	vmul.f32 v42, v28;
	v43 =	vadd.f32 $1.000000000e+00, v53;
	v55 =	vpop (erf);
	(erf) = vrcp.f32 v52  }
0x127: {  	v56 =	vmul.f32 v31, v8;
	v36 =	vadd.f32 v50, v36;
	v41 =	vadd.f32 $1.000000000e+00, v55;
	v57 =	vpop (erf)  }
0x128: {  	v33 =	vmul.f32 v57, v33;
	(erf) = vrcp.f32 v43;
	v58 =	vpop (erf)  }
0x129: {  	v36 =	vadd.f32 v54, v36;
	v59 =	vadd.f32 $1.000000000e+00, v58;
	v60 =	vpop (erf);
	(erf) = vrcp.f32 v41  }
0x12a: {  	v61 =	vmul.f32 v33, v2;
	v40 =	vmul.f32 v60, v40  }
0x12b: {  	v62 =	vmul.f32 v28, v9;
	v36 =	vadd.f32 v56, v36;
	v63 =	vpop (erf);
	(erf) = vrcp.f32 v59  }
0x12c: {  	v41 =	vadd.f32 $0.0e+00, v61;
	v45 =	vmul.f32 v40, v3;
	v37 =	vmul.f32 v63, v37  }
0x12d: {  	v36 =	vadd.f32 v62, v36;
	v47 =	vpop (erf)  }
0x12e: {  	v41 =	vadd.f32 v45, v41;
	v48 =	vmul.f32 v37, v4;
	v39 =	vmul.f32 v47, v39  }
0x12f: {  	(xrf2) =	vadd.scan.msk.f32 $0xffff, v36;
	v49 =	vpop (erf)  }
0x130: {  	v41 =	vadd.f32 v48, v41;
	v36 =	vmul.f32 v49, v38;
	v50 =	vmul.f32 v39, v5  }
0x131: {  	v51 =	vpop (erf)  }
0x132: {  	v35 =	vmul.f32 v51, v35;
	v52 =	vmul.f32 v36, v6;
	v41 =	vadd.f32 v50, v41  }
0x133: {  	v53 =	vpop (erf)  }
0x134: {  	v34 =	vmul.f32 v53, v34;
	v54 =	vmul.f32 v35, v7;
	v41 =	vadd.f32 v52, v41  }
0x135: {  	v55 =	vpop (erf)  }
0x136: {  	v56 =	vmul.f32 v34, v8;
	v32 =	vmul.f32 v55, v32;
	v41 =	vadd.f32 v54, v41;
	_ =	sdelay $0x1  }
0x137: {  	v58 =	vmul.f32 v32, v9;
	v57 =	vadd.f32 v56, v41  }
0x138: {  	v59, _, _ =	vpop (xrf2)  }
0x139: {  	v42 =	vbroadcast v59, $0xF;
	v38 =	vadd.f32 v58, v57;
	_ =	sdelay $0x1  }
0x13a: {  	v60 =	vadd.f32 v42, v1;
	(xrf2) =	vadd.scan.msk.f32 $0xffff, v38;
	_ =	sdelay $0x1  }
0x13b: {  	v61 =	vsub.f32 $0.0e+00, v60;
	_ =	sdelay $0x1  }
0x13c: {  	v38 =	vmul.f32 $1.442695020e+00, v61;
	_ =	sdelay $0x1  }
0x13d: {  	(erf) = vpow2.f32 v38;
	_ =	sdelay $0x3  }
0x13e: {  	v62, _, _ =	vpop (xrf2)  }
0x13f: {  	v38 =	vbroadcast v62, $0xF;
	_ =	sdelay $0x1  }
0x140: {  	v38 =	vadd.f32 v38, v1;
	_ =	sdelay $0x1  }
0x141: {  	v63 =	vpop (erf);
	v38 =	vsub.f32 $0.0e+00, v38  }
0x142: {  	v41 =	vadd.f32 $1.000000000e+00, v63  }
0x143: {  	v38 =	vmul.f32 $1.442695020e+00, v38  }
0x144: {  	(erf) = vrcp.f32 v41  }
0x145: {  	(erf) = vpow2.f32 v38  }
0x146: {  	v10 =	vmul.f32 v25, v10  }
0x147: {  	v11 =	vmul.f32 v25, v11  }
0x148: {  	v13 =	vmul.f32 v25, v13;
	[tilespmem:s8+$0x9840] =	vst v10  }
0x149: {  	v10 =	vmul.f32 v25, v12;
	[tilespmem:s8+$0x9850] =	vst v11;
	v11 =	vmul.f32 v46, v22  }
0x14a: {  	[tilespmem:s8+$0x9820] =	vst v13  }
0x14b: {  	[tilespmem:s8+$0x9860] =	vst v10;
	v10 =	vmul.f32 v46, v15  }
0x14c: {  	v14 =	vmul.f32 v25, v14;
	[tilespmem:s9+$0x9870] =	vst v11  }
0x14d: {  	[tilespmem:s9+$0x9800] =	vst v10;
	v10 =	vmul.f32 v46, v17;
	v11 =	vpop (erf)  }
0x14e: {  	[tilespmem:s8+$0x9830] =	vst v14;
	v12 =	vmul.f32 v46, v16;
	v13 =	vpop (erf)  }
0x14f: {  	[tilespmem:s9+$0x9820] =	vst v10;
	v10 =	vmul.f32 v46, v19;
	v13 =	vadd.f32 $1.000000000e+00, v13  }
0x150: {  	[tilespmem:s9+$0x9810] =	vst v12;
	v12 =	vmul.f32 v46, v18  }
0x151: {  	[tilespmem:s9+$0x9840] =	vst v10;
	v10 =	vmul.f32 v46, v21;
	(erf) = vrcp.f32 v13  }
0x152: {  	[tilespmem:s9+$0x9830] =	vst v12;
	v12 =	vmul.f32 v46, v20  }
0x153: {  	[tilespmem:s9+$0x9860] =	vst v10;
	v10 =	vmul.f32 v11, v30  }
0x154: {  	[tilespmem:s9+$0x9850] =	vst v12;
	v12 =	vmul.f32 v11, v28  }
0x155: {  	[tilespmem:s12+$0x9800] =	vst v10;
	v10 =	vmul.f32 v11, v27  }
0x156: {  	[tilespmem:s12+$0x9870] =	vst v12;
	v12 =	vmul.f32 v11, v26  }
0x157: {  	[tilespmem:s12+$0x9820] =	vst v10;
	v10 =	vmul.f32 v11, v24  }
0x158: {  	[tilespmem:s12+$0x9830] =	vst v12;
	v12 =	vmul.f32 v11, v23  }
0x159: {  	[tilespmem:s12+$0x9840] =	vst v10;
	v10 =	vmul.f32 v11, v31  }
0x15a: {  	[tilespmem:s12+$0x9850] =	vst v12;
	v13 =	vmul.f32 v11, v29;
	v11 =	vpop (erf)  }
0x15b: {  	[tilespmem:s12+$0x9860] =	vst v10;
	v12 =	vmul.f32 v11, v32  }
0x15c: {  	[tilespmem:s12+$0x9810] =	vst v13;
	v10 =	vmul.f32 v11, v33  }
0x15d: {  	v13 =	vmul.f32 v11, v40;
	[tilespmem:s13+$0x9870] =	vst v12  }
0x15e: {  	[tilespmem:s13+$0x9800] =	vst v10;
	v10 =	vmul.f32 v11, v37  }
0x15f: {  	[tilespmem:s13+$0x9810] =	vst v13;
	v12 =	vmul.f32 v11, v39  }
0x160: {  	[tilespmem:s13+$0x9820] =	vst v10;
	v10 =	vmul.f32 v11, v36  }
0x161: {  	[tilespmem:s13+$0x9830] =	vst v12;
	v12 =	vmul.f32 v11, v35  }
0x162: {  	s26 =	sshll.u32 s30, $0x8;
	p1 =	seq.s32 s30, $0x18;
	[tilespmem:s13+$0x9840] =	vst v10;
	v10 =	vmul.f32 v11, v34  }
0x163: {  	s8 =	sand.u32 $0x3FFFFF00, s26;
	s9 =	sadd.s32 @!p1 $0x2, s0;
	[tilespmem:s13+$0x9850] =	vst v12  }
0x164: {  	s28 =	sadd.s32 $0x1C00, s8;
	[tilespmem:s13+$0x9860] =	vst v10;
	s13 =	smul.u32 @!p1 $0x19, s9  }
0x165: {  	[spmem:s3] =	stream.indirect.scatter.add.f32 [tilespmem:s20], [sflag:$0x7], $0x80, s28, s14, $0xb8;
	[tilespmem:$0x1FA80] =	vst v63  }
0x166: {  	v10 =	vlaneseq.u32 @!p1;
	s12 =	sadd.s32 @!p1 s29, s13  }
0x167: {  	v11 =	vadd.s32 @!p1 s12, v10;
	s13 =	sadd.s32 @!p1 $0x10, s12  }
0x168: {  	s12 =	sadd.s32 @!p1 $0x20, s12;
	[tilespmem:$0xB800] =	vst @!p1 v11;
	v11 =	vadd.s32 @!p1 s13, v10  }
0x169: {  	v10 =	vadd.s32 @!p1 s12, v10;
	[tilespmem:$0xB810] =	vst @!p1 v11  }
0x16a: {  	s9 =	sshll.u32 @!p1 s9, $0x7;
	s12 =	simm.s32 @!p1 $0x19;
	s13 =	simm.s32 @!p1 $0x3800;
	[tilespmem:$0xB820] =	vst @!p1 v10  }
0x16b: {  	[tilespmem:s13], [sflag:$0x1] =	stream.indirect.gather @!p1 [hbm4b:s1+s12], $0x80, s9, s12, $0xb8;
	[tilespmem:$0x1FA80] =	vst v63  }
0x16c: {  	s9 =	sadd.s32 @!p1 $0x1C00, s9;
	s13 =	simm.s32 @!p1 $0x5800  }
0x16d: {  	[tilespmem:s13], [sflag:$0x2] =	stream.indirect.gather @!p1 [hbm4b:s7+s12], $0x80, s9, s12, $0xb8;
	[tilespmem:$0x1FA80] =	vst v63  }
0x16e: {  	s9 =	simm.s32 @!p1 $0xB800;
	s13 =	simm.s32 @!p1 $0x7800  }
0x16f: {  	[tilespmem:s13], [sflag:$0x3] =	stream.indirect.gather @!p1 [hbm4b:s6+s12], $0x80, s9, s12, $0xb8;
	[tilespmem:$0x1FA80] =	vst v63  }
0x170: {  	_ =	swait.ge [sflag:s16], $0xC80  }
0x171: {  	[sflag:s16] =	ssyncset.done $0x0  }
0x172: {  	[sflag:s16] =	ssyncadd.s32 $0xFFFFF380  }
0x173: {  	_ =	swait.ge [sflag:s18], $0xC80  }
0x174: {  	[sflag:s18] =	ssyncset.done $0x0  }
0x175: {  	[sflag:s18] =	ssyncadd.s32 $0xFFFFF380  }
0x176: {  	_ =	swait.ge [sflag:s19], $0xC80  }
0x177: {  	[sflag:s19] =	ssyncset.done $0x0  }
0x178: {  	s9 =	simm.s32 @!p0 $0x8;
	[sflag:s19] =	ssyncadd.s32 $0xFFFFF380  }
0x179: {  	_ =	swait.ge @!p0 [sflag:s9], $0xC80  }
0x17a: {  	[sflag:s9] =	ssyncset.done @!p0 $0x0  }
0x17b: {  	[sflag:s9] =	ssyncadd.s32 @!p0 $0xFFFFF380;
	s9 =	simm.s32 $0x0  }
0x17c: {  	v10 =	vld [tilespmem:s9+$0x4870]  }
0x17d: {  	v11 =	vld [tilespmem:s9+$0x4860]  }
0x17e: {  	v12 =	vld [tilespmem:s9+$0x4850]  }
0x17f: {  	v13 =	vld [tilespmem:s9+$0x4840]  }
0x180: {  	v14 =	vld [tilespmem:s9+$0x6840]  }
0x181: {  	v15 =	vld [tilespmem:s9+$0x4830]  }
0x182: {  	v16 =	vld [tilespmem:s9+$0x4820]  }
0x183: {  	v17 =	vld [tilespmem:s9+$0x4810]  }
0x184: {  	v18 =	vld [tilespmem:s9+$0x4800]  }
0x185: {  	v19 =	vld [tilespmem:s9+$0x6800]  }
0x186: {  	v20 =	vld [tilespmem:s9+$0x6810]  }
0x187: {  	v21 =	vld [tilespmem:s9+$0x8800]  }
0x188: {  	v22 =	vld [tilespmem:s9+$0x6820]  }
0x189: {  	v23 =	vld [tilespmem:s9+$0x8810]  }
0x18a: {  	v24 =	vld [tilespmem:s9+$0x6830]  }
0x18b: {  	v18 =	vadd.f32 v19, v18;
	v19 =	vld [tilespmem:s9+$0x8820]  }
0x18c: {  	v17 =	vadd.f32 v20, v17;
	v20 =	vld [tilespmem:s9+$0x8830]  }
0x18d: {  	v16 =	vadd.f32 v22, v16;
	v22 =	vld [tilespmem:s9+$0x8840];
	v18 =	vadd.f32 v21, v18  }
0x18e: {  	v21 =	vld [tilespmem:s9+$0x6850]  }
0x18f: {  	v17 =	vadd.f32 v23, v17;
	v23 =	vld [tilespmem:s9+$0x6860];
	v25 =	vsub.f32 $0.0e+00, v18  }
0x190: {  	v15 =	vadd.f32 v24, v15;
	v24 =	vld [tilespmem:s9+$0x8850];
	v16 =	vadd.f32 v19, v16  }
0x191: {  	v13 =	vadd.f32 v14, v13;
	v26 =	vsub.f32 $0.0e+00, v17;
	v19 =	vld [tilespmem:s9+$0x6870];
	v25 =	vmul.f32 $1.442695020e+00, v25  }
0x192: {  	v14 =	vadd.f32 v20, v15;
	v20 =	vsub.f32 $0.0e+00, v16  }
0x193: {  	v15 =	vmul.f32 $1.442695020e+00, v26;
	v12 =	vadd.f32 v21, v12;
	(erf) = vpow2.f32 v25;
	v25 =	vld [tilespmem:s9+$0x8860]  }
0x194: {  	v21 =	vadd.f32 v22, v13;
	v11 =	vadd.f32 v23, v11;
	v13 =	vmul.f32 $1.442695020e+00, v20  }
0x195: {  	s12 =	simm.s32 $0x80;
	v22 =	vld [tilespmem:s9+$0x8870];
	v20 =	vsub.f32 $0.0e+00, v14;
	(erf) = vpow2.f32 v15;
	v12 =	vadd.f32 v24, v12  }
0x196: {  	v28 =	vld [tilespmem:s12+$0x4840];
	v23 =	vsub.f32 $0.0e+00, v21;
	v10 =	vadd.f32 v19, v10  }
0x197: {  	v39 =	vld [tilespmem:s12+$0x4810];
	v20 =	vmul.f32 $1.442695020e+00, v20;
	(erf) = vpow2.f32 v13;
	v19 =	vsub.f32 $0.0e+00, v12  }
0x198: {  	v41 =	vld [tilespmem:s12+$0x4800];
	v23 =	vmul.f32 $1.442695020e+00, v23;
	v24 =	vadd.f32 v25, v11  }
0x199: {  	v15 =	vld [tilespmem:s12+$0x4870];
	(erf) = vpow2.f32 v20;
	v19 =	vmul.f32 $1.442695020e+00, v19  }
0x19a: {  	v13 =	vld [tilespmem:s12+$0x6870];
	v22 =	vadd.f32 v22, v10;
	(erf) = vpow2.f32 v23;
	v25 =	vsub.f32 $0.0e+00, v24  }
0x19b: {  	v11 =	vld [tilespmem:s12+$0x4860];
	(erf) = vpow2.f32 v19  }
0x19c: {  	v20 =	vld [tilespmem:s12+$0x6860];
	v27 =	vsub.f32 $0.0e+00, v22;
	v26 =	vpop (erf);
	v25 =	vmul.f32 $1.442695020e+00, v25  }
0x19d: {  	v10 =	vld [tilespmem:s12+$0x4850];
	v26 =	vadd.f32 $1.000000000e+00, v26  }
0x19e: {  	v23 =	vld [tilespmem:s12+$0x6850];
	v27 =	vmul.f32 $1.442695020e+00, v27;
	v29 =	vpop (erf);
	(erf) = vpow2.f32 v25  }
0x19f: {  	v19 =	vld [tilespmem:s12+$0x6840];
	v29 =	vadd.f32 $1.000000000e+00, v29;
	(erf) = vrcp.f32 v26  }
0x1a0: {  	v15 =	vadd.f32 v13, v15;
	v13 =	vld [tilespmem:s12+$0x6800];
	v30 =	vpop (erf);
	(erf) = vpow2.f32 v27  }
0x1a1: {  	v20 =	vadd.f32 v20, v11;
	v11 =	vld [tilespmem:s12+$0x8840];
	v30 =	vadd.f32 $1.000000000e+00, v30;
	(erf) = vrcp.f32 v29  }
0x1a2: {  	v27 =	vld [tilespmem:s12+$0x4820];
	v31 =	vpop (erf)  }
0x1a3: {  	v29 =	vld [tilespmem:s12+$0x6820];
	v31 =	vadd.f32 $1.000000000e+00, v31;
	(erf) = vrcp.f32 v30;
	v40 =	vpop (erf)  }
0x1a4: {  	v25 =	vld [tilespmem:s12+$0x4830];
	v23 =	vadd.f32 v23, v10;
	v10 =	vpop (erf)  }
0x1a5: {  	v26 =	vld [tilespmem:s12+$0x6830];
	(erf) = vrcp.f32 v31;
	v10 =	vadd.f32 $1.000000000e+00, v10  }
0x1a6: {  	v30 =	vld [tilespmem:s12+$0x6810];
	v32 =	vadd.f32 $1.000000000e+00, v40  }
0x1a7: {  	v19 =	vadd.f32 v19, v28;
	v31 =	vpop (erf)  }
0x1a8: {  	(erf) = vrcp.f32 v32;
	v27 =	vadd.f32 v29, v27;
	v29 =	vld [tilespmem:s12+$0x8800];
	v42 =	vpop (erf)  }
0x1a9: {  	v19 =	vadd.f32 v11, v19;
	(erf) = vrcp.f32 v10;
	v10 =	vpop (erf)  }
0x1aa: {  	v31 =	vadd.f32 $1.000000000e+00, v31;
	v32 =	vmul.f32 v42, v18;
	v18 =	vadd.f32 v26, v25;
	v25 =	vpop (erf)  }
0x1ab: {  	v28 =	vld [tilespmem:s12+$0x8830];
	v26 =	vadd.f32 v30, v39;
	v33 =	vmul.f32 v25, v17;
	v17 =	vadd.f32 v13, v41  }
0x1ac: {  	v30 =	vld [tilespmem:s12+$0x8810];
	v10 =	vadd.f32 $1.000000000e+00, v10;
	(erf) = vrcp.f32 v31;
	v31 =	vmul.f32 v32, v2;
	v11 =	vpop (erf)  }
0x1ad: {  	v13 =	vmul.f32 v11, v16;
	v16 =	vadd.f32 v29, v17  }
0x1ae: {  	v25 =	vld [tilespmem:s12+$0x8820];
	(erf) = vrcp.f32 v10;
	v10 =	vadd.f32 $0.0e+00, v31;
	v31 =	vmul.f32 v33, v3;
	v11 =	vpop (erf)  }
0x1af: {  	v14 =	vmul.f32 v11, v14;
	v11 =	vsub.f32 $0.0e+00, v16  }
0x1b0: {  	v17 =	vmul.f32 v13, v4;
	v10 =	vadd.f32 v31, v10  }
0x1b1: {  	v18 =	vadd.f32 v28, v18;
	v26 =	vadd.f32 v30, v26;
	v28 =	vpop (erf)  }
0x1b2: {  	v29 =	vmul.f32 v14, v5;
	v17 =	vadd.f32 v17, v10;
	v10 =	vmul.f32 v28, v21  }
0x1b3: {  	v25 =	vadd.f32 v25, v27;
	v21 =	vmul.f32 $1.442695020e+00, v11;
	v28 =	vsub.f32 $0.0e+00, v26;
	v11 =	vpop (erf)  }
0x1b4: {  	v27 =	vld [tilespmem:s12+$0x8850];
	v17 =	vadd.f32 v29, v17;
	v29 =	vmul.f32 v10, v6;
	v11 =	vmul.f32 v11, v12  }
0x1b5: {  	v30 =	vsub.f32 $0.0e+00, v25;
	v28 =	vmul.f32 $1.442695020e+00, v28;
	(erf) = vpow2.f32 v21;
	v12 =	vpop (erf)  }
0x1b6: {  	v43 =	vld [tilespmem:s12+$0x8870];
	v17 =	vadd.f32 v29, v17;
	v12 =	vmul.f32 v12, v24;
	v29 =	vmul.f32 v11, v7  }
0x1b7: {  	v31 =	vsub.f32 $0.0e+00, v18;
	v21 =	vld [tilespmem:s12+$0x8860];
	v30 =	vmul.f32 $1.442695020e+00, v30;
	v24 =	vpop (erf);
	(erf) = vpow2.f32 v28  }
0x1b8: {  	v34 =	vmul.f32 v24, v22;
	v17 =	vadd.f32 v29, v17;
	v29 =	vmul.f32 v12, v8  }
0x1b9: {  	v22 =	vadd.f32 v27, v23;
	v24 =	vmul.f32 $1.442695020e+00, v31;
	v27 =	vsub.f32 $0.0e+00, v19  }
0x1ba: {  	s13 =	simm.s32 $0x100;
	(erf) = vpow2.f32 v30;
	v17 =	vadd.f32 v29, v17;
	v29 =	vmul.f32 v34, v9  }
0x1bb: {  	v53 =	vld [tilespmem:s13+$0x4800];
	v35 =	vadd.f32 v43, v15;
	v27 =	vmul.f32 $1.442695020e+00, v27;
	(erf) = vpow2.f32 v24  }
0x1bc: {  	v15 =	vld [tilespmem:s13+$0x4840];
	v21 =	vadd.f32 v21, v20;
	v17 =	vadd.f32 v29, v17  }
0x1bd: {  	v28 =	vld [tilespmem:s13+$0x4870];
	v44 =	vsub.f32 $0.0e+00, v22;
	(erf) = vpow2.f32 v27  }
0x1be: {  	v23 =	vld [tilespmem:s13+$0x6870];
	v29 =	vsub.f32 $0.0e+00, v21  }
0x1bf: {  	v31 =	vld [tilespmem:s13+$0x4860];
	v36 =	vmul.f32 $1.442695020e+00, v44;
	(xrf2) =	vadd.scan.msk.f32 $0xffff, v17  }
0x1c0: {  	v45 =	vsub.f32 $0.0e+00, v35;
	v20 =	vld [tilespmem:s13+$0x4850];
	v29 =	vmul.f32 $1.442695020e+00, v29;
	v17 =	vpop (erf)  }
0x1c1: {  	v24 =	vld [tilespmem:s13+$0x6850];
	(erf) = vpow2.f32 v36;
	v17 =	vadd.f32 $1.000000000e+00, v17  }
0x1c2: {  	v37 =	vmul.f32 $1.442695020e+00, v45;
	v27 =	vld [tilespmem:s13+$0x6840];
	(erf) = vpow2.f32 v29;
	v47 =	vpop (erf)  }
0x1c3: {  	v30 =	vld [tilespmem:s13+$0x6860];
	v36 =	vadd.f32 $1.000000000e+00, v47;
	v49 =	vpop (erf);
	(erf) = vrcp.f32 v17  }
0x1c4: {  	v43 =	vadd.f32 v23, v28;
	v29 =	vld [tilespmem:s13+$0x4820];
	v52 =	vpop (erf);
	(erf) = vpow2.f32 v37  }
0x1c5: {  	v17 =	vld [tilespmem:s13+$0x6820];
	v40 =	vadd.f32 $1.000000000e+00, v49;
	v23 =	vadd.f32 $1.000000000e+00, v52;
	(erf) = vrcp.f32 v36  }
0x1c6: {  	v28 =	vld [tilespmem:s13+$0x6800];
	v20 =	vadd.f32 v24, v20;
	v24 =	vpop (erf)  }
0x1c7: {  	v27 =	vadd.f32 v27, v15;
	v15 =	vadd.f32 $1.000000000e+00, v24;
	(erf) = vrcp.f32 v40  }
0x1c8: {  	v31 =	vadd.f32 v30, v31;
	v30 =	vld [tilespmem:s13+$0x8840];
	(erf) = vrcp.f32 v23  }
0x1c9: {  	v23, _, _ =	vpop (xrf2)  }
0x1ca: {  	v24 =	vpop (erf);
	v54 =	vadd.f32 v17, v29;
	v17 =	vld [tilespmem:s13+$0x8850];
	v23 =	vbroadcast v23, $0xF  }
0x1cb: {  	v57 =	vld [tilespmem:s13+$0x8800];
	v28 =	vadd.f32 v28, v53;
	v24 =	vadd.f32 $1.000000000e+00, v24;
	(erf) = vrcp.f32 v15;
	v15 =	vpop (erf)  }
0x1cc: {  	v46 =	vld [tilespmem:s13+$0x4830];
	v56 =	vadd.f32 $1.000000000e+00, v15;
	v23 =	vadd.f32 v23, v1;
	v15 =	vpop (erf)  }
0x1cd: {  	v48 =	vld [tilespmem:s13+$0x6830];
	(erf) = vrcp.f32 v24;
	v24 =	vadd.f32 v30, v27;
	v15 =	vmul.f32 v15, v16;
	v16 =	vpop (erf)  }
0x1ce: {  	v50 =	vld [tilespmem:s13+$0x4810];
	v59 =	vsub.f32 $0.0e+00, v23;
	v58 =	vadd.f32 $1.000000000e+00, v16;
	v16 =	vpop (erf);
	(erf) = vrcp.f32 v56  }
0x1cf: {  	v51 =	vld [tilespmem:s13+$0x6810];
	v23 =	vadd.f32 v17, v20;
	v17 =	vmul.f32 v15, v2;
	v16 =	vmul.f32 v16, v26  }
0x1d0: {  	v55 =	vld [tilespmem:s13+$0x8830];
	v30 =	vadd.f32 v57, v28;
	v20 =	vpop (erf);
	v27 =	vmul.f32 $1.442695020e+00, v59;
	(erf) = vrcp.f32 v58  }
0x1d1: {  	v60 =	vld [tilespmem:s13+$0x8810];
	v62 =	vadd.f32 $0.0e+00, v17;
	v63 =	vmul.f32 v16, v3;
	v17 =	vmul.f32 v20, v25;
	v20 =	vpop (erf)  }
0x1d2: {  	v18 =	vmul.f32 v20, v18;
	v20 =	vsub.f32 $0.0e+00, v30  }
0x1d3: {  	v61 =	vld [tilespmem:s13+$0x8820];
	(erf) = vpow2.f32 v27;
	v25 =	vadd.f32 v63, v62;
	v27 =	vmul.f32 v17, v4  }
0x1d4: {  	v36 =	vadd.f32 v51, v50;
	v29 =	vadd.f32 v48, v46;
	v28 =	vpop (erf)  }
0x1d5: {  	v19 =	vmul.f32 v28, v19;
	v25 =	vadd.f32 v27, v25;
	v27 =	vmul.f32 v18, v5  }
0x1d6: {  	v26 =	vadd.f32 v55, v29;
	v29 =	vadd.f32 v60, v36;
	v47 =	vmul.f32 $1.442695020e+00, v20;
	v20 =	vpop (erf)  }
0x1d7: {  	v25 =	vadd.f32 v27, v25;
	v27 =	vmul.f32 v19, v6;
	v20 =	vmul.f32 v20, v22  }
0x1d8: {  	v48 =	vsub.f32 $0.0e+00, v29;
	v28 =	vadd.f32 v61, v54;
	v22 =	vpop (erf)  }
0x1d9: {  	v21 =	vmul.f32 v22, v21;
	v25 =	vadd.f32 v27, v25;
	v27 =	vmul.f32 v20, v7  }
0x1da: {  	v37 =	vmul.f32 $1.442695020e+00, v48;
	v38 =	vsub.f32 $0.0e+00, v28;
	(erf) = vpow2.f32 v47;
	v22 =	vpop (erf)  }
0x1db: {  	s24 =	simm.s32 $0x180;
	v49 =	vld [tilespmem:s13+$0x8860];
	v22 =	vmul.f32 v22, v35;
	v25 =	vadd.f32 v27, v25;
	v27 =	vmul.f32 v21, v8  }
0x1dc: {  	v45 =	vld [tilespmem:s24+$0x6840];
	v50 =	vsub.f32 $0.0e+00, v26;
	v38 =	vmul.f32 $1.442695020e+00, v38  }
0x1dd: {  	v51 =	vld [tilespmem:s13+$0x8870];
	(erf) = vpow2.f32 v37;
	v52 =	vpop (erf);
	v25 =	vadd.f32 v27, v25;
	v27 =	vmul.f32 v22, v9  }
0x1de: {  	v41 =	vld [tilespmem:s24+$0x6870];
	v53 =	vsub.f32 $0.0e+00, v24;
	v35 =	vadd.f32 $1.000000000e+00, v52  }
0x1df: {  	v44 =	vld [tilespmem:s24+$0x4860];
	v39 =	vmul.f32 $1.442695020e+00, v50;
	(erf) = vpow2.f32 v38;
	v25 =	vadd.f32 v27, v25  }
0x1e0: {  	v40 =	vld [tilespmem:s24+$0x4840];
	v31 =	vadd.f32 v49, v31;
	(erf) = vrcp.f32 v35  }
0x1e1: {  	v46 =	vld [tilespmem:s24+$0x4830];
	v55 =	vmul.f32 $1.442695020e+00, v53;
	v54 =	vsub.f32 $0.0e+00, v23;
	(erf) = vpow2.f32 v39  }
0x1e2: {  	v56 =	vsub.f32 $0.0e+00, v31;
	v48 =	vld [tilespmem:s24+$0x4820];
	v27 =	vadd.f32 v51, v43  }
0x1e3: {  	v50 =	vld [tilespmem:s24+$0x6810];
	v57 =	vmul.f32 $1.442695020e+00, v54;
	(erf) = vpow2.f32 v55;
	(xrf2) =	vadd.scan.msk.f32 $0xffff, v25;
	v25 =	vpop (erf)  }
0x1e4: {  	v58 =	vmul.f32 $1.442695020e+00, v56;
	v47 =	vld [tilespmem:s24+$0x6830];
	v59 =	vsub.f32 $0.0e+00, v27;
	v25 =	vadd.f32 $1.000000000e+00, v25  }
0x1e5: {  	v37 =	vld [tilespmem:s24+$0x4870];
	(erf) = vpow2.f32 v57  }
0x1e6: {  	v35 =	vld [tilespmem:s24+$0x4850];
	v42 =	vmul.f32 $1.442695020e+00, v59;
	v60 =	vpop (erf);
	(erf) = vpow2.f32 v58  }
0x1e7: {  	v39 =	vld [tilespmem:s24+$0x6850];
	v61 =	vadd.f32 $1.000000000e+00, v60;
	(erf) = vrcp.f32 v25  }
0x1e8: {  	v38 =	vld [tilespmem:s24+$0x6860];
	v25 =	vpop (erf);
	(erf) = vpow2.f32 v42  }
0x1e9: {  	v43 =	vld [tilespmem:s24+$0x6820];
	v62 =	vadd.f32 $1.000000000e+00, v25;
	(erf) = vrcp.f32 v61;
	v25 =	vpop (erf)  }
0x1ea: {  	v42 =	vld [tilespmem:s24+$0x4810];
	v63 =	vpop (erf);
	v56 =	vmul.f32 v25, v32;
	v57 =	vmul.f32 v25, v34  }
0x1eb: {  	v32 =	vadd.f32 v41, v37;
	v41 =	vld [tilespmem:s24+$0x4800];
	v58 =	vadd.f32 $1.000000000e+00, v63;
	(erf) = vrcp.f32 v62  }
0x1ec: {  	v36 =	vadd.f32 v39, v35;
	v39 =	vadd.f32 v47, v46;
	v60 =	vmul.f32 v25, v33;
	v33 =	vld [tilespmem:s24+$0x6800];
	v59 =	vpop (erf)  }
0x1ed: {  	v34 =	vadd.f32 v38, v44;
	[tilespmem:s9+$0xA870] =	vst v57;
	v61 =	vadd.f32 $1.000000000e+00, v59;
	(erf) = vrcp.f32 v58;
	v62, _, _ =	vpop (xrf2)  }
0x1ee: {  	v35 =	vld [tilespmem:s24+$0x8850];
	v38 =	vadd.f32 v45, v40;
	v37 =	vadd.f32 v43, v48;
	[tilespmem:s9+$0xA800] =	vst v56;
	v63 =	vpop (erf);
	v44 =	vbroadcast v62, $0xF  }
0x1ef: {  	s26 =	simm.s32 $0x800;
	[tilespmem:s9+$0xA810] =	vst v60;
	v40 =	vadd.f32 v50, v42;
	v42 =	vld [tilespmem:s24+$0x8840];
	v43 =	vadd.f32 $1.000000000e+00, v63;
	v45 =	vpop (erf);
	(erf) = vrcp.f32 v61  }
.LBB2_8:
0x1f0: {  	p0 =	sne.s32 s26, $0x3000;
	v46 =	vld [tilespmem:s24+$0x8830];
	v45 =	vadd.f32 $1.000000000e+00, v45;
	v47 =	vpop (erf);
	v44 =	vadd.f32 v44, v1;
	v13 =	vmul.f32 v25, v13  }
0x1f1: {  	v41 =	vadd.f32 v33, v41;
	v48 =	vld [tilespmem:s24+$0x8800];
	v33 =	vmul.f32 v47, v30;
	(erf) = vrcp.f32 v43;
	v30 =	vpop (erf)  }
0x1f2: {  	v30 =	vadd.f32 $1.000000000e+00, v30;
	v43 =	vpop (erf);
	(erf) = vrcp.f32 v45;
	v44 =	vsub.f32 $0.0e+00, v44;
	[tilespmem:s9+$0xA820] =	vst v13  }
0x1f3: {  	v45 =	vld [tilespmem:s24+$0x8810];
	v36 =	vadd.f32 v35, v36;
	v49 =	vmul.f32 v33, v2;
	v35 =	vmovc v16;
	v16 =	vmul.f32 v43, v29  }
0x1f4: {  	v38 =	vadd.f32 v42, v38;
	v29 =	vpop (erf);
	(erf) = vrcp.f32 v30;
	v42 =	vmul.f32 $1.442695020e+00, v44  }
0x1f5: {  	v13 =	vmovc v17;
	v43 =	vld [tilespmem:s24+$0x8820];
	v44 =	vadd.f32 $0.0e+00, v49;
	v47 =	vmul.f32 v16, v3;
	v17 =	vmul.f32 v29, v28  }
0x1f6: {  	v39 =	vadd.f32 v46, v39;
	v30 =	vadd.f32 v48, v41;
	v28 =	vpop (erf);
	(erf) = vpow2.f32 v42  }
0x1f7: {  	v41 =	vadd.f32 v47, v44;
	v42 =	vmul.f32 v17, v4;
	v44 =	vmul.f32 v28, v26  }
0x1f8: {  	v14 =	vmul.f32 v25, v14;
	v26 =	vsub.f32 $0.0e+00, v30;
	v29 =	vadd.f32 v45, v40;
	v28 =	vpop (erf)  }
0x1f9: {  	v40 =	vadd.f32 v42, v41;
	v45 =	vmul.f32 v44, v5;
	v42 =	vmul.f32 v28, v24;
	v24 =	vmovc v38  }
0x1fa: {  	v46 =	vmul.f32 $1.442695020e+00, v26;
	v38 =	vsub.f32 $0.0e+00, v29;
	v28 =	vadd.f32 v43, v37;
	v37 =	vpop (erf);
	[tilespmem:s9+$0xA830] =	vst v14  }
0x1fb: {  	v47 =	vadd.f32 v45, v40;
	v40 =	vmul.f32 v42, v6;
	v37 =	vmul.f32 v37, v23;
	v41 =	vpop (erf)  }
0x1fc: {  	v23 =	vmovc v36;
	v38 =	vmul.f32 $1.442695020e+00, v38;
	v43 =	vsub.f32 $0.0e+00, v28;
	(erf) = vpow2.f32 v46;
	v26 =	vmovc v39  }
0x1fd: {  	v41 =	vmul.f32 v41, v31;
	v36 =	vld [tilespmem:s24+$0x8860];
	v39 =	vadd.f32 v40, v47;
	v40 =	vmul.f32 v37, v7;
	v31 =	vpop (erf)  }
0x1fe: {  	s28 =	sshra.s32 s26, $0x2;
	v14 =	vmovc v18;
	v18 =	vmovc v44;
	v45 =	vsub.f32 $0.0e+00, v26;
	v43 =	vmul.f32 $1.442695020e+00, v43;
	v46 =	vld [tilespmem:s24+$0x8870];
	(erf) = vpow2.f32 v38  }
0x1ff: {  	v44 =	vmul.f32 v31, v27;
	v38 =	vld [tilespmem:s28+$0x4870];
	v39 =	vadd.f32 v40, v39;
	v40 =	vmul.f32 v41, v8;
	v27 =	vpop (erf)  }
0x200: {  	v48 =	vsub.f32 $0.0e+00, v24;
	v45 =	vmul.f32 $1.442695020e+00, v45;
	v47 =	vld [tilespmem:s28+$0x6870];
	v27 =	vadd.f32 $1.000000000e+00, v27  }
0x201: {  	v49 =	vld [tilespmem:s28+$0x4860];
	(erf) = vpow2.f32 v43;
	v39 =	vadd.f32 v40, v39;
	v40 =	vmul.f32 v44, v9  }
0x202: {  	v50 =	vsub.f32 $0.0e+00, v23;
	v43 =	vld [tilespmem:s28+$0x6860];
	v31 =	vadd.f32 v36, v34;
	(erf) = vrcp.f32 v27  }
0x203: {  	v36 =	vmul.f32 $1.442695020e+00, v48;
	v34 =	vld [tilespmem:s28+$0x4850];
	(erf) = vpow2.f32 v45;
	v39 =	vadd.f32 v40, v39  }
0x204: {  	v27 =	vadd.f32 v46, v32;
	v32 =	vmul.f32 v25, v10;
	v10 =	vmovc v19;
	v19 =	vmovc v42;
	v40 =	vld [tilespmem:s28+$0x6850];
	v45 =	vsub.f32 $0.0e+00, v31  }
0x205: {  	v46 =	vmul.f32 $1.442695020e+00, v50;
	v42 =	vld [tilespmem:s28+$0x4840];
	v48 =	vpop (erf);
	(erf) = vpow2.f32 v36;
	(xrf2) =	vadd.scan.msk.f32 $0xffff, v39  }
0x206: {  	v39 =	vld [tilespmem:s28+$0x6840];
	v36 =	vmul.f32 $1.442695020e+00, v45;
	v45 =	vsub.f32 $0.0e+00, v27;
	[tilespmem:s9+$0xA840] =	vst v32;
	v32 =	vmul.f32 v25, v11;
	v11 =	vmovc v20;
	v20 =	vmovc v37  }
0x207: {  	v52 =	vmul.f32 v25, v12;
	v37 =	vadd.f32 $1.000000000e+00, v48;
	v50 =	vld [tilespmem:s28+$0x4830];
	v48 =	vpop (erf);
	(erf) = vpow2.f32 v46  }
0x208: {  	v12 =	vmovc v21;
	v21 =	vmov v41;
	v46 =	vld [tilespmem:s28+$0x6830];
	v45 =	vmul.f32 $1.442695020e+00, v45;
	(erf) = vpow2.f32 v36;
	[tilespmem:s9+$0xA850] =	vst v32  }
0x209: {  	v32 =	vadd.f32 $1.000000000e+00, v48;
	v51 =	vld [tilespmem:s28+$0x4820];
	(erf) = vrcp.f32 v37;
	[tilespmem:s9+$0xA860] =	vst v52;
	s9 =	smov.u32 s12;
	s12 =	smov.u32 s13;
	s13 =	smov.u32 s24  }
0x20a: {  	s24 =	smov.u32 s28;
	v37 =	vld [tilespmem:s28+$0x6820];
	v25 =	vpop (erf);
	(erf) = vpow2.f32 v45  }
0x20b: {  	v45 =	vld [tilespmem:s24+$0x4810];
	v36 =	vadd.f32 $1.000000000e+00, v25;
	(erf) = vrcp.f32 v32;
	v25 =	vpop (erf)  }
0x20c: {  	v48 =	vld [tilespmem:s24+$0x6810];
	v52 =	vpop (erf);
	v53 =	vmul.f32 v25, v15;
	v54 =	vmul.f32 v25, v22;
	v15 =	vmov v33  }
.Ltmp4:
0x20d: {  	v32 =	vadd.f32 v47, v38;
	v22 =	vmovc v44;
	v41 =	vld [tilespmem:s24+$0x4800];
	v47 =	vadd.f32 $1.000000000e+00, v52;
	(erf) = vrcp.f32 v36;
	(pc) =	sbr.rel @p0 .LBB2_8-.Ltmp4, $4  }
0x20e: {  	v36 =	vadd.f32 v40, v34;
	v34 =	vadd.f32 v43, v49;
	v43 =	vmul.f32 v25, v35;
	v33 =	vld [tilespmem:s24+$0x6800];
	v40 =	vpop (erf);
	[tilespmem:s9+$0xA870] =	vst v54  }
0x20f: {  	v38 =	vadd.f32 v39, v42;
	v49 =	vadd.f32 $1.000000000e+00, v40;
	(erf) = vrcp.f32 v47;
	v40, _, _ =	vpop (xrf2);
	[tilespmem:s9+$0xA800] =	vst v53  }
0x210: {  	v39 =	vadd.f32 v46, v50;
	v37 =	vadd.f32 v37, v51;
	v35 =	vld [tilespmem:s24+$0x8850];
	v46 =	vpop (erf);
	v44 =	vbroadcast v40, $0xF;
	[tilespmem:s9+$0xA810] =	vst v43  }
0x211: {  	s26 =	sadd.s32 $0x200, s26;
	v40 =	vadd.f32 v48, v45;
	v42 =	vld [tilespmem:s24+$0x8840];
	v43 =	vadd.f32 $1.000000000e+00, v46;
	(erf) = vrcp.f32 v49;
	v45 =	vpop (erf)  }
0x212: {  	v44 =	vadd.f32 v44, v1  }
0x213: {  	v46 =	vpop (erf)  }
0x214: {  	v45 =	vadd.f32 $1.000000000e+00, v45;
	v47 =	vld [tilespmem:s24+$0x8800];
	v48 =	vpop (erf);
	v44 =	vsub.f32 $0.0e+00, v44  }
0x215: {  	(erf) = vrcp.f32 v43;
	v54 =	vadd.f32 $1.000000000e+00, v48  }
0x216: {  	v55 =	vld [tilespmem:s24+$0x8810];
	(erf) = vrcp.f32 v45;
	v44 =	vmul.f32 $1.442695020e+00, v44  }
0x217: {  	v33 =	vadd.f32 v33, v41;
	(erf) = vrcp.f32 v54  }
0x218: {  	v56 =	vld [tilespmem:s24+$0x8820];
	(erf) = vpow2.f32 v44  }
0x219: {  	v57 =	vld [tilespmem:s24+$0x8830];
	v33 =	vadd.f32 v47, v33  }
0x21a: {  	v58 =	vpop (erf)  }
0x21b: {  	v59 =	vpop (erf);
	v40 =	vadd.f32 v55, v40;
	v60 =	vsub.f32 $0.0e+00, v33  }
0x21c: {  	v45 =	vpop (erf)  }
0x21d: {  	v37 =	vadd.f32 v56, v37;
	v50 =	vsub.f32 $0.0e+00, v40;
	v49 =	vpop (erf);
	v48 =	vmul.f32 $1.442695020e+00, v60  }
0x21e: {  	v39 =	vadd.f32 v57, v39;
	v41 =	vpop (erf)  }
0x21f: {  	v61 =	vld [tilespmem:s24+$0x8860];
	v51 =	vsub.f32 $0.0e+00, v37;
	v50 =	vmul.f32 $1.442695020e+00, v50;
	v43 =	vpop (erf);
	(erf) = vpow2.f32 v48  }
0x220: {  	v38 =	vadd.f32 v42, v38;
	v42 =	vpop (erf)  }
0x221: {  	v53 =	vld [tilespmem:s24+$0x8870];
	v52 =	vsub.f32 $0.0e+00, v39;
	v51 =	vmul.f32 $1.442695020e+00, v51;
	(erf) = vpow2.f32 v50;
	v62 =	vpop (erf)  }
0x222: {  	v30 =	vmul.f32 v46, v30;
	v35 =	vadd.f32 v35, v36;
	v63 =	vadd.f32 $1.000000000e+00, v62  }
0x223: {  	v55 =	vsub.f32 $0.0e+00, v38;
	v54 =	vmul.f32 $1.442695020e+00, v52;
	(erf) = vpow2.f32 v51  }
0x224: {  	v29 =	vmul.f32 v58, v29;
	v34 =	vadd.f32 v61, v34;
	(erf) = vrcp.f32 v63  }
0x225: {  	v56 =	vsub.f32 $0.0e+00, v35;
	v57 =	vmul.f32 $1.442695020e+00, v55;
	(erf) = vpow2.f32 v54  }
0x226: {  	v58 =	vmul.f32 v30, v2;
	v32 =	vadd.f32 v53, v32;
	v48 =	vsub.f32 $0.0e+00, v34  }
0x227: {  	v36 =	vmul.f32 $1.442695020e+00, v56;
	(erf) = vpow2.f32 v57  }
0x228: {  	v28 =	vmul.f32 v59, v28;
	v61 =	vsub.f32 $0.0e+00, v32;
	v60 =	vmul.f32 $1.442695020e+00, v48;
	v59 =	vpop (erf)  }
0x229: {  	(erf) = vpow2.f32 v36;
	v44 =	vadd.f32 $1.000000000e+00, v59  }
0x22a: {  	v46 =	vadd.f32 $0.0e+00, v58;
	v48 =	vmul.f32 $1.442695020e+00, v61;
	v63 =	vpop (erf);
	(erf) = vpow2.f32 v60  }
0x22b: {  	v62 =	vmul.f32 v29, v3;
	v51 =	vadd.f32 $1.000000000e+00, v63;
	(erf) = vrcp.f32 v44  }
0x22c: {  	v26 =	vmul.f32 v45, v26;
	v53 =	vpop (erf);
	(erf) = vpow2.f32 v48  }
0x22d: {  	v36 =	vadd.f32 v62, v46;
	v46 =	vadd.f32 $1.000000000e+00, v53;
	(erf) = vrcp.f32 v51;
	v44 =	vpop (erf)  }
0x22e: {  	v52 =	vmul.f32 v28, v4;
	v24 =	vmul.f32 v49, v24;
	v55 =	vpop (erf)  }
0x22f: {  	(erf) = vrcp.f32 v46;
	v47 =	vadd.f32 $1.000000000e+00, v55  }
0x230: {  	v56 =	vmul.f32 v24, v6;
	v54 =	vmul.f32 v26, v5;
	v36 =	vadd.f32 v52, v36;
	v57 =	vpop (erf)  }
0x231: {  	v31 =	vmul.f32 v43, v31;
	v58 =	vadd.f32 $1.000000000e+00, v57;
	(erf) = vrcp.f32 v47  }
0x232: {  	v23 =	vmul.f32 v41, v23;
	v27 =	vmul.f32 v42, v27;
	v36 =	vadd.f32 v54, v36;
	v59 =	vpop (erf)  }
0x233: {  	v62 =	vmul.f32 v31, v8;
	v43 =	vadd.f32 $1.000000000e+00, v59;
	v61 =	vpop (erf);
	(erf) = vrcp.f32 v58  }
0x234: {  	v60 =	vmul.f32 v23, v7;
	v36 =	vadd.f32 v56, v36;
	v41 =	vadd.f32 $1.000000000e+00, v61;
	v63 =	vpop (erf)  }
0x235: {  	v33 =	vmul.f32 v63, v33;
	(erf) = vrcp.f32 v43;
	v47 =	vpop (erf)  }
0x236: {  	v36 =	vadd.f32 v60, v36;
	v48 =	vadd.f32 $1.000000000e+00, v47;
	v49 =	vpop (erf);
	(erf) = vrcp.f32 v41  }
0x237: {  	v50 =	vmul.f32 v33, v2;
	v40 =	vmul.f32 v49, v40  }
0x238: {  	v51 =	vmul.f32 v27, v9;
	v36 =	vadd.f32 v62, v36;
	v52 =	vpop (erf);
	(erf) = vrcp.f32 v48  }
0x239: {  	v41 =	vadd.f32 $0.0e+00, v50;
	v53 =	vmul.f32 v40, v3;
	v37 =	vmul.f32 v52, v37  }
0x23a: {  	v36 =	vadd.f32 v51, v36;
	v54 =	vpop (erf)  }
0x23b: {  	v41 =	vadd.f32 v53, v41;
	v55 =	vmul.f32 v37, v4;
	v39 =	vmul.f32 v54, v39  }
0x23c: {  	(xrf2) =	vadd.scan.msk.f32 $0xffff, v36;
	v56 =	vpop (erf)  }
0x23d: {  	v41 =	vadd.f32 v55, v41;
	v36 =	vmul.f32 v56, v38;
	v57 =	vmul.f32 v39, v5  }
0x23e: {  	v58 =	vpop (erf)  }
0x23f: {  	v35 =	vmul.f32 v58, v35;
	v59 =	vmul.f32 v36, v6;
	v41 =	vadd.f32 v57, v41  }
0x240: {  	v60 =	vpop (erf)  }
0x241: {  	v34 =	vmul.f32 v60, v34;
	v61 =	vmul.f32 v35, v7;
	v41 =	vadd.f32 v59, v41  }
0x242: {  	v62 =	vpop (erf)  }
0x243: {  	v63 =	vmul.f32 v34, v8;
	v32 =	vmul.f32 v62, v32;
	v41 =	vadd.f32 v61, v41;
	_ =	sdelay $0x1  }
0x244: {  	v46 =	vmul.f32 v32, v9;
	v45 =	vadd.f32 v63, v41  }
0x245: {  	v47, _, _ =	vpop (xrf2)  }
0x246: {  	v42 =	vbroadcast v47, $0xF;
	v38 =	vadd.f32 v46, v45;
	_ =	sdelay $0x1  }
0x247: {  	v48 =	vadd.f32 v42, v1;
	(xrf2) =	vadd.scan.msk.f32 $0xffff, v38;
	_ =	sdelay $0x1  }
0x248: {  	v49 =	vsub.f32 $0.0e+00, v48;
	_ =	sdelay $0x1  }
0x249: {  	v38 =	vmul.f32 $1.442695020e+00, v49;
	_ =	sdelay $0x1  }
0x24a: {  	(erf) = vpow2.f32 v38;
	_ =	sdelay $0x3  }
0x24b: {  	v50, _, _ =	vpop (xrf2)  }
0x24c: {  	v38 =	vbroadcast v50, $0xF;
	_ =	sdelay $0x1  }
0x24d: {  	v38 =	vadd.f32 v38, v1;
	_ =	sdelay $0x1  }
0x24e: {  	v51 =	vpop (erf);
	v38 =	vsub.f32 $0.0e+00, v38  }
0x24f: {  	v41 =	vadd.f32 $1.000000000e+00, v51  }
0x250: {  	v38 =	vmul.f32 $1.442695020e+00, v38  }
0x251: {  	(erf) = vrcp.f32 v41  }
0x252: {  	v10 =	vmul.f32 v25, v10;
	(erf) = vpow2.f32 v38  }
0x253: {  	v11 =	vmul.f32 v25, v11  }
0x254: {  	[tilespmem:s9+$0xA840] =	vst v10;
	v10 =	vmul.f32 v25, v12  }
0x255: {  	[tilespmem:s9+$0xA850] =	vst v11  }
0x256: {  	[tilespmem:s9+$0xA860] =	vst v10;
	v11 =	vmul.f32 v44, v22;
	v10 =	vmul.f32 v44, v15;
	_ =	sdelay $0x1  }
0x257: {  	[tilespmem:s12+$0xA800] =	vst v10;
	v10 =	vmul.f32 v44, v17  }
0x258: {  	v13 =	vmul.f32 v25, v13;
	[tilespmem:s12+$0xA870] =	vst v11  }
0x259: {  	[tilespmem:s12+$0xA820] =	vst v10;
	v10 =	vmul.f32 v44, v19;
	v11 =	vpop (erf)  }
0x25a: {  	v14 =	vmul.f32 v25, v14;
	[tilespmem:s9+$0xA820] =	vst v13;
	v53 =	vpop (erf)  }
0x25b: {  	[tilespmem:s12+$0xA840] =	vst v10;
	v10 =	vmul.f32 v44, v21;
	v13 =	vadd.f32 $1.000000000e+00, v53  }
0x25c: {  	[tilespmem:s9+$0xA830] =	vst v14;
	v52 =	vmul.f32 v44, v16  }
0x25d: {  	[tilespmem:s12+$0xA860] =	vst v10;
	v54 =	vmul.f32 v44, v18;
	(erf) = vrcp.f32 v13  }
0x25e: {  	[tilespmem:s12+$0xA810] =	vst v52;
	v55 =	vmul.f32 v44, v20  }
0x25f: {  	[tilespmem:s12+$0xA830] =	vst v54;
	v56 =	vmul.f32 v11, v27  }
0x260: {  	[tilespmem:s12+$0xA850] =	vst v55;
	v10 =	vmul.f32 v11, v30  }
0x261: {  	v57 =	vmul.f32 v11, v29;
	[tilespmem:s13+$0xA870] =	vst v56  }
0x262: {  	[tilespmem:s13+$0xA800] =	vst v10;
	v10 =	vmul.f32 v11, v28  }
0x263: {  	v58 =	vmul.f32 v11, v26;
	[tilespmem:s13+$0xA810] =	vst v57  }
0x264: {  	[tilespmem:s13+$0xA820] =	vst v10;
	v10 =	vmul.f32 v11, v24  }
0x265: {  	v59 =	vmul.f32 v11, v23;
	[tilespmem:s13+$0xA830] =	vst v58  }
0x266: {  	[tilespmem:s13+$0xA840] =	vst v10;
	v10 =	vmul.f32 v11, v31;
	v11 =	vpop (erf)  }
0x267: {  	[tilespmem:s13+$0xA850] =	vst v59;
	v60 =	vmul.f32 v11, v32  }
0x268: {  	[tilespmem:s13+$0xA860] =	vst v10;
	v10 =	vmul.f32 v11, v33  }
0x269: {  	v61 =	vmul.f32 v11, v40;
	[tilespmem:s24+$0xA870] =	vst v60  }
0x26a: {  	[tilespmem:s24+$0xA800] =	vst v10;
	v10 =	vmul.f32 v11, v37  }
0x26b: {  	v62 =	vmul.f32 v11, v39;
	[tilespmem:s24+$0xA810] =	vst v61  }
0x26c: {  	[tilespmem:s24+$0xA820] =	vst v10;
	v10 =	vmul.f32 v11, v36  }
.Ltmp5:
0x26d: {  	v63 =	vmul.f32 v11, v35;
	[tilespmem:s24+$0xA830] =	vst v62;
	(pc) =	sbr.rel @p1 .LBB2_11-.Ltmp5, $4  }
0x26e: {  	[tilespmem:s24+$0xA840] =	vst v10;
	v10 =	vmul.f32 v11, v34  }
0x26f: {  	[tilespmem:s24+$0xA850] =	vst v63  }
0x270: {  	s8 =	sadd.s32 $0x1C80, s8;
	[tilespmem:s24+$0xA860] =	vst v10  }
0x271: {  	[spmem:s3] =	stream.indirect.scatter.add.f32 [tilespmem:s15], [sflag:$0x8], $0x80, s8, s14, $0xb8;
	[tilespmem:$0x1FA80] =	vst v63  }
0x272: {  	s0 =	sadd.s32 $0x3, s0  }
0x273: {  	s8 =	smul.u32 $0x19, s0;
	_ =	sdelay $0x1  }
0x274: {  	s8 =	sadd.s32 s29, s8  }
0x275: {  	v10 =	vadd.s32 s8, v0;
	s9 =	sadd.s32 $0x10, s8  }
0x276: {  	s8 =	sadd.s32 $0x20, s8;
	[tilespmem:$0xB880] =	vst v10;
	v10 =	vadd.s32 s9, v0  }
0x277: {  	[tilespmem:$0xB890] =	vst v10;
	v10 =	vadd.s32 s8, v0  }
0x278: {  	s0 =	sshll.u32 s0, $0x7;
	[tilespmem:$0xB8A0] =	vst v10  }
0x279: {  	[tilespmem:s31], [sflag:$0x4] =	stream.indirect.gather [hbm4b:s1+s14], $0x80, s0, s14, $0xb8;
	[tilespmem:$0x1FA80] =	vst v63  }
.Ltmp6:
0x27a: {  	_ = 	snop;
	(pc) =	sbr.rel .LBB2_5-.Ltmp6, $4  }
0x27b: {  	s0 =	sadd.s32 $0x1C00, s0  }
0x27c: {  	[tilespmem:s5], [sflag:$0x5] =	stream.indirect.gather [hbm4b:s7+s14], $0x80, s0, s14, $0xb8;
	[tilespmem:$0x1FA80] =	vst v63  }
0x27d: {  	s30 =	sadd.s32 $0x1, s30  }
0x27e: {  	[tilespmem:s22], [sflag:$0x6] =	stream.indirect.gather [hbm4b:s6+s14], $0x80, s2, s14, $0xb8;
	[tilespmem:$0x1FA80] =	vst v63  }
.LBB2_12:
0x27f: {  	s0 =	simm.s32 $0x7  }
0x280: {  	_ =	swait.ge [sflag:s0], $0xC80  }
0x281: {  	[sflag:s0] =	ssyncset.done $0x0  }
0x282: {  	s29 =	simm.s32 $0x8;
	[sflag:s0] =	ssyncadd.s32 $0xFFFFF380  }
0x283: {  	_ =	swait.ge [sflag:s29], $0xC80  }
0x284: {  	[sflag:s29] =	ssyncset.done $0x0  }
0x285: {  	[sflag:s29] =	ssyncadd.s32 $0xFFFFF380  }
0x286: {  	[bflag:$0x0] =	sbarrier.arrive $0xFFFF  }
0x287: {  	s9 =	rddreg [dreg:$0xe]  }
0x288: {  	[tilespmem:s25], [sflag:$0x9] =	stream.linear.gather [spmem:s9], $0x800, $0x38;
	[tilespmem:$0x1FA80] =	vst v63  }
0x289: {  	_ =	swait.ge [sflag:s21], $0x800  }
0x28a: {  	s30 =	rddreg [dreg:$0xb]  }
0x28b: {  	p0 =	sne.s32 s30, $0x1  }
.Ltmp7:
0x28c: {  	[sflag:s21] =	ssyncset.done $0x0;
	(pc) =	sbr.rel @!p0 .LBB2_14-.Ltmp7, $4  }
0x28d: {  	s8 =	rddreg [dreg:$0xd];
	[sflag:s21] =	ssyncadd.s32 $0xFFFFF800  }
0x28e: {  	[hbm4b:s8+s4] =	stream.linear.scatter [tilespmem:s25], [sflag:$0x9], $0x800, $0x38;
	[tilespmem:$0x1FA80] =	vst v63  }
0x28f: {  	_ =	swait.ge [sflag:s21], $0x800  }
0x290: {  	s0 =	sadd.s32 $0xFFFFFFFF, s30;
	[sflag:s21] =	ssyncset.done $0x0  }
.LBB2_13:
0x291: {  	[sflag:s21] =	ssyncadd.s32 $0xFFFFF800;
	s8 =	sadd.s32 $0x100, s8;
	s9 =	sadd.s32 $0x800, s9  }
0x292: {  	[tilespmem:s25], [sflag:$0x9] =	stream.linear.gather [spmem:s9], $0x800, $0x38;
	[tilespmem:$0x1FA80] =	vst v63  }
0x293: {  	p0 =	sne.s32 s0, $0x1;
	s0 =	sadd.s32 $0xFFFFFFFF, s0;
	_ =	swait.ge [sflag:s21], $0x800  }
.Ltmp8:
0x294: {  	[sflag:s21] =	ssyncset.done $0x0;
	(pc) =	sbr.rel @p0 .LBB2_13-.Ltmp8, $4  }
0x295: {  	[sflag:s21] =	ssyncadd.s32 $0xFFFFF800  }
0x296: {  	[hbm4b:s8+s4] =	stream.linear.scatter [tilespmem:s25], [sflag:$0x9], $0x800, $0x38;
	[tilespmem:$0x1FA80] =	vst v63  }
0x297: {  	_ =	swait.ge [sflag:s21], $0x800  }
0x298: {  	[sflag:s21] =	ssyncset.done $0x0  }
.LBB2_14:
0x299: {  	s8 =	rddreg [dreg:$0xf]  }
0x29a: {  	s0 =	rddreg [dreg:$0xc];
	s8 =	sadd.s32 $0x1, s8  }
0x29b: {  	p0 =	sne.s32 s8, s0  }
.Ltmp9:
0x29c: {  	_ = 	snop;
	(pc) =	sbr.rel @p0 .LBB2_1-.Ltmp9, $2  }
0x29d: {  	_ =	sdelay $0x2  }
0x29e: {  	[sflag:s21] =	ssyncadd.s32 $0xFFFFF800  }
0x29f: {  	_ =	sfence.sel $0x180000  }
0x2a0: {  	[bflag:$0x0] =	sbarrier.arrive $0xFFFF  }
0x2a1: {  	_ =	strace $0x9000004A  }
0x2a2: {  	s0 =	stileid.u32;
	[bflag:$0x2] =	sbarrier.arrive $0xFFFF  }
0x2a3: {  	p0 =	sne.s32 s0, $0x0;
	s0 =	rddreg [dreg:$0x4]  }
0x2a4: {  	s0 =	sadd.s32 @!p0 $0x100000, s0  }
0x2a5: {  	[sflag:s0] =	ssyncadd.tile.s32 @!p0 $0x1;
	_ =	shalt  }
.Lfunc_end2:
_tile_overlayer_lowered:
.L_overlay_start_2:
0x2a6: {  	(tag) =	ssettag $0x2  }
0x2a7: {  	s0 =	rddreg [dreg:$0x0];
	s2 =	stileid.u32  }
0x2a8: {  	s1 =	rddreg [dreg:$0x1];
	p0 =	sne.s32 s2, $0x0  }
0x2a9: {  	s3 =	rddreg [dreg:$0x2];
	[bflag:$0x3] =	sbarrier.arrive $0xFFFF;
	s2 =	simm.s32 @!p0 $0x1C09  }
0x2aa: {  	[timem:s3], [sflag:s2] =	dma.local @!p0 [hbm:s0], s1  }
0x2ab: {  	s0 =	simm.s32 @!p0 $0x9  }
0x2ac: {  	_ =	swait.ge @!p0 [sflag:s0], s1  }
0x2ad: {  	s1 =	ssub.s32 @!p0 $0x0, s1;
	[sflag:s0] =	ssyncset.done @!p0 $0x0  }
0x2ae: {  	[sflag:s0] =	ssyncadd.s32 @!p0 s1  }
0x2af: {  	[bflag:$0x3] =	sbarrier.arrive $0xFFFF  }
0x2b0: {  	_ =	shalt  }

// kernel: kernel.7.cloned.1.call-start
scs
__scs_entry_jumppad:
0x0: {  	(pc) =	sbr.rel $0x88, $3  }
0x1: {  	(tag) =	ssettag $0x0;
	lr =	simm.s32 $0x1  }
0x2: {  	[smem:$0x3F97] =	sst lr;
	_ =	strace $0xD0000000  }
0x3: {  	_ = 	snop  }
0x4: {  	_ = 	snop  }
0x5: {  	_ = 	snop  }
0x6: {  	_ = 	snop  }
0x7: {  	_ = 	snop  }
__scs_overlays_trampoline_lowered:
0x8: {  	[smem:$0x3FA6] =	sst s0  }
0x9: {  	[smem:$0x3FA7] =	sst s1  }
0xa: {  	[smem:$0x3FA8] =	sst s2  }
0xb: {  	[smem:$0x3FA9] =	sst s3  }
0xc: {  	[smem:$0x3FAA] =	sst s4  }
0xd: {  	[smem:$0x3FAB] =	sst s5  }
0xe: {  	[smem:$0x3FAC] =	sst s6  }
0xf: {  	[smem:$0x3FAD] =	sst s7  }
0x10: {  	[smem:$0x3FAE] =	sst s8  }
0x11: {  	[smem:$0x3FAF] =	sst s9;
	s0 =	simm.s32 @!p0 $0x0  }
0x12: {  	s1 =	sld [smem:$0x3F95];
	s0 =	simm.s32 @p0 $0x1  }
0x13: {  	[smem:$0x3FB0] =	sst s0;
	s0 =	simm.s32 @!p1 $0x0  }
0x14: {  	s2 =	sld [smem:$0x3F94];
	s0 =	simm.s32 @p1 $0x1  }
0x15: {  	[smem:$0x3FB1] =	sst s0;
	s0 =	simm.s32 @!p2 $0x0  }
0x16: {  	s3 =	sld [smem:$0x3FDB];
	s0 =	simm.s32 @p2 $0x1  }
0x17: {  	s4 =	simm.s32 $0x1BF5;
	[smem:$0x3FB3] =	sst s0  }
0x18: {  	s0 =	sld [smem:$0x3F96];
	_ =	swait.ge [sflag:s4], $0x0  }
0x19: {  	s7 =	sld [smem:$0x3F97]  }
0x1a: {  	s8 =	sadd.s32 $0xFFFFE003, lr  }
0x1b: {  	s9 =	sadd.s32 $0xFFFFFEF7, lr;
	s5 =	simm.s32 $0xFFFFFFFF;
	p2 =	slt.u32 s8, $0xFFFFF086  }
0x1c: {  	p1 =	slt.u32 s9, $0xF7A;
	s5 =	simm.s32 @!p2 $0x0  }
0x1d: {  	s5 =	simm.s32 @p1 $0x1;
	p0 =	seq.s32 s7, s2  }
0x1e: {  	s7 =	smul.u32 @!p0 $0xF7A, s2;
	p2 =	seq.s32 @!p0 s5, $0x0  }
0x1f: {  	s9 =	smul.u32 $0xF7A, s1;
	s8 =	simm.s32 @!p0 $0x1BF5;
	p2 =	por !p2, p0  }
0x20: {  	[sflag:s8] =	ssyncset.s32 @!p0 $0xFFFFF086;
	s6 =	sadd.s32 @!p0 s3, s7;
	s7 =	simm.s32 @!p0 $0x108  }
0x21: {  	s3 =	sadd.s32 s3, s9;
	s6 =	sadd.s32 @!p0 $0x88, s6;
	s7 =	simm.s32 @p2 $0x1082  }
0x22: {  	[simem:s7], [sflag:s8] =	dma.local @!p0 [hbm:s6], $0xF7A  }
0x23: {  	s9 =	sor.u32 $0xD0000000, s2;
	s6 =	simm.s32 $0x108;
	_ =	swait.ge @!p0 [sflag:s8], $0x0  }
0x24: {  	s3 =	sadd.s32 $0x88, s3;
	s6 =	simm.s32 @!p1 $0x1082;
	[sflag:s4] =	ssyncset.s32 $0xFFFFF086  }
0x25: {  	[simem:s6], [sflag:s4] =	dma.local [hbm:s3], $0xF7A  }
0x26: {  	[smem:$0x3F97] =	sst s1;
	(tag) =	ssettag s2;
	_ =	strace s9  }
0x27: {  	s1 =	sld [smem:$0x3FA7]  }
0x28: {  	s2 =	sld [smem:$0x3FA8]  }
0x29: {  	s4 =	sld [smem:$0x3FAA]  }
0x2a: {  	p0 =	seq.s32 s5, $0x0;
	s5 =	sld [smem:$0x3FAB]  }
0x2b: {  	s6 =	sld [smem:$0x3FAC]  }
0x2c: {  	s7 =	sld [smem:$0x3FAD]  }
0x2d: {  	s3 =	simm.s32 $0x108;
	s8 =	sld [smem:$0x3FAE]  }
0x2e: {  	s3 =	simm.s32 @!p0 $0x1082;
	s9 =	sld [smem:$0x3FAF]  }
0x2f: {  	lr =	sadd.s32 s0, s3;
	s0 =	sld [smem:$0x3FA6]  }
0x30: {  	s3 =	sld [smem:$0x3FA9]  }
0x31: {  	[smem:$0x3FB2] =	sst s10  }
0x32: {  	s10 =	sld [smem:$0x3FB0];
	_ =	sdelay $0x3  }
0x33: {  	p0 =	seq.s32 s10, $0x1;
	s10 =	sld [smem:$0x3FB2];
	_ =	sdelay $0x3  }
0x34: {  	[smem:$0x3FB2] =	sst s10  }
0x35: {  	s10 =	sld [smem:$0x3FB1];
	_ =	sdelay $0x3  }
0x36: {  	p1 =	seq.s32 s10, $0x1;
	s10 =	sld [smem:$0x3FB2];
	_ =	sdelay $0x3  }
0x37: {  	[smem:$0x3FB2] =	sst s10  }
0x38: {  	s10 =	sld [smem:$0x3FB3]  }
0x39: {  	_ = 	snop;
	(pc) =	sbr.ind lr, $3  }
0x3a: {  	_ = 	snop  }
0x3b: {  	_ = 	snop  }
0x3c: {  	p2 =	seq.s32 s10, $0x1;
	s10 =	sld [smem:$0x3FB2]  }
0x3d: {  	_ =	shalt  }
0x3e: {  	_ =	shalt  }
0x3f: {  	_ =	shalt  }
0x40: {  	_ =	shalt  }
0x41: {  	_ =	shalt  }
0x42: {  	_ =	shalt  }
0x43: {  	_ =	shalt  }
0x44: {  	_ =	shalt  }
0x45: {  	_ =	shalt  }
0x46: {  	_ =	shalt  }
0x47: {  	_ =	shalt  }
0x48: {  	_ =	shalt  }
0x49: {  	_ =	shalt  }
0x4a: {  	_ =	shalt  }
0x4b: {  	_ =	shalt  }
0x4c: {  	_ =	shalt  }
0x4d: {  	_ =	shalt  }
0x4e: {  	_ =	shalt  }
0x4f: {  	_ =	shalt  }
0x50: {  	_ =	shalt  }
0x51: {  	_ =	shalt  }
0x52: {  	_ =	shalt  }
0x53: {  	_ =	shalt  }
0x54: {  	_ =	shalt  }
0x55: {  	_ =	shalt  }
0x56: {  	_ =	shalt  }
0x57: {  	_ =	shalt  }
0x58: {  	_ =	shalt  }
0x59: {  	_ =	shalt  }
0x5a: {  	_ =	shalt  }
0x5b: {  	_ =	shalt  }
0x5c: {  	_ =	shalt  }
0x5d: {  	_ =	shalt  }
0x5e: {  	_ =	shalt  }
0x5f: {  	_ =	shalt  }
0x60: {  	_ =	shalt  }
0x61: {  	_ =	shalt  }
0x62: {  	_ =	shalt  }
0x63: {  	_ =	shalt  }
0x64: {  	_ =	shalt  }
0x65: {  	_ =	shalt  }
0x66: {  	_ =	shalt  }
0x67: {  	_ =	shalt  }
0x68: {  	_ =	shalt  }
0x69: {  	_ =	shalt  }
0x6a: {  	_ =	shalt  }
0x6b: {  	_ =	shalt  }
0x6c: {  	_ =	shalt  }
0x6d: {  	_ =	shalt  }
0x6e: {  	_ =	shalt  }
0x6f: {  	_ =	shalt  }
0x70: {  	_ =	shalt  }
0x71: {  	_ =	shalt  }
0x72: {  	_ =	shalt  }
0x73: {  	_ =	shalt  }
0x74: {  	_ =	shalt  }
0x75: {  	_ =	shalt  }
0x76: {  	_ =	shalt  }
0x77: {  	_ =	shalt  }
0x78: {  	_ =	shalt  }
0x79: {  	_ =	shalt  }
0x7a: {  	_ =	shalt  }
0x7b: {  	_ =	shalt  }
0x7c: {  	_ =	shalt  }
0x7d: {  	_ =	shalt  }
0x7e: {  	_ =	shalt  }
0x7f: {  	_ =	shalt  }
0x80: {  	_ =	shalt  }
0x81: {  	_ =	shalt  }
0x82: {  	_ =	shalt  }
0x83: {  	_ =	shalt  }
0x84: {  	_ =	shalt  }
0x85: {  	_ =	shalt  }
0x86: {  	_ =	shalt  }
0x87: {  	_ =	shalt  }
.Lfunc_end0:
.L_simem_size_0:
called_computation_lowered:
.L_overlay_start_0:
0x88: {  	s2 =	sld [smem:$0x3FD9]  }
0x89: {  	s3 =	sld [smem:$0x3FFE];
	_ =	sdelay $0x1  }
0x8a: {  	s1 =	srdreg.scid  }
0x8b: {  	s0 =	sand.u32 $0x1, s1  }
0x8c: {  	s17 =	sshll.u32 s0, $0xA;
	s2 =	sadd.s32 s3, s2  }
0x8d: {  	s2 =	sadd.s32 s2, s17  }
0x8e: {  	[smem:$0x3FBE] =	sst s2  }
0x8f: {  	_ = 	snop  }
0x90: {  	s2 =	sld [smem:$0x3FD0];
	(tm) =	ssettm $0x1  }
0x91: {  	s18 =	sld [smem:$0x3FFB];
	_ =	sdelay $0x3  }
0x92: {  	_ =	strace s18  }
0x93: {  	s3 =	sld [smem:$0x3FFC];
	_ =	sdelay $0x3  }
0x94: {  	_ =	strace s3  }
0x95: {  	s3 =	sld [smem:$0x3FFD];
	_ =	sdelay $0x3  }
0x96: {  	_ =	strace s3  }
0x97: {  	_ =	strace $0x8FFFFFFF  }
0x98: {  	s19 =	sld [smem:$0x3FDB];
	_ =	sdelay $0x1  }
0x99: {  	s4 =	simm.s32 $_scs_section_size  }
0x9a: {  	s5 =	simm.s32 $_size__tile_overlayer_lowered;
	s6 =	simm.s32 $_tile_overlayer_lowered  }
0x9b: {  	s22 =	simm.s32 $0x1BFF;
	s21 =	sshll.u32 s6, $0x1;
	s3 =	sadd.s32 s4, s19  }
0x9c: {  	s7 =	simm.s32 $0x0;
	s20 =	sshll.u32 s5, $0x1;
	s5 =	sadd.s32 s21, s3  }
0x9d: {  	[timem:s7], [sflag:s22] =	dma.local [hbm:s5], s20  }
0x9e: {  	_ =	swait.ge [sflag:s22], s20  }
0x9f: {  	s4 =	ssub.s32 $0x0, s20;
	[sflag:s22] =	ssyncset.done $0x0  }
0xa0: {  	[sflag:s22] =	ssyncadd.s32 s4;
	_ =	sdelay $0x1  }
0xa1: {  	s23 =	simm.s32 $0x1B8B  }
0xa2: {  	_ =	swait.ge [sflag:s23], $0x1  }
0xa3: {  	[sflag:s23] =	ssyncset.done $0x0  }
0xa4: {  	s25 =	simm.s32 $0x1B8E;
	s24 =	sld [smem:$0x3FFE];
	[sflag:s23] =	ssyncadd.s32 $0xFFFFFFFF  }
0xa5: {  	s26 =	simm.s32 $execute0_lowered;
	[smem:$0x3FD2] =	sst s25  }
0xa6: {  	s5 =	sshll.u32 s26, $0x1;
	_ =	strace $0x80000046;
	[dreg:$0x1] =	wrdreg $0xFFFFFFFF  }
0xa7: {  	s28 =	simm.s32 $_size_execute0_lowered;
	s3 =	sadd.s32 s3, s5;
	[dreg:$0x0] =	wrdreg $0x0  }
0xa8: {  	s5 =	sshll.u32 s28, $0x1;
	[dreg:$0x2] =	wrdreg s3  }
0xa9: {  	[dreg:$0x3] =	wrdreg s5  }
0xaa: {  	[dreg:$0x4] =	wrdreg $0xC0  }
0xab: {  	_ =	task [dreg:s7], $0x5FFFF  }
0xac: {  	[dreg:$0x1] =	wrdreg $0xFFFFFFFF  }
0xad: {  	[dreg:$0x0] =	wrdreg $0x60  }
0xae: {  	[dreg:$0x2] =	wrdreg s2  }
0xaf: {  	[dreg:$0x3] =	wrdreg s24  }
0xb0: {  	[dreg:$0x4] =	wrdreg $0x50800  }
0xb1: {  	[dreg:$0x5] =	wrdreg $0x9  }
0xb2: {  	_ =	task.clear_ibuf [dreg:s7], $0x6FFFF;
	_ =	strace $0x90000046  }
0xb3: {  	s29 =	simm.s32 $0x9;
	_ =	strace $0x80000048  }
0xb4: {  	_ =	swait.ge [sflag:s29], $0x1  }
0xb5: {  	[sflag:s29] =	ssyncadd.s32 $0xFFFFFFFF  }
0xb6: {  	_ =	strace $0x90000048  }
0xb7: {  	_ =	sfence  }
0xb8: {  	s30 =	sld [smem:$0x0];
	_ =	sdelay $0x2  }
0xb9: {  	s31 =	sshll.u32 s1, $0xD;
	s1 =	sshrl.u32 s1, $0x2  }
0xba: {  	s3 =	sand.u32 $0x4000, s31;
	s1 =	sadd.s32 s1, s30  }
0xbb: {  	s0 =	sor.u32 s3, s0;
	s1 =	sshll.u32 s1, $0x11  }
0xbc: {  	s0 =	sor.u32 s1, s0  }
0xbd: {  	s0 =	sadd.s32 $0x8F2B, s0  }
0xbe: {  	[sflag:s0] =	ssyncadd.remote.s32 $0x1  }
0xbf: {  	_ =	sfence.sel $0xFFFF  }
0xc0: {  	[dreg:$0x0] =	wrdreg $0xFFFFFFFF;
	(pc) =	sbr.abs _section_cstart, $3  }
0xc1: {  	[dreg:$0x1] =	wrdreg $0xFFFFFFFF  }
0xc2: {  	_ =	task.clear_ibuf [dreg:s7], $0x2FFFF;
	_ =	strace $0x9FFFFFFF  }
0xc3: {  	(tm) =	ssettm $0x7FFFFFFF  }
tec
execute0_lowered:
.L_overlay_start_1:
0x0: {  	(tag) =	ssettag $0x1  }
0x1: {  	s4 =	rddreg [dreg:$0x0]  }
0x2: {  	s5 =	rddreg [dreg:$0x1]  }
0x3: {  	s1 =	rddreg [dreg:$0x2];
	s2 =	srdreg.scid  }
0x4: {  	s0 =	rddreg [dreg:$0x3];
	s7 =	stileid.u32  }
0x5: {  	s11 =	simm.s32 $0x1;
	s12 =	simm.s32 $0x0;
	s6 =	sand.u32 $0x1, s2  }
0x6: {  	s2 =	simm.s32 $0x0;
	s9 =	smul.u32 $0x5000, s7;
	s3 =	sadd.s32 $0x2600, s5  }
0x7: {  	p0 =	sne.s32 s7, $0x0;
	s8 =	smul.u32 $0x50000, s6;
	[smem:$0x7FF] =	sst s2  }
0x8: {  	s10 =	ssub.s32 $0x2, s6;
	s6 =	sshll.u32 s6, $0x4;
	s7 =	sshrl.u32 @!p0 s1, $0x3  }
0x9: {  	_ =	strace $0x80000047;
	s30 =	sshrl.u32 s10, $0x1;
	s5 =	sadd.s32 s6, s5  }
0xa: {  	s8 =	sadd.s32 s9, s8;
	s31 =	ssub.s32 s10, s30;
	s5 =	sadd.s32 $0x2C00, s5  }
0xb: {  	s9 =	simm.s32 $0x7D;
	s10 =	simm.s32 $0x5000;
	s8 =	sshrl.u32 s8, $0x3  }
0xc: {  	v0 =	vimm.f32 $1.000000000e+00;
	s6 =	smax.u32 s31, $0x1;
	s4 =	sadd.s32 s4, s8;
	s8 =	simm.s32 $0x2  }
.LBB2_1:
0xd: {  	s13 =	simm.s32 @!p0 $0x1C02  }
0xe: {  	[spmem:s7], [sflag:s13] =	dma.local @!p0 [hbm:s3], $0x4F0  }
0xf: {  	s13 =	simm.s32 @!p0 $0x2  }
0x10: {  	_ =	swait.ge @!p0 [sflag:s13], $0x4F0  }
0x11: {  	[sflag:s13] =	ssyncset.done @!p0 $0x0  }
0x12: {  	[sflag:s13] =	ssyncadd.s32 @!p0 $0xFFFFFB10  }
0x13: {  	[tilespmem:$0x5000] =	vst v0  }
0x14: {  	[tilespmem:$0x5010] =	vst v0  }
0x15: {  	[tilespmem:$0x5020] =	vst v0  }
0x16: {  	[tilespmem:$0x5030] =	vst v0  }
0x17: {  	[tilespmem:$0x5040] =	vst v0  }
0x18: {  	[tilespmem:$0x5050] =	vst v0  }
0x19: {  	[tilespmem:$0x5060] =	vst v0  }
0x1a: {  	[tilespmem:$0x506D] =	vst v0  }
0x1b: {  	[tilespmem:s2], [sflag:$0x2] =	stream.linear.gather [hbm4b:s4+s2], $0x5000, $0x38;
	[tilespmem:$0x52F8] =	vst v63  }
0x1c: {  	_ =	swait.ge [sflag:s8], $0x5000  }
0x1d: {  	[sflag:s8] =	ssyncset.done $0x0  }
0x1e: {  	[sflag:s8] =	ssyncadd.s32 $0xFFFFB000  }
0x1f: {  	s13 =	simm.s32 $0x0;
	[bflag:$0x0] =	sbarrier.arrive $0xFFFF  }
.LBB2_2:
0x20: {  	p1 =	sne.s32 s13, $0x13E00  }
.Ltmp0:
0x21: {  	_ = 	snop;
	(pc) =	sbr.rel @p1 .LBB2_2-.Ltmp0, $3  }
0x22: {  	_ =	sdelay $0x1  }
0x23: {  	s14 =	sshra.s32 s13, $0x2;
	s13 =	sadd.s32 $0x200, s13  }
0x24: {  	[spmem:s1] =	stream.indirect.scatter.add.f32 [tilespmem:s10], [sflag:$0x1], $0x1, s14, s9, $0xb8;
	[tilespmem:$0x52F8] =	vst v63  }
0x25: {  	_ =	swait.ge [sflag:s11], $0x7D  }
0x26: {  	s13 =	simm.s32 $0x9F;
	[sflag:s11] =	ssyncset.done $0x0  }
.LBB2_4:
0x27: {  	p1 =	sne.s32 s13, $0x1;
	s13 =	sadd.s32 $0xFFFFFFFF, s13;
	[sflag:s11] =	ssyncadd.s32 $0xFFFFFF83  }
.Ltmp1:
0x28: {  	(pc) =	sbr.rel @p1 .LBB2_4-.Ltmp1, $3  }
0x29: {  	_ =	sdelay $0x1  }
0x2a: {  	_ =	swait.ge [sflag:s11], $0x7D  }
0x2b: {  	[sflag:s11] =	ssyncset.done $0x0  }
0x2c: {  	[sflag:s11] =	ssyncadd.s32 $0xFFFFFF83;
	s13 =	simm.s32 @!p0 $0x1  }
0x2d: {  	s14 =	simm.s32 @!p0 $0x20;
	s15 =	simm.s32 @!p0 $0x10;
	s12 =	sadd.s32 $0x1, s12  }
0x2e: {  	s16 =	simm.s32 @!p0 $0x1C02;
	[bflag:$0x0] =	sbarrier.arrive $0xFFFF;
	p1 =	sne.s32 s12, s6  }
0x2f: {  	[hbm:s5@s14], [sflag:s16] =	dma.strided @!p0 [spmem:s7@s15], $0x4F0, s13, $0x10   }
.Ltmp2:
0x30: {  	_ = 	snop;
	(pc) =	sbr.rel @p1 .LBB2_1-.Ltmp2, $4  }
0x31: {  	s13 =	simm.s32 @!p0 $0x2  }
0x32: {  	_ =	swait.ge @!p0 [sflag:s13], $0x4F0  }
0x33: {  	[sflag:s13] =	ssyncset.done @!p0 $0x0  }
0x34: {  	[sflag:s13] =	ssyncadd.s32 @!p0 $0xFFFFFB10  }
0x35: {  	_ =	sfence.sel $0x180000  }
0x36: {  	[bflag:$0x0] =	sbarrier.arrive $0xFFFF  }
0x37: {  	_ =	strace $0x90000047  }
0x38: {  	s0 =	sadd.s32 @!p0 $0x100000, s0;
	[bflag:$0x2] =	sbarrier.arrive $0xFFFF  }
0x39: {  	[sflag:s0] =	ssyncadd.tile.s32 @!p0 $0x1;
	_ =	shalt  }
.Lfunc_end2:
_tile_overlayer_lowered:
.L_overlay_start_2:
0x3a: {  	(tag) =	ssettag $0x2  }
0x3b: {  	s0 =	rddreg [dreg:$0x0];
	s2 =	stileid.u32  }
0x3c: {  	s1 =	rddreg [dreg:$0x1];
	p0 =	sne.s32 s2, $0x0  }
0x3d: {  	s3 =	rddreg [dreg:$0x2];
	[bflag:$0x3] =	sbarrier.arrive $0xFFFF;
	s2 =	simm.s32 @!p0 $0x1C02  }
0x3e: {  	[timem:s3], [sflag:s2] =	dma.local @!p0 [hbm:s0], s1  }
0x3f: {  	s0 =	simm.s32 @!p0 $0x2  }
0x40: {  	_ =	swait.ge @!p0 [sflag:s0], s1  }
0x41: {  	s1 =	ssub.s32 @!p0 $0x0, s1;
	[sflag:s0] =	ssyncset.done @!p0 $0x0  }
0x42: {  	[sflag:s0] =	ssyncadd.s32 @!p0 s1  }
0x43: {  	[bflag:$0x3] =	sbarrier.arrive $0xFFFF  }
0x44: {  	_ =	shalt  }

</sc_bundles>
